<compile_context>
chip_gen: v7x
topology: tpu7x:2x2x1
jax: 0.10.2.dev20260603
libtpu: 0.0.44.dev20260713+nightly
codegen_flags: <defaults>
</compile_context>

<pallas_src>
import functools

import jax
import jax.numpy as jnp
from jax import lax
from jax.experimental import pallas as pl
from jax.experimental.pallas import tpu as pltpu
from jax.experimental.pallas import tpu_sc as plsc

NC, NS = 2, 16
NW = NC * NS
FC = 128
WIN = 40
GW = 1
POOL_B = 64

_MESH = dict(core_axis_name="c", subcore_axis_name="s",
             num_cores=NC, num_subcores=NS)


def _sc_gather(table, idx):
    n, f = table.shape
    e = idx.shape[0]
    per_w = e // NW
    nwin = per_w // WIN

    @functools.partial(
        pl.kernel,
        mesh=plsc.VectorSubcoreMesh(**_MESH),
        out_type=jax.ShapeDtypeStruct((e, f), jnp.float32),
        scratch_types=[
            pltpu.VMEM((per_w,), jnp.int32),
            pltpu.VMEM((5, WIN, f), jnp.float32),
            pltpu.SemaphoreType.DMA,
            pltpu.SemaphoreType.DMA,
        ],
    )
    def k(table_hbm, idx_hbm, out_hbm, idx_v, rows_v, sg, so):
        wid = lax.axis_index("s") * NC + lax.axis_index("c")
        base = pl.multiple_of(wid * per_w, per_w)
        pltpu.sync_copy(idx_hbm.at[pl.ds(base, per_w)], idx_v)

        def g_copy(w, b):
            off = pl.multiple_of(w * WIN, WIN)
            return pltpu.make_async_copy(
                table_hbm.at[idx_v.at[pl.ds(off, WIN)]], rows_v.at[b], sg
            )

        def o_copy(w, b):
            off = pl.multiple_of(base + w * WIN, WIN)
            return pltpu.make_async_copy(
                rows_v.at[b], out_hbm.at[pl.ds(off, WIN)], so
            )

        g_copy(0, 0).start()
        g_copy(1, 1).start()
        g_copy(2, 2).start()

        def body(w, carry):
            b = w % 5
            g_copy(w, b).wait()
            o_copy(w, b).start()

            @pl.when(w >= 2)
            def _():
                o_copy(w - 2, (w - 2) % 5).wait()

            @pl.when(w + 3 < nwin)
            def _():
                g_copy(w + 3, (w + 3) % 5).start()

            return carry

        lax.fori_loop(0, nwin, body, 0)
        o_copy(nwin - 2, (nwin - 2) % 5).wait()
        o_copy(nwin - 1, (nwin - 1) % 5).wait()

    return k(table, idx)


def _sc_scatter_add(m, dst_w, h, np_rows):
    nq, e, _ = m.shape
    n, f = h.shape
    rows_t = np_rows // NS
    rem = n - (NS - 1) * rows_t
    e_t = e // NS
    wins_t = e_t // WIN
    passes = nq // NC

    @functools.partial(
        pl.kernel,
        mesh=plsc.VectorSubcoreMesh(**_MESH),
        out_type=jax.ShapeDtypeStruct((np_rows, nq * FC), jnp.float32),
        scratch_types=[
            pltpu.VMEM((wins_t, WIN), jnp.int32),
            pltpu.VMEM((2, GW * WIN, FC), jnp.float32),
            pltpu.VMEM_SHARED((np_rows, FC), jnp.float32),
            pltpu.SemaphoreType.DMA,
            pltpu.SemaphoreType.DMA,
            pltpu.SemaphoreType.DMA,
            pltpu.SemaphoreType.DMA,
        ],
    )
    def k(m_hbm, dst_hbm, h_hbm, out_hbm, idx_v, mv, acc, sm0, sm1, ss0, ss1):
        cid = lax.axis_index("c")
        sid = lax.axis_index("s")
        row0 = pl.multiple_of(sid * rows_t, rows_t)
        pltpu.sync_copy(dst_hbm.at[sid], idx_v)

        for p in range(passes):
            q = p * NC + cid
            col0 = pl.multiple_of(q * FC, FC)
            @pl.when(sid < NS - 1)
            def _():
                pltpu.sync_copy(
                    h_hbm.at[pl.ds(row0, rows_t), pl.ds(col0, FC)],
                    acc.at[pl.ds(row0, rows_t)],
                )

            @pl.when(sid == NS - 1)
            def _():
                pltpu.sync_copy(
                    h_hbm.at[pl.ds(row0, rem), pl.ds(col0, FC)],
                    acc.at[pl.ds(row0, rem)],
                )

            plsc.subcore_barrier()

            def m_copy(g, b, sem):
                eoff = pl.multiple_of(sid * e_t + g * (GW * WIN), WIN)
                return pltpu.make_async_copy(
                    m_hbm.at[q, pl.ds(eoff, GW * WIN)], mv.at[b], sem
                )

            def s_fire(g, b, sem):
                for j in range(GW):
                    pltpu.async_copy(
                        mv.at[b, pl.ds(j * WIN, WIN)],
                        acc.at[idx_v.at[g * GW + j]],
                        sem,
                        add=True,
                    )

            def s_drain(g, b, sem):
                for j in range(GW):
                    pltpu.make_async_copy(
                        mv.at[b, pl.ds(j * WIN, WIN)],
                        acc.at[idx_v.at[g * GW + j]],
                        sem,
                    ).wait()

            ngroups = wins_t // GW
            m_copy(0, 0, sm0).start()

            def body(i, carry):
                g0 = 2 * i
                m_copy(g0, 0, sm0).wait()
                s_fire(g0, 0, ss0)
                m_copy(g0 + 1, 1, sm1).start()
                s_drain(g0, 0, ss0)

                @pl.when(i < ngroups // 2 - 1)
                def _():
                    m_copy(g0 + 2, 0, sm0).start()

                m_copy(g0 + 1, 1, sm1).wait()
                s_fire(g0 + 1, 1, ss1)
                s_drain(g0 + 1, 1, ss1)
                return carry

            lax.fori_loop(0, ngroups // 2, body, 0)
            plsc.subcore_barrier()
            pltpu.sync_copy(
                acc.at[pl.ds(row0, rows_t)],
                out_hbm.at[pl.ds(row0, rows_t), pl.ds(col0, FC)],
            )
            plsc.subcore_barrier()

    return k(m, dst_w, h)


def _tc_messages(g, ea, we, be):
    e, f = g.shape
    nq = f // FC
    eb = 2000

    def body(g_ref, ea_ref, we_ref, be_ref, m_ref):
        eab = ea_ref[...].astype(jnp.bfloat16).astype(jnp.float32)
        web = we_ref[...].astype(jnp.bfloat16).astype(jnp.float32)
        emb = (
            eab[:, 0:1] * web[0:1, :]
            + eab[:, 1:2] * web[1:2, :]
            + eab[:, 2:3] * web[2:3, :]
        )
        m_ref[0] = jnp.maximum(g_ref[...] + emb + be_ref[...], 0.0)

    return pl.pallas_call(
        body,
        grid=(e // eb, nq),
        in_specs=[
            pl.BlockSpec((eb, FC), lambda i, q: (i, q)),
            pl.BlockSpec((eb, 3), lambda i, q: (i, 0)),
            pl.BlockSpec((3, FC), lambda i, q: (0, q)),
            pl.BlockSpec((1, FC), lambda i, q: (0, q)),
        ],
        out_specs=pl.BlockSpec((1, eb, FC), lambda i, q: (q, i, 0)),
        out_shape=jax.ShapeDtypeStruct((nq, e, FC), jnp.float32),
    )(g, ea, we, be)


def _tc_mlp(z, wa, ba, wb, bb, nb):
    n_rows, f = z.shape
    h = wa.shape[1]
    h2 = wb.shape[1]

    def body(z_ref, wa_ref, ba_ref, wb_ref, bb_ref, h_ref):
        bf = jnp.bfloat16
        t = jnp.dot(z_ref[...].astype(bf), wa_ref[...].astype(bf),
                    preferred_element_type=jnp.float32)
        t = jnp.maximum(t + ba_ref[...], 0.0)
        out = jnp.dot(t.astype(bf), wb_ref[...].astype(bf),
                      preferred_element_type=jnp.float32)
        h_ref[...] = jnp.maximum(out + bb_ref[...], 0.0)

    return pl.pallas_call(
        body,
        grid=(n_rows // nb,),
        in_specs=[
            pl.BlockSpec((nb, f), lambda i: (i, 0)),
            pl.BlockSpec((f, h), lambda i: (0, 0)),
            pl.BlockSpec((1, h), lambda i: (0, 0)),
            pl.BlockSpec((h, h2), lambda i: (0, 0)),
            pl.BlockSpec((1, h2), lambda i: (0, 0)),
        ],
        out_specs=pl.BlockSpec((nb, h2), lambda i: (i, 0)),
        out_shape=jax.ShapeDtypeStruct((n_rows, h2), jnp.float32),
    )(z, wa, ba, wb, bb)


def _tc_pool_classify(h, batch_col, wc, bc):
    n = batch_col.shape[0]
    hh = h.shape[1]
    out_dim = wc.shape[1]
    nb = 1000
    nsteps = n // nb

    def body(h_ref, b_ref, wc_ref, bc_ref, out_ref, acc):
        i = pl.program_id(0)

        @pl.when(i == 0)
        def _():
            acc[...] = jnp.zeros_like(acc)

        ids = b_ref[...]
        onehot = (
            ids == lax.broadcasted_iota(jnp.int32, (nb, POOL_B), 1)
        ).astype(jnp.float32)
        acc[...] += lax.dot_general(
            onehot,
            h_ref[...],
            dimension_numbers=(((0,), (0,)), ((), ())),
            preferred_element_type=jnp.float32,
            precision=lax.Precision.HIGHEST,
        )

        @pl.when(i == nsteps - 1)
        def _():
            pooled = jnp.maximum(acc[...], 0.0)
            logits = (
                jnp.dot(pooled.astype(jnp.bfloat16),
                        wc_ref[...].astype(jnp.bfloat16),
                        preferred_element_type=jnp.float32)
                + bc_ref[...]
            )
            out_ref[...] = 1.0 / (1.0 + jnp.exp(-logits))

    return pl.pallas_call(
        body,
        grid=(nsteps,),
        in_specs=[
            pl.BlockSpec((nb, hh), lambda i: (i, 0)),
            pl.BlockSpec((nb, 1), lambda i: (i, 0)),
            pl.BlockSpec((hh, out_dim), lambda i: (0, 0)),
            pl.BlockSpec((1, out_dim), lambda i: (0, 0)),
        ],
        out_specs=pl.BlockSpec((POOL_B, out_dim), lambda i: (0, 0)),
        out_shape=jax.ShapeDtypeStruct((POOL_B, out_dim), jnp.float32),
        scratch_shapes=[pltpu.VMEM((POOL_B, hh), jnp.float32)],
    )(h, batch_col, wc, bc)


def kernel(x, edge_index, edge_attr, batch, We1, be1, W1a, b1a, W1b, b1b,
           We2, be2, W2a, b2a, W2b, b2b, Wc, bc):
    n, f_in = x.shape
    e = edge_index.shape[1]
    h_dim = W1a.shape[1]
    align = 8 * NS
    np_rows = ((n + align - 1) // align) * align
    src = edge_index[0]
    dst_w = edge_index[1].reshape(NS, e // (NS * WIN), WIN)
    mlp_nb = np_rows // 8

    g1 = _sc_gather(x, src)
    m1 = _tc_messages(g1, edge_attr, We1, be1.reshape(1, f_in))
    z1 = _sc_scatter_add(m1, dst_w, x, np_rows)
    h1 = _tc_mlp(z1, W1a, b1a.reshape(1, h_dim), W1b,
                 b1b.reshape(1, h_dim), mlp_nb)

    g2 = _sc_gather(h1, src)
    m2 = _tc_messages(g2, edge_attr, We2, be2.reshape(1, h_dim))
    z2 = _sc_scatter_add(m2, dst_w, h1, np_rows)
    h2 = _tc_mlp(z2, W2a, b2a.reshape(1, h_dim), W2b,
                 b2b.reshape(1, h_dim), mlp_nb)

    return _tc_pool_classify(h2, batch.reshape(n, 1), Wc, bc.reshape(1, -1))

# --- scband reference (transcript-rebuilt; emitter-appended) ---
"""Pipeline reference for scband-gcn-51969104282243 (READ-ONLY COPY).

The authoritative reference and input builder live on the scoring server;
editing this copy changes nothing except your own understanding.
"""

import jax, jax.numpy as jnp
import numpy as np

N = 10000
E = 160000
IN = 256
H = 512
OUT = 128
B = 64
EDGE_DIM = 3

def _glorot(k, shape):
    lim = float(np.sqrt(6.0 / (shape[0] + shape[1])))
    return jax.random.uniform(k, shape, minval=-lim, maxval=lim, dtype=jnp.float32)

def setup_inputs(seed: int = 0) -> dict:
    key = jax.random.key(seed)
    ks = jax.random.split(key, 16)
    inp = {}
    inp["x"] = jax.random.normal(ks[0], (N, IN), dtype=jnp.float32)
    inp["edge_index"] = jax.random.randint(ks[1], (2, E), 0, N, dtype=jnp.int32)
    inp["edge_attr"] = jax.random.normal(ks[2], (E, EDGE_DIM), dtype=jnp.float32)
    inp["batch"] = jnp.sort(jax.random.randint(ks[3], (N,), 0, B, dtype=jnp.int32))
    # conv1 params: edge embedding (3 -> IN), MLP (IN -> H -> H)
    inp["We1"] = _glorot(ks[4], (EDGE_DIM, IN)); inp["be1"] = jnp.zeros((IN,), jnp.float32)
    inp["W1a"] = _glorot(ks[5], (IN, H)); inp["b1a"] = jnp.zeros((H,), jnp.float32)
    inp["W1b"] = _glorot(ks[6], (H, H)); inp["b1b"] = jnp.zeros((H,), jnp.float32)
    # conv2 params: edge embedding (3 -> H), MLP (H -> H -> H)
    inp["We2"] = _glorot(ks[7], (EDGE_DIM, H)); inp["be2"] = jnp.zeros((H,), jnp.float32)
    inp["W2a"] = _glorot(ks[8], (H, H)); inp["b2a"] = jnp.zeros((H,), jnp.float32)
    inp["W2b"] = _glorot(ks[9], (H, H)); inp["b2b"] = jnp.zeros((H,), jnp.float32)
    # classifier: xavier_normal weight, bias = 0.1
    std = float(np.sqrt(2.0 / (H + OUT)))
    inp["Wc"] = jax.random.normal(ks[10], (H, OUT), dtype=jnp.float32) * std
    inp["bc"] = jnp.full((OUT,), 0.1, dtype=jnp.float32)
    return inp

def reference(x, edge_index, edge_attr, batch, We1, be1, W1a, b1a, W1b, b1b, We2, be2, W2a, b2a, W2b, b2b, Wc, bc):
    src = edge_index[0]
    dst = edge_index[1]
    def gine(h, We, be, Wa, ba, Wb, bb):
        # GINEConv with eps=0: nn(x_i + sum_j relu(x_j + lin_edge(e_ij)))
        e = edge_attr @ We + be
        m = jax.nn.relu(h[src] + e)
        agg = jax.ops.segment_sum(m, dst, num_segments=N)
        z = h + agg
        z = jax.nn.relu(z @ Wa + ba)
        return z @ Wb + bb
    h = jax.nn.relu(gine(x, We1, be1, W1a, b1a, W1b, b1b))
    h = jax.nn.relu(gine(h, We2, be2, W2a, b2a, W2b, b2b))
    pooled = jax.ops.segment_sum(h, batch, num_segments=B)
    pooled = jax.nn.relu(pooled)
    logits = pooled @ Wc + bc
    return jax.nn.sigmoid(logits)

if __name__ == "__main__":
    import jax
    _d = setup_inputs()
    print(jax.jit(kernel)(*tuple(_d.values())))

</pallas_src>

<mosaic_0001>
#map = affine_map<(d0, d1) -> (0, 0)>
#map1 = affine_map<(d0, d1) -> (0)>
module attributes {stable_mosaic.version = 14 : i64} {
  func.func @k(%arg0: i32, %arg1: i32, %arg2: memref<10000x256xf32, #tpu.memory_space<hbm>>, %arg3: memref<160000xi32, #tpu.memory_space<hbm>>, %arg4: memref<160000x256xf32, #tpu.memory_space<hbm>>, %arg5: memref<5000xi32, #tpu.memory_space<vmem>>, %arg6: memref<5x40x256xf32, #tpu.memory_space<vmem>>, %arg7: memref<!tpu.dma_semaphore, #tpu.memory_space<semaphore_mem>>, %arg8: memref<!tpu.dma_semaphore, #tpu.memory_space<semaphore_mem>>) attributes {dimension_semantics = [#tpu.dimension_semantics<core_parallel>, #tpu.dimension_semantics<subcore_parallel>], iteration_bounds = array<i64: 2, 16>, scalar_prefetch = 0 : i64, scratch_operands = 4 : i64, tpu.core_type = #tpu.core_type<sc_vector_subcore>, window_params = [{transform_indices = #map}, {transform_indices = #map1}, {transform_indices = #map}]} {
    %mul3A = arith.constant 2 : i32
    %mul3A_0 = arith.muli %arg1, %mul3A : i32
    %add3A = arith.addi %mul3A_0, %arg0 : i32
    %mul3A_1 = arith.constant 5000 : i32
    %mul3A_2 = arith.muli %add3A, %mul3A_1 : i32
    %multiple_of3A = tpu.assume_multiple %mul3A_2, 5000 : i32
    "tpu.region"() ({
      %run_scoped3A = tpu.sem_alloc : memref<!tpu.dma_semaphore, #tpu.memory_space<semaphore_mem>>
      %dma_start3A_71 = tpu.memref_slice %arg3[%multiple_of3A] : memref<160000xi32, #tpu.memory_space<hbm>> -> memref<5000xi32, #tpu.memory_space<hbm>>
      %dma_start3A_72 = tpu.memref_slice %arg3[%multiple_of3A] : memref<160000xi32, #tpu.memory_space<hbm>> -> memref<5000xi32, #tpu.memory_space<hbm>>
      tpu.enqueue_dma source(%dma_start3A_72 : memref<5000xi32, #tpu.memory_space<hbm>>) target(%arg5 : memref<5000xi32, #tpu.memory_space<vmem>>) target_semaphore(%run_scoped3A : memref<!tpu.dma_semaphore, #tpu.memory_space<semaphore_mem>>)
      %dma_wait3A_73 = tpu.memref_slice %arg3[%multiple_of3A] : memref<160000xi32, #tpu.memory_space<hbm>> -> memref<5000xi32, #tpu.memory_space<hbm>>
      %dma_wait3A_74 = tpu.memref_slice %arg3[%multiple_of3A] : memref<160000xi32, #tpu.memory_space<hbm>> -> memref<5000xi32, #tpu.memory_space<hbm>>
      tpu.wait_dma2 semaphore(%run_scoped3A : memref<!tpu.dma_semaphore, #tpu.memory_space<semaphore_mem>>) src(%dma_wait3A_74 : memref<5000xi32, #tpu.memory_space<hbm>>) dst(%arg5 : memref<5000xi32, #tpu.memory_space<vmem>>)
      tpu.yield
    }) : () -> ()
    %multiple_of3A_3 = arith.constant 0 : i32
    %multiple_of3A_4 = tpu.assume_multiple %multiple_of3A_3, 40 : i32
    %dma_start3A = arith.constant 0 : i32
    %dma_start3A_5 = arith.constant 0 : i32
    %dma_start3A_6 = arith.constant 0 : i32
    %dma_start3A_7 = tpu.memref_slice %arg6[%dma_start3A, %dma_start3A_5, %dma_start3A_6] : memref<5x40x256xf32, #tpu.memory_space<vmem>> -> memref<1x40x256xf32, #tpu.memory_space<vmem>>
    %dma_start3A_8 = tpu.memref_squeeze %dma_start3A_7 : memref<1x40x256xf32, #tpu.memory_space<vmem>> -> memref<40x256xf32, #tpu.memory_space<vmem>>
    %dma_start3A_9 = tpu.memref_slice %arg5[%multiple_of3A_4] : memref<5000xi32, #tpu.memory_space<vmem>> -> memref<40xi32, #tpu.memory_space<vmem>>
    %dma_start3A_10 = arith.constant 0 : i32
    %dma_start3A_11 = arith.constant 0 : i32
    %dma_start3A_12 = tpu.memref_slice %arg2[%dma_start3A_10, %dma_start3A_11] : memref<10000x256xf32, #tpu.memory_space<hbm>> -> memref<10000x256xf32, #tpu.memory_space<hbm>>
    tpu.enqueue_indirect_dma source(%dma_start3A_12 : memref<10000x256xf32, #tpu.memory_space<hbm>>) target(%dma_start3A_8 : memref<40x256xf32, #tpu.memory_space<vmem>>) offsets(%dma_start3A_9 : memref<40xi32, #tpu.memory_space<vmem>>) semaphore(%arg7 : memref<!tpu.dma_semaphore, #tpu.memory_space<semaphore_mem>>)
    %multiple_of3A_13 = arith.constant 40 : i32
    %multiple_of3A_14 = tpu.assume_multiple %multiple_of3A_13, 40 : i32
    %dma_start3A_15 = arith.constant 1 : i32
    %dma_start3A_16 = arith.constant 0 : i32
    %dma_start3A_17 = arith.constant 0 : i32
    %dma_start3A_18 = tpu.memref_slice %arg6[%dma_start3A_15, %dma_start3A_16, %dma_start3A_17] : memref<5x40x256xf32, #tpu.memory_space<vmem>> -> memref<1x40x256xf32, #tpu.memory_space<vmem>>
    %dma_start3A_19 = tpu.memref_squeeze %dma_start3A_18 : memref<1x40x256xf32, #tpu.memory_space<vmem>> -> memref<40x256xf32, #tpu.memory_space<vmem>>
    %dma_start3A_20 = tpu.memref_slice %arg5[%multiple_of3A_14] : memref<5000xi32, #tpu.memory_space<vmem>> -> memref<40xi32, #tpu.memory_space<vmem>>
    %dma_start3A_21 = arith.constant 0 : i32
    %dma_start3A_22 = arith.constant 0 : i32
    %dma_start3A_23 = tpu.memref_slice %arg2[%dma_start3A_21, %dma_start3A_22] : memref<10000x256xf32, #tpu.memory_space<hbm>> -> memref<10000x256xf32, #tpu.memory_space<hbm>>
    tpu.enqueue_indirect_dma source(%dma_start3A_23 : memref<10000x256xf32, #tpu.memory_space<hbm>>) target(%dma_start3A_19 : memref<40x256xf32, #tpu.memory_space<vmem>>) offsets(%dma_start3A_20 : memref<40xi32, #tpu.memory_space<vmem>>) semaphore(%arg7 : memref<!tpu.dma_semaphore, #tpu.memory_space<semaphore_mem>>)
    %multiple_of3A_24 = arith.constant 80 : i32
    %multiple_of3A_25 = tpu.assume_multiple %multiple_of3A_24, 40 : i32
    %dma_start3A_26 = arith.constant 2 : i32
    %dma_start3A_27 = arith.constant 0 : i32
    %dma_start3A_28 = arith.constant 0 : i32
    %dma_start3A_29 = tpu.memref_slice %arg6[%dma_start3A_26, %dma_start3A_27, %dma_start3A_28] : memref<5x40x256xf32, #tpu.memory_space<vmem>> -> memref<1x40x256xf32, #tpu.memory_space<vmem>>
    %dma_start3A_30 = tpu.memref_squeeze %dma_start3A_29 : memref<1x40x256xf32, #tpu.memory_space<vmem>> -> memref<40x256xf32, #tpu.memory_space<vmem>>
    %dma_start3A_31 = tpu.memref_slice %arg5[%multiple_of3A_25] : memref<5000xi32, #tpu.memory_space<vmem>> -> memref<40xi32, #tpu.memory_space<vmem>>
    %dma_start3A_32 = arith.constant 0 : i32
    %dma_start3A_33 = arith.constant 0 : i32
    %dma_start3A_34 = tpu.memref_slice %arg2[%dma_start3A_32, %dma_start3A_33] : memref<10000x256xf32, #tpu.memory_space<hbm>> -> memref<10000x256xf32, #tpu.memory_space<hbm>>
    tpu.enqueue_indirect_dma source(%dma_start3A_34 : memref<10000x256xf32, #tpu.memory_space<hbm>>) target(%dma_start3A_30 : memref<40x256xf32, #tpu.memory_space<vmem>>) offsets(%dma_start3A_31 : memref<40xi32, #tpu.memory_space<vmem>>) semaphore(%arg7 : memref<!tpu.dma_semaphore, #tpu.memory_space<semaphore_mem>>)
    %scan3A = arith.constant 0 : i32
    %scan3A_35 = arith.constant 0 : i32
    %scan3A_36 = arith.constant 125 : i32
    %scan3A_37 = arith.addi %scan3A_35, %scan3A_36 : i32
    %scan3A_38 = arith.constant 1 : i32
    scf.for %scan3A_71 = %scan3A_35 to %scan3A_37 step %scan3A_38  : i32 {
      %jit3A = arith.constant 5 : i32
      %eq3A = arith.constant 0 : i32
      %eq3A_72 = arith.cmpi eq, %jit3A, %eq3A : i32
      %jit3A_73 = arith.constant 1 : i32
      %select_n3A = arith.select %eq3A_72, %jit3A_73, %jit3A : i32
      %rem3A = arith.remsi %scan3A_71, %select_n3A : i32
      %ne3A = arith.constant 0 : i32
      %ne3A_74 = arith.cmpi ne, %rem3A, %ne3A : i32
      %lt3A = arith.constant 0 : i32
      %lt3A_75 = arith.cmpi slt, %rem3A, %lt3A : i32
      %lt3A_76 = arith.constant 0 : i32
      %lt3A_77 = arith.cmpi slt, %select_n3A, %lt3A_76 : i32
      %ne3A_78 = arith.xori %lt3A_75, %lt3A_77 : i1
      %and3A = arith.andi %ne3A_78, %ne3A_74 : i1
      %add3A_79 = arith.addi %rem3A, %select_n3A : i32
      %select_n3A_80 = arith.select %and3A, %add3A_79, %rem3A : i32
      %mul3A_81 = arith.constant 40 : i32
      %mul3A_82 = arith.muli %scan3A_71, %mul3A_81 : i32
      %multiple_of3A_83 = tpu.assume_multiple %mul3A_82, 40 : i32
      %dma_wait3A_84 = arith.constant 0 : i32
      %dma_wait3A_85 = arith.constant 0 : i32
      %dma_wait3A_86 = tpu.memref_slice %arg6[%select_n3A_80, %dma_wait3A_84, %dma_wait3A_85] : memref<5x40x256xf32, #tpu.memory_space<vmem>> -> memref<1x40x256xf32, #tpu.memory_space<vmem>>
      %dma_wait3A_87 = tpu.memref_squeeze %dma_wait3A_86 : memref<1x40x256xf32, #tpu.memory_space<vmem>> -> memref<40x256xf32, #tpu.memory_space<vmem>>
      %dma_wait3A_88 = tpu.memref_slice %arg5[%multiple_of3A_83] : memref<5000xi32, #tpu.memory_space<vmem>> -> memref<40xi32, #tpu.memory_space<vmem>>
      %dma_wait3A_89 = arith.constant 0 : i32
      %dma_wait3A_90 = arith.constant 0 : i32
      %dma_wait3A_91 = tpu.memref_slice %arg2[%dma_wait3A_89, %dma_wait3A_90] : memref<10000x256xf32, #tpu.memory_space<hbm>> -> memref<10000x256xf32, #tpu.memory_space<hbm>>
      tpu.wait_indirect_dma semaphore(%arg7 : memref<!tpu.dma_semaphore, #tpu.memory_space<semaphore_mem>>) src(%dma_wait3A_91 : memref<10000x256xf32, #tpu.memory_space<hbm>>) dst(%dma_wait3A_87 : memref<40x256xf32, #tpu.memory_space<vmem>>)
      %mul3A_92 = arith.constant 40 : i32
      %mul3A_93 = arith.muli %scan3A_71, %mul3A_92 : i32
      %add3A_94 = arith.addi %multiple_of3A, %mul3A_93 : i32
      %multiple_of3A_95 = tpu.assume_multiple %add3A_94, 40 : i32
      %dma_start3A_96 = arith.constant 0 : i32
      %dma_start3A_97 = arith.constant 0 : i32
      %dma_start3A_98 = tpu.memref_slice %arg6[%select_n3A_80, %dma_start3A_96, %dma_start3A_97] : memref<5x40x256xf32, #tpu.memory_space<vmem>> -> memref<1x40x256xf32, #tpu.memory_space<vmem>>
      %dma_start3A_99 = tpu.memref_squeeze %dma_start3A_98 : memref<1x40x256xf32, #tpu.memory_space<vmem>> -> memref<40x256xf32, #tpu.memory_space<vmem>>
      %dma_start3A_100 = arith.constant 0 : i32
      %dma_start3A_101 = tpu.memref_slice %arg4[%multiple_of3A_95, %dma_start3A_100] : memref<160000x256xf32, #tpu.memory_space<hbm>> -> memref<40x256xf32, #tpu.memory_space<hbm>>
      %dma_start3A_102 = arith.constant 0 : i32
      %dma_start3A_103 = tpu.memref_slice %arg4[%multiple_of3A_95, %dma_start3A_102] : memref<160000x256xf32, #tpu.memory_space<hbm>> -> memref<40x256xf32, #tpu.memory_space<hbm>>
      %dma_start3A_104 = arith.constant 0 : i32
      %dma_start3A_105 = arith.constant 0 : i32
      %dma_start3A_106 = tpu.memref_slice %arg6[%select_n3A_80, %dma_start3A_104, %dma_start3A_105] : memref<5x40x256xf32, #tpu.memory_space<vmem>> -> memref<1x40x256xf32, #tpu.memory_space<vmem>>
      %dma_start3A_107 = tpu.memref_squeeze %dma_start3A_106 : memref<1x40x256xf32, #tpu.memory_space<vmem>> -> memref<40x256xf32, #tpu.memory_space<vmem>>
      tpu.enqueue_dma source(%dma_start3A_107 : memref<40x256xf32, #tpu.memory_space<vmem>>) target(%dma_start3A_103 : memref<40x256xf32, #tpu.memory_space<hbm>>) target_semaphore(%arg8 : memref<!tpu.dma_semaphore, #tpu.memory_space<semaphore_mem>>)
      %ge3A = arith.constant 2 : i32
      %ge3A_108 = arith.cmpi sge, %scan3A_71, %ge3A : i32
      %convert_element_type3A = arith.extui %ge3A_108 : i1 to i32
      %cond3A = arith.constant 0 : i32
      %cond3A_109 = arith.cmpi ne, %convert_element_type3A, %cond3A : i32
      scf.if %cond3A_109 {
        %sub3A = arith.constant 2 : i32
        %sub3A_117 = arith.subi %scan3A_71, %sub3A : i32
        %sub3A_118 = arith.constant 2 : i32
        %sub3A_119 = arith.subi %scan3A_71, %sub3A_118 : i32
        %jit3A_120 = arith.constant 5 : i32
        %eq3A_121 = arith.constant 0 : i32
        %eq3A_122 = arith.cmpi eq, %jit3A_120, %eq3A_121 : i32
        %jit3A_123 = arith.constant 1 : i32
        %select_n3A_124 = arith.select %eq3A_122, %jit3A_123, %jit3A_120 : i32
        %rem3A_125 = arith.remsi %sub3A_119, %select_n3A_124 : i32
        %ne3A_126 = arith.constant 0 : i32
        %ne3A_127 = arith.cmpi ne, %rem3A_125, %ne3A_126 : i32
        %lt3A_128 = arith.constant 0 : i32
        %lt3A_129 = arith.cmpi slt, %rem3A_125, %lt3A_128 : i32
        %lt3A_130 = arith.constant 0 : i32
        %lt3A_131 = arith.cmpi slt, %select_n3A_124, %lt3A_130 : i32
        %ne3A_132 = arith.xori %lt3A_129, %lt3A_131 : i1
        %and3A_133 = arith.andi %ne3A_132, %ne3A_127 : i1
        %add3A_134 = arith.addi %rem3A_125, %select_n3A_124 : i32
        %select_n3A_135 = arith.select %and3A_133, %add3A_134, %rem3A_125 : i32
        %mul3A_136 = arith.constant 40 : i32
        %mul3A_137 = arith.muli %sub3A_117, %mul3A_136 : i32
        %add3A_138 = arith.addi %multiple_of3A, %mul3A_137 : i32
        %multiple_of3A_139 = tpu.assume_multiple %add3A_138, 40 : i32
        %dma_wait3A_140 = arith.constant 0 : i32
        %dma_wait3A_141 = arith.constant 0 : i32
        %dma_wait3A_142 = tpu.memref_slice %arg6[%select_n3A_135, %dma_wait3A_140, %dma_wait3A_141] : memref<5x40x256xf32, #tpu.memory_space<vmem>> -> memref<1x40x256xf32, #tpu.memory_space<vmem>>
        %dma_wait3A_143 = tpu.memref_squeeze %dma_wait3A_142 : memref<1x40x256xf32, #tpu.memory_space<vmem>> -> memref<40x256xf32, #tpu.memory_space<vmem>>
        %dma_wait3A_144 = arith.constant 0 : i32
        %dma_wait3A_145 = tpu.memref_slice %arg4[%multiple_of3A_139, %dma_wait3A_144] : memref<160000x256xf32, #tpu.memory_space<hbm>> -> memref<40x256xf32, #tpu.memory_space<hbm>>
        %dma_wait3A_146 = arith.constant 0 : i32
        %dma_wait3A_147 = tpu.memref_slice %arg4[%multiple_of3A_139, %dma_wait3A_146] : memref<160000x256xf32, #tpu.memory_space<hbm>> -> memref<40x256xf32, #tpu.memory_space<hbm>>
        %dma_wait3A_148 = arith.constant 0 : i32
        %dma_wait3A_149 = arith.constant 0 : i32
        %dma_wait3A_150 = tpu.memref_slice %arg6[%select_n3A_135, %dma_wait3A_148, %dma_wait3A_149] : memref<5x40x256xf32, #tpu.memory_space<vmem>> -> memref<1x40x256xf32, #tpu.memory_space<vmem>>
        %dma_wait3A_151 = tpu.memref_squeeze %dma_wait3A_150 : memref<1x40x256xf32, #tpu.memory_space<vmem>> -> memref<40x256xf32, #tpu.memory_space<vmem>>
        tpu.wait_dma2 semaphore(%arg8 : memref<!tpu.dma_semaphore, #tpu.memory_space<semaphore_mem>>) src(%dma_wait3A_151 : memref<40x256xf32, #tpu.memory_space<vmem>>) dst(%dma_wait3A_147 : memref<40x256xf32, #tpu.memory_space<hbm>>)
      } else {
      }
      %add3A_110 = arith.constant 3 : i32
      %add3A_111 = arith.addi %scan3A_71, %add3A_110 : i32
      %lt3A_112 = arith.constant 125 : i32
      %lt3A_113 = arith.cmpi slt, %add3A_111, %lt3A_112 : i32
      %convert_element_type3A_114 = arith.extui %lt3A_113 : i1 to i32
      %cond3A_115 = arith.constant 0 : i32
      %cond3A_116 = arith.cmpi ne, %convert_element_type3A_114, %cond3A_115 : i32
      scf.if %cond3A_116 {
        %add3A_117 = arith.constant 3 : i32
        %add3A_118 = arith.addi %scan3A_71, %add3A_117 : i32
        %add3A_119 = arith.constant 3 : i32
        %add3A_120 = arith.addi %scan3A_71, %add3A_119 : i32
        %jit3A_121 = arith.constant 5 : i32
        %eq3A_122 = arith.constant 0 : i32
        %eq3A_123 = arith.cmpi eq, %jit3A_121, %eq3A_122 : i32
        %jit3A_124 = arith.constant 1 : i32
        %select_n3A_125 = arith.select %eq3A_123, %jit3A_124, %jit3A_121 : i32
        %rem3A_126 = arith.remsi %add3A_120, %select_n3A_125 : i32
        %ne3A_127 = arith.constant 0 : i32
        %ne3A_128 = arith.cmpi ne, %rem3A_126, %ne3A_127 : i32
        %lt3A_129 = arith.constant 0 : i32
        %lt3A_130 = arith.cmpi slt, %rem3A_126, %lt3A_129 : i32
        %lt3A_131 = arith.constant 0 : i32
        %lt3A_132 = arith.cmpi slt, %select_n3A_125, %lt3A_131 : i32
        %ne3A_133 = arith.xori %lt3A_130, %lt3A_132 : i1
        %and3A_134 = arith.andi %ne3A_133, %ne3A_128 : i1
        %add3A_135 = arith.addi %rem3A_126, %select_n3A_125 : i32
        %select_n3A_136 = arith.select %and3A_134, %add3A_135, %rem3A_126 : i32
        %mul3A_137 = arith.constant 40 : i32
        %mul3A_138 = arith.muli %add3A_118, %mul3A_137 : i32
        %multiple_of3A_139 = tpu.assume_multiple %mul3A_138, 40 : i32
        %dma_start3A_140 = arith.constant 0 : i32
        %dma_start3A_141 = arith.constant 0 : i32
        %dma_start3A_142 = tpu.memref_slice %arg6[%select_n3A_136, %dma_start3A_140, %dma_start3A_141] : memref<5x40x256xf32, #tpu.memory_space<vmem>> -> memref<1x40x256xf32, #tpu.memory_space<vmem>>
        %dma_start3A_143 = tpu.memref_squeeze %dma_start3A_142 : memref<1x40x256xf32, #tpu.memory_space<vmem>> -> memref<40x256xf32, #tpu.memory_space<vmem>>
        %dma_start3A_144 = tpu.memref_slice %arg5[%multiple_of3A_139] : memref<5000xi32, #tpu.memory_space<vmem>> -> memref<40xi32, #tpu.memory_space<vmem>>
        %dma_start3A_145 = arith.constant 0 : i32
        %dma_start3A_146 = arith.constant 0 : i32
        %dma_start3A_147 = tpu.memref_slice %arg2[%dma_start3A_145, %dma_start3A_146] : memref<10000x256xf32, #tpu.memory_space<hbm>> -> memref<10000x256xf32, #tpu.memory_space<hbm>>
        tpu.enqueue_indirect_dma source(%dma_start3A_147 : memref<10000x256xf32, #tpu.memory_space<hbm>>) target(%dma_start3A_143 : memref<40x256xf32, #tpu.memory_space<vmem>>) offsets(%dma_start3A_144 : memref<40xi32, #tpu.memory_space<vmem>>) semaphore(%arg7 : memref<!tpu.dma_semaphore, #tpu.memory_space<semaphore_mem>>)
      } else {
      }
    }
    %scan3A_39 = arith.constant 125 : i32
    %add3A_40 = arith.constant 4920 : i32
    %add3A_41 = arith.addi %multiple_of3A, %add3A_40 : i32
    %multiple_of3A_42 = tpu.assume_multiple %add3A_41, 40 : i32
    %dma_wait3A = arith.constant 3 : i32
    %dma_wait3A_43 = arith.constant 0 : i32
    %dma_wait3A_44 = arith.constant 0 : i32
    %dma_wait3A_45 = tpu.memref_slice %arg6[%dma_wait3A, %dma_wait3A_43, %dma_wait3A_44] : memref<5x40x256xf32, #tpu.memory_space<vmem>> -> memref<1x40x256xf32, #tpu.memory_space<vmem>>
    %dma_wait3A_46 = tpu.memref_squeeze %dma_wait3A_45 : memref<1x40x256xf32, #tpu.memory_space<vmem>> -> memref<40x256xf32, #tpu.memory_space<vmem>>
    %dma_wait3A_47 = arith.constant 0 : i32
    %dma_wait3A_48 = tpu.memref_slice %arg4[%multiple_of3A_42, %dma_wait3A_47] : memref<160000x256xf32, #tpu.memory_space<hbm>> -> memref<40x256xf32, #tpu.memory_space<hbm>>
    %dma_wait3A_49 = arith.constant 0 : i32
    %dma_wait3A_50 = tpu.memref_slice %arg4[%multiple_of3A_42, %dma_wait3A_49] : memref<160000x256xf32, #tpu.memory_space<hbm>> -> memref<40x256xf32, #tpu.memory_space<hbm>>
    %dma_wait3A_51 = arith.constant 0 : i32
    %dma_wait3A_52 = arith.constant 0 : i32
    %dma_wait3A_53 = tpu.memref_slice %arg6[%dma_wait3A, %dma_wait3A_51, %dma_wait3A_52] : memref<5x40x256xf32, #tpu.memory_space<vmem>> -> memref<1x40x256xf32, #tpu.memory_space<vmem>>
    %dma_wait3A_54 = tpu.memref_squeeze %dma_wait3A_53 : memref<1x40x256xf32, #tpu.memory_space<vmem>> -> memref<40x256xf32, #tpu.memory_space<vmem>>
    tpu.wait_dma2 semaphore(%arg8 : memref<!tpu.dma_semaphore, #tpu.memory_space<semaphore_mem>>) src(%dma_wait3A_54 : memref<40x256xf32, #tpu.memory_space<vmem>>) dst(%dma_wait3A_50 : memref<40x256xf32, #tpu.memory_space<hbm>>)
    %add3A_55 = arith.constant 4960 : i32
    %add3A_56 = arith.addi %multiple_of3A, %add3A_55 : i32
    %multiple_of3A_57 = tpu.assume_multiple %add3A_56, 40 : i32
    %dma_wait3A_58 = arith.constant 4 : i32
    %dma_wait3A_59 = arith.constant 0 : i32
    %dma_wait3A_60 = arith.constant 0 : i32
    %dma_wait3A_61 = tpu.memref_slice %arg6[%dma_wait3A_58, %dma_wait3A_59, %dma_wait3A_60] : memref<5x40x256xf32, #tpu.memory_space<vmem>> -> memref<1x40x256xf32, #tpu.memory_space<vmem>>
    %dma_wait3A_62 = tpu.memref_squeeze %dma_wait3A_61 : memref<1x40x256xf32, #tpu.memory_space<vmem>> -> memref<40x256xf32, #tpu.memory_space<vmem>>
    %dma_wait3A_63 = arith.constant 0 : i32
    %dma_wait3A_64 = tpu.memref_slice %arg4[%multiple_of3A_57, %dma_wait3A_63] : memref<160000x256xf32, #tpu.memory_space<hbm>> -> memref<40x256xf32, #tpu.memory_space<hbm>>
    %dma_wait3A_65 = arith.constant 0 : i32
    %dma_wait3A_66 = tpu.memref_slice %arg4[%multiple_of3A_57, %dma_wait3A_65] : memref<160000x256xf32, #tpu.memory_space<hbm>> -> memref<40x256xf32, #tpu.memory_space<hbm>>
    %dma_wait3A_67 = arith.constant 0 : i32
    %dma_wait3A_68 = arith.constant 0 : i32
    %dma_wait3A_69 = tpu.memref_slice %arg6[%dma_wait3A_58, %dma_wait3A_67, %dma_wait3A_68] : memref<5x40x256xf32, #tpu.memory_space<vmem>> -> memref<1x40x256xf32, #tpu.memory_space<vmem>>
    %dma_wait3A_70 = tpu.memref_squeeze %dma_wait3A_69 : memref<1x40x256xf32, #tpu.memory_space<vmem>> -> memref<40x256xf32, #tpu.memory_space<vmem>>
    tpu.wait_dma2 semaphore(%arg8 : memref<!tpu.dma_semaphore, #tpu.memory_space<semaphore_mem>>) src(%dma_wait3A_70 : memref<40x256xf32, #tpu.memory_space<vmem>>) dst(%dma_wait3A_66 : memref<40x256xf32, #tpu.memory_space<hbm>>)
    return
  }
}

#map = affine_map<(d0, d1) -> (0, 0)>
#map1 = affine_map<(d0, d1) -> (0)>
module attributes {stable_mosaic.version = 14 : i64} {
  func.func @k(%arg0: i32, %arg1: i32, %arg2: memref<10112x512xf32, #tpu.memory_space<hbm>>, %arg3: memref<160000xi32, #tpu.memory_space<hbm>>, %arg4: memref<160000x512xf32, #tpu.memory_space<hbm>>, %arg5: memref<5000xi32, #tpu.memory_space<vmem>>, %arg6: memref<5x40x512xf32, #tpu.memory_space<vmem>>, %arg7: memref<!tpu.dma_semaphore, #tpu.memory_space<semaphore_mem>>, %arg8: memref<!tpu.dma_semaphore, #tpu.memory_space<semaphore_mem>>) attributes {dimension_semantics = [#tpu.dimension_semantics<core_parallel>, #tpu.dimension_semantics<subcore_parallel>], iteration_bounds = array<i64: 2, 16>, scalar_prefetch = 0 : i64, scratch_operands = 4 : i64, tpu.core_type = #tpu.core_type<sc_vector_subcore>, window_params = [{transform_indices = #map}, {transform_indices = #map1}, {transform_indices = #map}]} {
    %mul3A = arith.constant 2 : i32
    %mul3A_0 = arith.muli %arg1, %mul3A : i32
    %add3A = arith.addi %mul3A_0, %arg0 : i32
    %mul3A_1 = arith.constant 5000 : i32
    %mul3A_2 = arith.muli %add3A, %mul3A_1 : i32
    %multiple_of3A = tpu.assume_multiple %mul3A_2, 5000 : i32
    "tpu.region"() ({
      %run_scoped3A = tpu.sem_alloc : memref<!tpu.dma_semaphore, #tpu.memory_space<semaphore_mem>>
      %dma_start3A_71 = tpu.memref_slice %arg3[%multiple_of3A] : memref<160000xi32, #tpu.memory_space<hbm>> -> memref<5000xi32, #tpu.memory_space<hbm>>
      %dma_start3A_72 = tpu.memref_slice %arg3[%multiple_of3A] : memref<160000xi32, #tpu.memory_space<hbm>> -> memref<5000xi32, #tpu.memory_space<hbm>>
      tpu.enqueue_dma source(%dma_start3A_72 : memref<5000xi32, #tpu.memory_space<hbm>>) target(%arg5 : memref<5000xi32, #tpu.memory_space<vmem>>) target_semaphore(%run_scoped3A : memref<!tpu.dma_semaphore, #tpu.memory_space<semaphore_mem>>)
      %dma_wait3A_73 = tpu.memref_slice %arg3[%multiple_of3A] : memref<160000xi32, #tpu.memory_space<hbm>> -> memref<5000xi32, #tpu.memory_space<hbm>>
      %dma_wait3A_74 = tpu.memref_slice %arg3[%multiple_of3A] : memref<160000xi32, #tpu.memory_space<hbm>> -> memref<5000xi32, #tpu.memory_space<hbm>>
      tpu.wait_dma2 semaphore(%run_scoped3A : memref<!tpu.dma_semaphore, #tpu.memory_space<semaphore_mem>>) src(%dma_wait3A_74 : memref<5000xi32, #tpu.memory_space<hbm>>) dst(%arg5 : memref<5000xi32, #tpu.memory_space<vmem>>)
      tpu.yield
    }) : () -> ()
    %multiple_of3A_3 = arith.constant 0 : i32
    %multiple_of3A_4 = tpu.assume_multiple %multiple_of3A_3, 40 : i32
    %dma_start3A = arith.constant 0 : i32
    %dma_start3A_5 = arith.constant 0 : i32
    %dma_start3A_6 = arith.constant 0 : i32
    %dma_start3A_7 = tpu.memref_slice %arg6[%dma_start3A, %dma_start3A_5, %dma_start3A_6] : memref<5x40x512xf32, #tpu.memory_space<vmem>> -> memref<1x40x512xf32, #tpu.memory_space<vmem>>
    %dma_start3A_8 = tpu.memref_squeeze %dma_start3A_7 : memref<1x40x512xf32, #tpu.memory_space<vmem>> -> memref<40x512xf32, #tpu.memory_space<vmem>>
    %dma_start3A_9 = tpu.memref_slice %arg5[%multiple_of3A_4] : memref<5000xi32, #tpu.memory_space<vmem>> -> memref<40xi32, #tpu.memory_space<vmem>>
    %dma_start3A_10 = arith.constant 0 : i32
    %dma_start3A_11 = arith.constant 0 : i32
    %dma_start3A_12 = tpu.memref_slice %arg2[%dma_start3A_10, %dma_start3A_11] : memref<10112x512xf32, #tpu.memory_space<hbm>> -> memref<10112x512xf32, #tpu.memory_space<hbm>>
    tpu.enqueue_indirect_dma source(%dma_start3A_12 : memref<10112x512xf32, #tpu.memory_space<hbm>>) target(%dma_start3A_8 : memref<40x512xf32, #tpu.memory_space<vmem>>) offsets(%dma_start3A_9 : memref<40xi32, #tpu.memory_space<vmem>>) semaphore(%arg7 : memref<!tpu.dma_semaphore, #tpu.memory_space<semaphore_mem>>)
    %multiple_of3A_13 = arith.constant 40 : i32
    %multiple_of3A_14 = tpu.assume_multiple %multiple_of3A_13, 40 : i32
    %dma_start3A_15 = arith.constant 1 : i32
    %dma_start3A_16 = arith.constant 0 : i32
    %dma_start3A_17 = arith.constant 0 : i32
    %dma_start3A_18 = tpu.memref_slice %arg6[%dma_start3A_15, %dma_start3A_16, %dma_start3A_17] : memref<5x40x512xf32, #tpu.memory_space<vmem>> -> memref<1x40x512xf32, #tpu.memory_space<vmem>>
    %dma_start3A_19 = tpu.memref_squeeze %dma_start3A_18 : memref<1x40x512xf32, #tpu.memory_space<vmem>> -> memref<40x512xf32, #tpu.memory_space<vmem>>
    %dma_start3A_20 = tpu.memref_slice %arg5[%multiple_of3A_14] : memref<5000xi32, #tpu.memory_space<vmem>> -> memref<40xi32, #tpu.memory_space<vmem>>
    %dma_start3A_21 = arith.constant 0 : i32
    %dma_start3A_22 = arith.constant 0 : i32
    %dma_start3A_23 = tpu.memref_slice %arg2[%dma_start3A_21, %dma_start3A_22] : memref<10112x512xf32, #tpu.memory_space<hbm>> -> memref<10112x512xf32, #tpu.memory_space<hbm>>
    tpu.enqueue_indirect_dma source(%dma_start3A_23 : memref<10112x512xf32, #tpu.memory_space<hbm>>) target(%dma_start3A_19 : memref<40x512xf32, #tpu.memory_space<vmem>>) offsets(%dma_start3A_20 : memref<40xi32, #tpu.memory_space<vmem>>) semaphore(%arg7 : memref<!tpu.dma_semaphore, #tpu.memory_space<semaphore_mem>>)
    %multiple_of3A_24 = arith.constant 80 : i32
    %multiple_of3A_25 = tpu.assume_multiple %multiple_of3A_24, 40 : i32
    %dma_start3A_26 = arith.constant 2 : i32
    %dma_start3A_27 = arith.constant 0 : i32
    %dma_start3A_28 = arith.constant 0 : i32
    %dma_start3A_29 = tpu.memref_slice %arg6[%dma_start3A_26, %dma_start3A_27, %dma_start3A_28] : memref<5x40x512xf32, #tpu.memory_space<vmem>> -> memref<1x40x512xf32, #tpu.memory_space<vmem>>
    %dma_start3A_30 = tpu.memref_squeeze %dma_start3A_29 : memref<1x40x512xf32, #tpu.memory_space<vmem>> -> memref<40x512xf32, #tpu.memory_space<vmem>>
    %dma_start3A_31 = tpu.memref_slice %arg5[%multiple_of3A_25] : memref<5000xi32, #tpu.memory_space<vmem>> -> memref<40xi32, #tpu.memory_space<vmem>>
    %dma_start3A_32 = arith.constant 0 : i32
    %dma_start3A_33 = arith.constant 0 : i32
    %dma_start3A_34 = tpu.memref_slice %arg2[%dma_start3A_32, %dma_start3A_33] : memref<10112x512xf32, #tpu.memory_space<hbm>> -> memref<10112x512xf32, #tpu.memory_space<hbm>>
    tpu.enqueue_indirect_dma source(%dma_start3A_34 : memref<10112x512xf32, #tpu.memory_space<hbm>>) target(%dma_start3A_30 : memref<40x512xf32, #tpu.memory_space<vmem>>) offsets(%dma_start3A_31 : memref<40xi32, #tpu.memory_space<vmem>>) semaphore(%arg7 : memref<!tpu.dma_semaphore, #tpu.memory_space<semaphore_mem>>)
    %scan3A = arith.constant 0 : i32
    %scan3A_35 = arith.constant 0 : i32
    %scan3A_36 = arith.constant 125 : i32
    %scan3A_37 = arith.addi %scan3A_35, %scan3A_36 : i32
    %scan3A_38 = arith.constant 1 : i32
    scf.for %scan3A_71 = %scan3A_35 to %scan3A_37 step %scan3A_38  : i32 {
      %jit3A = arith.constant 5 : i32
      %eq3A = arith.constant 0 : i32
      %eq3A_72 = arith.cmpi eq, %jit3A, %eq3A : i32
      %jit3A_73 = arith.constant 1 : i32
      %select_n3A = arith.select %eq3A_72, %jit3A_73, %jit3A : i32
      %rem3A = arith.remsi %scan3A_71, %select_n3A : i32
      %ne3A = arith.constant 0 : i32
      %ne3A_74 = arith.cmpi ne, %rem3A, %ne3A : i32
      %lt3A = arith.constant 0 : i32
      %lt3A_75 = arith.cmpi slt, %rem3A, %lt3A : i32
      %lt3A_76 = arith.constant 0 : i32
      %lt3A_77 = arith.cmpi slt, %select_n3A, %lt3A_76 : i32
      %ne3A_78 = arith.xori %lt3A_75, %lt3A_77 : i1
      %and3A = arith.andi %ne3A_78, %ne3A_74 : i1
      %add3A_79 = arith.addi %rem3A, %select_n3A : i32
      %select_n3A_80 = arith.select %and3A, %add3A_79, %rem3A : i32
      %mul3A_81 = arith.constant 40 : i32
      %mul3A_82 = arith.muli %scan3A_71, %mul3A_81 : i32
      %multiple_of3A_83 = tpu.assume_multiple %mul3A_82, 40 : i32
      %dma_wait3A_84 = arith.constant 0 : i32
      %dma_wait3A_85 = arith.constant 0 : i32
      %dma_wait3A_86 = tpu.memref_slice %arg6[%select_n3A_80, %dma_wait3A_84, %dma_wait3A_85] : memref<5x40x512xf32, #tpu.memory_space<vmem>> -> memref<1x40x512xf32, #tpu.memory_space<vmem>>
      %dma_wait3A_87 = tpu.memref_squeeze %dma_wait3A_86 : memref<1x40x512xf32, #tpu.memory_space<vmem>> -> memref<40x512xf32, #tpu.memory_space<vmem>>
      %dma_wait3A_88 = tpu.memref_slice %arg5[%multiple_of3A_83] : memref<5000xi32, #tpu.memory_space<vmem>> -> memref<40xi32, #tpu.memory_space<vmem>>
      %dma_wait3A_89 = arith.constant 0 : i32
      %dma_wait3A_90 = arith.constant 0 : i32
      %dma_wait3A_91 = tpu.memref_slice %arg2[%dma_wait3A_89, %dma_wait3A_90] : memref<10112x512xf32, #tpu.memory_space<hbm>> -> memref<10112x512xf32, #tpu.memory_space<hbm>>
      tpu.wait_indirect_dma semaphore(%arg7 : memref<!tpu.dma_semaphore, #tpu.memory_space<semaphore_mem>>) src(%dma_wait3A_91 : memref<10112x512xf32, #tpu.memory_space<hbm>>) dst(%dma_wait3A_87 : memref<40x512xf32, #tpu.memory_space<vmem>>)
      %mul3A_92 = arith.constant 40 : i32
      %mul3A_93 = arith.muli %scan3A_71, %mul3A_92 : i32
      %add3A_94 = arith.addi %multiple_of3A, %mul3A_93 : i32
      %multiple_of3A_95 = tpu.assume_multiple %add3A_94, 40 : i32
      %dma_start3A_96 = arith.constant 0 : i32
      %dma_start3A_97 = arith.constant 0 : i32
      %dma_start3A_98 = tpu.memref_slice %arg6[%select_n3A_80, %dma_start3A_96, %dma_start3A_97] : memref<5x40x512xf32, #tpu.memory_space<vmem>> -> memref<1x40x512xf32, #tpu.memory_space<vmem>>
      %dma_start3A_99 = tpu.memref_squeeze %dma_start3A_98 : memref<1x40x512xf32, #tpu.memory_space<vmem>> -> memref<40x512xf32, #tpu.memory_space<vmem>>
      %dma_start3A_100 = arith.constant 0 : i32
      %dma_start3A_101 = tpu.memref_slice %arg4[%multiple_of3A_95, %dma_start3A_100] : memref<160000x512xf32, #tpu.memory_space<hbm>> -> memref<40x512xf32, #tpu.memory_space<hbm>>
      %dma_start3A_102 = arith.constant 0 : i32
      %dma_start3A_103 = tpu.memref_slice %arg4[%multiple_of3A_95, %dma_start3A_102] : memref<160000x512xf32, #tpu.memory_space<hbm>> -> memref<40x512xf32, #tpu.memory_space<hbm>>
      %dma_start3A_104 = arith.constant 0 : i32
      %dma_start3A_105 = arith.constant 0 : i32
      %dma_start3A_106 = tpu.memref_slice %arg6[%select_n3A_80, %dma_start3A_104, %dma_start3A_105] : memref<5x40x512xf32, #tpu.memory_space<vmem>> -> memref<1x40x512xf32, #tpu.memory_space<vmem>>
      %dma_start3A_107 = tpu.memref_squeeze %dma_start3A_106 : memref<1x40x512xf32, #tpu.memory_space<vmem>> -> memref<40x512xf32, #tpu.memory_space<vmem>>
      tpu.enqueue_dma source(%dma_start3A_107 : memref<40x512xf32, #tpu.memory_space<vmem>>) target(%dma_start3A_103 : memref<40x512xf32, #tpu.memory_space<hbm>>) target_semaphore(%arg8 : memref<!tpu.dma_semaphore, #tpu.memory_space<semaphore_mem>>)
      %ge3A = arith.constant 2 : i32
      %ge3A_108 = arith.cmpi sge, %scan3A_71, %ge3A : i32
      %convert_element_type3A = arith.extui %ge3A_108 : i1 to i32
      %cond3A = arith.constant 0 : i32
      %cond3A_109 = arith.cmpi ne, %convert_element_type3A, %cond3A : i32
      scf.if %cond3A_109 {
        %sub3A = arith.constant 2 : i32
        %sub3A_117 = arith.subi %scan3A_71, %sub3A : i32
        %sub3A_118 = arith.constant 2 : i32
        %sub3A_119 = arith.subi %scan3A_71, %sub3A_118 : i32
        %jit3A_120 = arith.constant 5 : i32
        %eq3A_121 = arith.constant 0 : i32
        %eq3A_122 = arith.cmpi eq, %jit3A_120, %eq3A_121 : i32
        %jit3A_123 = arith.constant 1 : i32
        %select_n3A_124 = arith.select %eq3A_122, %jit3A_123, %jit3A_120 : i32
        %rem3A_125 = arith.remsi %sub3A_119, %select_n3A_124 : i32
        %ne3A_126 = arith.constant 0 : i32
        %ne3A_127 = arith.cmpi ne, %rem3A_125, %ne3A_126 : i32
        %lt3A_128 = arith.constant 0 : i32
        %lt3A_129 = arith.cmpi slt, %rem3A_125, %lt3A_128 : i32
        %lt3A_130 = arith.constant 0 : i32
        %lt3A_131 = arith.cmpi slt, %select_n3A_124, %lt3A_130 : i32
        %ne3A_132 = arith.xori %lt3A_129, %lt3A_131 : i1
        %and3A_133 = arith.andi %ne3A_132, %ne3A_127 : i1
        %add3A_134 = arith.addi %rem3A_125, %select_n3A_124 : i32
        %select_n3A_135 = arith.select %and3A_133, %add3A_134, %rem3A_125 : i32
        %mul3A_136 = arith.constant 40 : i32
        %mul3A_137 = arith.muli %sub3A_117, %mul3A_136 : i32
        %add3A_138 = arith.addi %multiple_of3A, %mul3A_137 : i32
        %multiple_of3A_139 = tpu.assume_multiple %add3A_138, 40 : i32
        %dma_wait3A_140 = arith.constant 0 : i32
        %dma_wait3A_141 = arith.constant 0 : i32
        %dma_wait3A_142 = tpu.memref_slice %arg6[%select_n3A_135, %dma_wait3A_140, %dma_wait3A_141] : memref<5x40x512xf32, #tpu.memory_space<vmem>> -> memref<1x40x512xf32, #tpu.memory_space<vmem>>
        %dma_wait3A_143 = tpu.memref_squeeze %dma_wait3A_142 : memref<1x40x512xf32, #tpu.memory_space<vmem>> -> memref<40x512xf32, #tpu.memory_space<vmem>>
        %dma_wait3A_144 = arith.constant 0 : i32
        %dma_wait3A_145 = tpu.memref_slice %arg4[%multiple_of3A_139, %dma_wait3A_144] : memref<160000x512xf32, #tpu.memory_space<hbm>> -> memref<40x512xf32, #tpu.memory_space<hbm>>
        %dma_wait3A_146 = arith.constant 0 : i32
        %dma_wait3A_147 = tpu.memref_slice %arg4[%multiple_of3A_139, %dma_wait3A_146] : memref<160000x512xf32, #tpu.memory_space<hbm>> -> memref<40x512xf32, #tpu.memory_space<hbm>>
        %dma_wait3A_148 = arith.constant 0 : i32
        %dma_wait3A_149 = arith.constant 0 : i32
        %dma_wait3A_150 = tpu.memref_slice %arg6[%select_n3A_135, %dma_wait3A_148, %dma_wait3A_149] : memref<5x40x512xf32, #tpu.memory_space<vmem>> -> memref<1x40x512xf32, #tpu.memory_space<vmem>>
        %dma_wait3A_151 = tpu.memref_squeeze %dma_wait3A_150 : memref<1x40x512xf32, #tpu.memory_space<vmem>> -> memref<40x512xf32, #tpu.memory_space<vmem>>
        tpu.wait_dma2 semaphore(%arg8 : memref<!tpu.dma_semaphore, #tpu.memory_space<semaphore_mem>>) src(%dma_wait3A_151 : memref<40x512xf32, #tpu.memory_space<vmem>>) dst(%dma_wait3A_147 : memref<40x512xf32, #tpu.memory_space<hbm>>)
      } else {
      }
      %add3A_110 = arith.constant 3 : i32
      %add3A_111 = arith.addi %scan3A_71, %add3A_110 : i32
      %lt3A_112 = arith.constant 125 : i32
      %lt3A_113 = arith.cmpi slt, %add3A_111, %lt3A_112 : i32
      %convert_element_type3A_114 = arith.extui %lt3A_113 : i1 to i32
      %cond3A_115 = arith.constant 0 : i32
      %cond3A_116 = arith.cmpi ne, %convert_element_type3A_114, %cond3A_115 : i32
      scf.if %cond3A_116 {
        %add3A_117 = arith.constant 3 : i32
        %add3A_118 = arith.addi %scan3A_71, %add3A_117 : i32
        %add3A_119 = arith.constant 3 : i32
        %add3A_120 = arith.addi %scan3A_71, %add3A_119 : i32
        %jit3A_121 = arith.constant 5 : i32
        %eq3A_122 = arith.constant 0 : i32
        %eq3A_123 = arith.cmpi eq, %jit3A_121, %eq3A_122 : i32
        %jit3A_124 = arith.constant 1 : i32
        %select_n3A_125 = arith.select %eq3A_123, %jit3A_124, %jit3A_121 : i32
        %rem3A_126 = arith.remsi %add3A_120, %select_n3A_125 : i32
        %ne3A_127 = arith.constant 0 : i32
        %ne3A_128 = arith.cmpi ne, %rem3A_126, %ne3A_127 : i32
        %lt3A_129 = arith.constant 0 : i32
        %lt3A_130 = arith.cmpi slt, %rem3A_126, %lt3A_129 : i32
        %lt3A_131 = arith.constant 0 : i32
        %lt3A_132 = arith.cmpi slt, %select_n3A_125, %lt3A_131 : i32
        %ne3A_133 = arith.xori %lt3A_130, %lt3A_132 : i1
        %and3A_134 = arith.andi %ne3A_133, %ne3A_128 : i1
        %add3A_135 = arith.addi %rem3A_126, %select_n3A_125 : i32
        %select_n3A_136 = arith.select %and3A_134, %add3A_135, %rem3A_126 : i32
        %mul3A_137 = arith.constant 40 : i32
        %mul3A_138 = arith.muli %add3A_118, %mul3A_137 : i32
        %multiple_of3A_139 = tpu.assume_multiple %mul3A_138, 40 : i32
        %dma_start3A_140 = arith.constant 0 : i32
        %dma_start3A_141 = arith.constant 0 : i32
        %dma_start3A_142 = tpu.memref_slice %arg6[%select_n3A_136, %dma_start3A_140, %dma_start3A_141] : memref<5x40x512xf32, #tpu.memory_space<vmem>> -> memref<1x40x512xf32, #tpu.memory_space<vmem>>
        %dma_start3A_143 = tpu.memref_squeeze %dma_start3A_142 : memref<1x40x512xf32, #tpu.memory_space<vmem>> -> memref<40x512xf32, #tpu.memory_space<vmem>>
        %dma_start3A_144 = tpu.memref_slice %arg5[%multiple_of3A_139] : memref<5000xi32, #tpu.memory_space<vmem>> -> memref<40xi32, #tpu.memory_space<vmem>>
        %dma_start3A_145 = arith.constant 0 : i32
        %dma_start3A_146 = arith.constant 0 : i32
        %dma_start3A_147 = tpu.memref_slice %arg2[%dma_start3A_145, %dma_start3A_146] : memref<10112x512xf32, #tpu.memory_space<hbm>> -> memref<10112x512xf32, #tpu.memory_space<hbm>>
        tpu.enqueue_indirect_dma source(%dma_start3A_147 : memref<10112x512xf32, #tpu.memory_space<hbm>>) target(%dma_start3A_143 : memref<40x512xf32, #tpu.memory_space<vmem>>) offsets(%dma_start3A_144 : memref<40xi32, #tpu.memory_space<vmem>>) semaphore(%arg7 : memref<!tpu.dma_semaphore, #tpu.memory_space<semaphore_mem>>)
      } else {
      }
    }
    %scan3A_39 = arith.constant 125 : i32
    %add3A_40 = arith.constant 4920 : i32
    %add3A_41 = arith.addi %multiple_of3A, %add3A_40 : i32
    %multiple_of3A_42 = tpu.assume_multiple %add3A_41, 40 : i32
    %dma_wait3A = arith.constant 3 : i32
    %dma_wait3A_43 = arith.constant 0 : i32
    %dma_wait3A_44 = arith.constant 0 : i32
    %dma_wait3A_45 = tpu.memref_slice %arg6[%dma_wait3A, %dma_wait3A_43, %dma_wait3A_44] : memref<5x40x512xf32, #tpu.memory_space<vmem>> -> memref<1x40x512xf32, #tpu.memory_space<vmem>>
    %dma_wait3A_46 = tpu.memref_squeeze %dma_wait3A_45 : memref<1x40x512xf32, #tpu.memory_space<vmem>> -> memref<40x512xf32, #tpu.memory_space<vmem>>
    %dma_wait3A_47 = arith.constant 0 : i32
    %dma_wait3A_48 = tpu.memref_slice %arg4[%multiple_of3A_42, %dma_wait3A_47] : memref<160000x512xf32, #tpu.memory_space<hbm>> -> memref<40x512xf32, #tpu.memory_space<hbm>>
    %dma_wait3A_49 = arith.constant 0 : i32
    %dma_wait3A_50 = tpu.memref_slice %arg4[%multiple_of3A_42, %dma_wait3A_49] : memref<160000x512xf32, #tpu.memory_space<hbm>> -> memref<40x512xf32, #tpu.memory_space<hbm>>
    %dma_wait3A_51 = arith.constant 0 : i32
    %dma_wait3A_52 = arith.constant 0 : i32
    %dma_wait3A_53 = tpu.memref_slice %arg6[%dma_wait3A, %dma_wait3A_51, %dma_wait3A_52] : memref<5x40x512xf32, #tpu.memory_space<vmem>> -> memref<1x40x512xf32, #tpu.memory_space<vmem>>
    %dma_wait3A_54 = tpu.memref_squeeze %dma_wait3A_53 : memref<1x40x512xf32, #tpu.memory_space<vmem>> -> memref<40x512xf32, #tpu.memory_space<vmem>>
    tpu.wait_dma2 semaphore(%arg8 : memref<!tpu.dma_semaphore, #tpu.memory_space<semaphore_mem>>) src(%dma_wait3A_54 : memref<40x512xf32, #tpu.memory_space<vmem>>) dst(%dma_wait3A_50 : memref<40x512xf32, #tpu.memory_space<hbm>>)
    %add3A_55 = arith.constant 4960 : i32
    %add3A_56 = arith.addi %multiple_of3A, %add3A_55 : i32
    %multiple_of3A_57 = tpu.assume_multiple %add3A_56, 40 : i32
    %dma_wait3A_58 = arith.constant 4 : i32
    %dma_wait3A_59 = arith.constant 0 : i32
    %dma_wait3A_60 = arith.constant 0 : i32
    %dma_wait3A_61 = tpu.memref_slice %arg6[%dma_wait3A_58, %dma_wait3A_59, %dma_wait3A_60] : memref<5x40x512xf32, #tpu.memory_space<vmem>> -> memref<1x40x512xf32, #tpu.memory_space<vmem>>
    %dma_wait3A_62 = tpu.memref_squeeze %dma_wait3A_61 : memref<1x40x512xf32, #tpu.memory_space<vmem>> -> memref<40x512xf32, #tpu.memory_space<vmem>>
    %dma_wait3A_63 = arith.constant 0 : i32
    %dma_wait3A_64 = tpu.memref_slice %arg4[%multiple_of3A_57, %dma_wait3A_63] : memref<160000x512xf32, #tpu.memory_space<hbm>> -> memref<40x512xf32, #tpu.memory_space<hbm>>
    %dma_wait3A_65 = arith.constant 0 : i32
    %dma_wait3A_66 = tpu.memref_slice %arg4[%multiple_of3A_57, %dma_wait3A_65] : memref<160000x512xf32, #tpu.memory_space<hbm>> -> memref<40x512xf32, #tpu.memory_space<hbm>>
    %dma_wait3A_67 = arith.constant 0 : i32
    %dma_wait3A_68 = arith.constant 0 : i32
    %dma_wait3A_69 = tpu.memref_slice %arg6[%dma_wait3A_58, %dma_wait3A_67, %dma_wait3A_68] : memref<5x40x512xf32, #tpu.memory_space<vmem>> -> memref<1x40x512xf32, #tpu.memory_space<vmem>>
    %dma_wait3A_70 = tpu.memref_squeeze %dma_wait3A_69 : memref<1x40x512xf32, #tpu.memory_space<vmem>> -> memref<40x512xf32, #tpu.memory_space<vmem>>
    tpu.wait_dma2 semaphore(%arg8 : memref<!tpu.dma_semaphore, #tpu.memory_space<semaphore_mem>>) src(%dma_wait3A_70 : memref<40x512xf32, #tpu.memory_space<vmem>>) dst(%dma_wait3A_66 : memref<40x512xf32, #tpu.memory_space<hbm>>)
    return
  }
}

#map = affine_map<(d0, d1) -> (0, 0, 0)>
#map1 = affine_map<(d0, d1) -> (0, 0)>
module attributes {stable_mosaic.version = 14 : i64} {
  func.func @k(%arg0: i32, %arg1: i32, %arg2: memref<4x160000x128xf32, #tpu.memory_space<hbm>>, %arg3: memref<16x250x40xi32, #tpu.memory_space<hbm>>, %arg4: memref<10112x512xf32, #tpu.memory_space<hbm>>, %arg5: memref<10112x512xf32, #tpu.memory_space<hbm>>, %arg6: memref<250x40xi32, #tpu.memory_space<vmem>>, %arg7: memref<2x40x128xf32, #tpu.memory_space<vmem>>, %arg8: memref<10112x128xf32, #tpu.memory_space<vmem_shared>>, %arg9: memref<!tpu.dma_semaphore, #tpu.memory_space<semaphore_mem>>, %arg10: memref<!tpu.dma_semaphore, #tpu.memory_space<semaphore_mem>>, %arg11: memref<!tpu.dma_semaphore, #tpu.memory_space<semaphore_mem>>, %arg12: memref<!tpu.dma_semaphore, #tpu.memory_space<semaphore_mem>>) attributes {dimension_semantics = [#tpu.dimension_semantics<core_parallel>, #tpu.dimension_semantics<subcore_parallel>], iteration_bounds = array<i64: 2, 16>, scalar_prefetch = 0 : i64, scratch_operands = 7 : i64, tpu.core_type = #tpu.core_type<sc_vector_subcore>, window_params = [{transform_indices = #map}, {transform_indices = #map}, {transform_indices = #map1}, {transform_indices = #map1}]} {
    %mul3A = arith.constant 632 : i32
    %mul3A_0 = arith.muli %arg1, %mul3A : i32
    %multiple_of3A = tpu.assume_multiple %mul3A_0, 632 : i32
    "tpu.region"() ({
      %run_scoped3A = tpu.sem_alloc : memref<!tpu.dma_semaphore, #tpu.memory_space<semaphore_mem>>
      %dma_start3A_81 = arith.constant 0 : i32
      %dma_start3A_82 = arith.constant 0 : i32
      %dma_start3A_83 = tpu.memref_slice %arg3[%arg1, %dma_start3A_81, %dma_start3A_82] : memref<16x250x40xi32, #tpu.memory_space<hbm>> -> memref<1x250x40xi32, #tpu.memory_space<hbm>>
      %dma_start3A_84 = tpu.memref_squeeze %dma_start3A_83 : memref<1x250x40xi32, #tpu.memory_space<hbm>> -> memref<250x40xi32, #tpu.memory_space<hbm>>
      %dma_start3A_85 = arith.constant 0 : i32
      %dma_start3A_86 = arith.constant 0 : i32
      %dma_start3A_87 = tpu.memref_slice %arg3[%arg1, %dma_start3A_85, %dma_start3A_86] : memref<16x250x40xi32, #tpu.memory_space<hbm>> -> memref<1x250x40xi32, #tpu.memory_space<hbm>>
      %dma_start3A_88 = tpu.memref_squeeze %dma_start3A_87 : memref<1x250x40xi32, #tpu.memory_space<hbm>> -> memref<250x40xi32, #tpu.memory_space<hbm>>
      tpu.enqueue_dma source(%dma_start3A_88 : memref<250x40xi32, #tpu.memory_space<hbm>>) target(%arg6 : memref<250x40xi32, #tpu.memory_space<vmem>>) target_semaphore(%run_scoped3A : memref<!tpu.dma_semaphore, #tpu.memory_space<semaphore_mem>>)
      %dma_wait3A = arith.constant 0 : i32
      %dma_wait3A_89 = arith.constant 0 : i32
      %dma_wait3A_90 = tpu.memref_slice %arg3[%arg1, %dma_wait3A, %dma_wait3A_89] : memref<16x250x40xi32, #tpu.memory_space<hbm>> -> memref<1x250x40xi32, #tpu.memory_space<hbm>>
      %dma_wait3A_91 = tpu.memref_squeeze %dma_wait3A_90 : memref<1x250x40xi32, #tpu.memory_space<hbm>> -> memref<250x40xi32, #tpu.memory_space<hbm>>
      %dma_wait3A_92 = arith.constant 0 : i32
      %dma_wait3A_93 = arith.constant 0 : i32
      %dma_wait3A_94 = tpu.memref_slice %arg3[%arg1, %dma_wait3A_92, %dma_wait3A_93] : memref<16x250x40xi32, #tpu.memory_space<hbm>> -> memref<1x250x40xi32, #tpu.memory_space<hbm>>
      %dma_wait3A_95 = tpu.memref_squeeze %dma_wait3A_94 : memref<1x250x40xi32, #tpu.memory_space<hbm>> -> memref<250x40xi32, #tpu.memory_space<hbm>>
      tpu.wait_dma2 semaphore(%run_scoped3A : memref<!tpu.dma_semaphore, #tpu.memory_space<semaphore_mem>>) src(%dma_wait3A_95 : memref<250x40xi32, #tpu.memory_space<hbm>>) dst(%arg6 : memref<250x40xi32, #tpu.memory_space<vmem>>)
      tpu.yield
    }) : () -> ()
    %add3A = arith.constant 0 : i32
    %add3A_1 = arith.addi %add3A, %arg0 : i32
    %mul3A_2 = arith.constant 128 : i32
    %mul3A_3 = arith.muli %add3A_1, %mul3A_2 : i32
    %multiple_of3A_4 = tpu.assume_multiple %mul3A_3, 128 : i32
    %lt3A = arith.constant 15 : i32
    %lt3A_5 = arith.cmpi slt, %arg1, %lt3A : i32
    %convert_element_type3A = arith.extui %lt3A_5 : i1 to i32
    %cond3A = arith.constant 0 : i32
    %cond3A_6 = arith.cmpi ne, %convert_element_type3A, %cond3A : i32
    scf.if %cond3A_6 {
      "tpu.region"() ({
        %run_scoped3A = tpu.sem_alloc : memref<!tpu.dma_semaphore, #tpu.memory_space<semaphore_mem>>
        %dma_start3A_81 = arith.constant 0 : i32
        %dma_start3A_82 = tpu.memref_slice %arg8[%multiple_of3A, %dma_start3A_81] : memref<10112x128xf32, #tpu.memory_space<vmem_shared>> -> memref<632x128xf32, #tpu.memory_space<vmem_shared>>
        %dma_start3A_83 = tpu.memref_slice %arg4[%multiple_of3A, %multiple_of3A_4] : memref<10112x512xf32, #tpu.memory_space<hbm>> -> memref<632x128xf32, #tpu.memory_space<hbm>>
        tpu.enqueue_dma source(%dma_start3A_83 : memref<632x128xf32, #tpu.memory_space<hbm>>) target(%dma_start3A_82 : memref<632x128xf32, #tpu.memory_space<vmem_shared>>) target_semaphore(%run_scoped3A : memref<!tpu.dma_semaphore, #tpu.memory_space<semaphore_mem>>)
        %dma_wait3A = arith.constant 0 : i32
        %dma_wait3A_84 = tpu.memref_slice %arg8[%multiple_of3A, %dma_wait3A] : memref<10112x128xf32, #tpu.memory_space<vmem_shared>> -> memref<632x128xf32, #tpu.memory_space<vmem_shared>>
        %dma_wait3A_85 = tpu.memref_slice %arg4[%multiple_of3A, %multiple_of3A_4] : memref<10112x512xf32, #tpu.memory_space<hbm>> -> memref<632x128xf32, #tpu.memory_space<hbm>>
        tpu.wait_dma2 semaphore(%run_scoped3A : memref<!tpu.dma_semaphore, #tpu.memory_space<semaphore_mem>>) src(%dma_wait3A_85 : memref<632x128xf32, #tpu.memory_space<hbm>>) dst(%dma_wait3A_84 : memref<632x128xf32, #tpu.memory_space<vmem_shared>>)
        tpu.yield
      }) : () -> ()
    } else {
    }
    %eq3A = arith.constant 15 : i32
    %eq3A_7 = arith.cmpi eq, %arg1, %eq3A : i32
    %convert_element_type3A_8 = arith.extui %eq3A_7 : i1 to i32
    %cond3A_9 = arith.constant 0 : i32
    %cond3A_10 = arith.cmpi ne, %convert_element_type3A_8, %cond3A_9 : i32
    scf.if %cond3A_10 {
      "tpu.region"() ({
        %run_scoped3A = tpu.sem_alloc : memref<!tpu.dma_semaphore, #tpu.memory_space<semaphore_mem>>
        %dma_start3A_81 = arith.constant 0 : i32
        %dma_start3A_82 = tpu.memref_slice %arg8[%multiple_of3A, %dma_start3A_81] : memref<10112x128xf32, #tpu.memory_space<vmem_shared>> -> memref<632x128xf32, #tpu.memory_space<vmem_shared>>
        %dma_start3A_83 = tpu.memref_slice %arg4[%multiple_of3A, %multiple_of3A_4] : memref<10112x512xf32, #tpu.memory_space<hbm>> -> memref<632x128xf32, #tpu.memory_space<hbm>>
        tpu.enqueue_dma source(%dma_start3A_83 : memref<632x128xf32, #tpu.memory_space<hbm>>) target(%dma_start3A_82 : memref<632x128xf32, #tpu.memory_space<vmem_shared>>) target_semaphore(%run_scoped3A : memref<!tpu.dma_semaphore, #tpu.memory_space<semaphore_mem>>)
        %dma_wait3A = arith.constant 0 : i32
        %dma_wait3A_84 = tpu.memref_slice %arg8[%multiple_of3A, %dma_wait3A] : memref<10112x128xf32, #tpu.memory_space<vmem_shared>> -> memref<632x128xf32, #tpu.memory_space<vmem_shared>>
        %dma_wait3A_85 = tpu.memref_slice %arg4[%multiple_of3A, %multiple_of3A_4] : memref<10112x512xf32, #tpu.memory_space<hbm>> -> memref<632x128xf32, #tpu.memory_space<hbm>>
        tpu.wait_dma2 semaphore(%run_scoped3A : memref<!tpu.dma_semaphore, #tpu.memory_space<semaphore_mem>>) src(%dma_wait3A_85 : memref<632x128xf32, #tpu.memory_space<hbm>>) dst(%dma_wait3A_84 : memref<632x128xf32, #tpu.memory_space<vmem_shared>>)
        tpu.yield
      }) : () -> ()
    } else {
    }
    %barrier3A = arith.constant 0 : index
    tpu.barrier barrier_id(%barrier3A)
    %mul3A_11 = arith.constant 10000 : i32
    %mul3A_12 = arith.muli %arg1, %mul3A_11 : i32
    %add3A_13 = arith.constant 0 : i32
    %add3A_14 = arith.addi %mul3A_12, %add3A_13 : i32
    %multiple_of3A_15 = tpu.assume_multiple %add3A_14, 40 : i32
    %dma_start3A = arith.constant 0 : i32
    %dma_start3A_16 = arith.constant 0 : i32
    %dma_start3A_17 = arith.constant 0 : i32
    %dma_start3A_18 = tpu.memref_slice %arg7[%dma_start3A, %dma_start3A_16, %dma_start3A_17] : memref<2x40x128xf32, #tpu.memory_space<vmem>> -> memref<1x40x128xf32, #tpu.memory_space<vmem>>
    %dma_start3A_19 = tpu.memref_squeeze %dma_start3A_18 : memref<1x40x128xf32, #tpu.memory_space<vmem>> -> memref<40x128xf32, #tpu.memory_space<vmem>>
    %dma_start3A_20 = arith.constant 0 : i32
    %dma_start3A_21 = tpu.memref_slice %arg2[%add3A_1, %multiple_of3A_15, %dma_start3A_20] : memref<4x160000x128xf32, #tpu.memory_space<hbm>> -> memref<1x40x128xf32, #tpu.memory_space<hbm>>
    %dma_start3A_22 = tpu.memref_squeeze %dma_start3A_21 : memref<1x40x128xf32, #tpu.memory_space<hbm>> -> memref<40x128xf32, #tpu.memory_space<hbm>>
    %dma_start3A_23 = arith.constant 0 : i32
    %dma_start3A_24 = arith.constant 0 : i32
    %dma_start3A_25 = tpu.memref_slice %arg7[%dma_start3A, %dma_start3A_23, %dma_start3A_24] : memref<2x40x128xf32, #tpu.memory_space<vmem>> -> memref<1x40x128xf32, #tpu.memory_space<vmem>>
    %dma_start3A_26 = tpu.memref_squeeze %dma_start3A_25 : memref<1x40x128xf32, #tpu.memory_space<vmem>> -> memref<40x128xf32, #tpu.memory_space<vmem>>
    %dma_start3A_27 = arith.constant 0 : i32
    %dma_start3A_28 = tpu.memref_slice %arg2[%add3A_1, %multiple_of3A_15, %dma_start3A_27] : memref<4x160000x128xf32, #tpu.memory_space<hbm>> -> memref<1x40x128xf32, #tpu.memory_space<hbm>>
    %dma_start3A_29 = tpu.memref_squeeze %dma_start3A_28 : memref<1x40x128xf32, #tpu.memory_space<hbm>> -> memref<40x128xf32, #tpu.memory_space<hbm>>
    tpu.enqueue_dma source(%dma_start3A_29 : memref<40x128xf32, #tpu.memory_space<hbm>>) target(%dma_start3A_26 : memref<40x128xf32, #tpu.memory_space<vmem>>) target_semaphore(%arg9 : memref<!tpu.dma_semaphore, #tpu.memory_space<semaphore_mem>>)
    %scan3A = arith.constant 0 : i32
    %scan3A_30 = arith.constant 0 : i32
    %scan3A_31 = arith.constant 125 : i32
    %scan3A_32 = arith.addi %scan3A_30, %scan3A_31 : i32
    %scan3A_33 = arith.constant 1 : i32
    scf.for %scan3A_81 = %scan3A_30 to %scan3A_32 step %scan3A_33  : i32 {
      %mul3A_82 = arith.constant 2 : i32
      %mul3A_83 = arith.muli %mul3A_82, %scan3A_81 : i32
      %mul3A_84 = arith.constant 10000 : i32
      %mul3A_85 = arith.muli %arg1, %mul3A_84 : i32
      %mul3A_86 = arith.constant 40 : i32
      %mul3A_87 = arith.muli %mul3A_83, %mul3A_86 : i32
      %add3A_88 = arith.addi %mul3A_85, %mul3A_87 : i32
      %multiple_of3A_89 = tpu.assume_multiple %add3A_88, 40 : i32
      %dma_wait3A = arith.constant 0 : i32
      %dma_wait3A_90 = arith.constant 0 : i32
      %dma_wait3A_91 = arith.constant 0 : i32
      %dma_wait3A_92 = tpu.memref_slice %arg7[%dma_wait3A, %dma_wait3A_90, %dma_wait3A_91] : memref<2x40x128xf32, #tpu.memory_space<vmem>> -> memref<1x40x128xf32, #tpu.memory_space<vmem>>
      %dma_wait3A_93 = tpu.memref_squeeze %dma_wait3A_92 : memref<1x40x128xf32, #tpu.memory_space<vmem>> -> memref<40x128xf32, #tpu.memory_space<vmem>>
      %dma_wait3A_94 = arith.constant 0 : i32
      %dma_wait3A_95 = tpu.memref_slice %arg2[%add3A_1, %multiple_of3A_89, %dma_wait3A_94] : memref<4x160000x128xf32, #tpu.memory_space<hbm>> -> memref<1x40x128xf32, #tpu.memory_space<hbm>>
      %dma_wait3A_96 = tpu.memref_squeeze %dma_wait3A_95 : memref<1x40x128xf32, #tpu.memory_space<hbm>> -> memref<40x128xf32, #tpu.memory_space<hbm>>
      %dma_wait3A_97 = arith.constant 0 : i32
      %dma_wait3A_98 = arith.constant 0 : i32
      %dma_wait3A_99 = tpu.memref_slice %arg7[%dma_wait3A, %dma_wait3A_97, %dma_wait3A_98] : memref<2x40x128xf32, #tpu.memory_space<vmem>> -> memref<1x40x128xf32, #tpu.memory_space<vmem>>
      %dma_wait3A_100 = tpu.memref_squeeze %dma_wait3A_99 : memref<1x40x128xf32, #tpu.memory_space<vmem>> -> memref<40x128xf32, #tpu.memory_space<vmem>>
      %dma_wait3A_101 = arith.constant 0 : i32
      %dma_wait3A_102 = tpu.memref_slice %arg2[%add3A_1, %multiple_of3A_89, %dma_wait3A_101] : memref<4x160000x128xf32, #tpu.memory_space<hbm>> -> memref<1x40x128xf32, #tpu.memory_space<hbm>>
      %dma_wait3A_103 = tpu.memref_squeeze %dma_wait3A_102 : memref<1x40x128xf32, #tpu.memory_space<hbm>> -> memref<40x128xf32, #tpu.memory_space<hbm>>
      tpu.wait_dma2 semaphore(%arg9 : memref<!tpu.dma_semaphore, #tpu.memory_space<semaphore_mem>>) src(%dma_wait3A_103 : memref<40x128xf32, #tpu.memory_space<hbm>>) dst(%dma_wait3A_100 : memref<40x128xf32, #tpu.memory_space<vmem>>)
      %mul3A_104 = arith.constant 1 : i32
      %mul3A_105 = arith.muli %mul3A_83, %mul3A_104 : i32
      %add3A_106 = arith.constant 0 : i32
      %add3A_107 = arith.addi %mul3A_105, %add3A_106 : i32
      %dma_start3A_108 = arith.constant 0 : i32
      %dma_start3A_109 = arith.constant 0 : i32
      %dma_start3A_110 = arith.constant 0 : i32
      %dma_start3A_111 = tpu.memref_slice %arg7[%dma_start3A_108, %dma_start3A_109, %dma_start3A_110] : memref<2x40x128xf32, #tpu.memory_space<vmem>> -> memref<1x40x128xf32, #tpu.memory_space<vmem>>
      %dma_start3A_112 = tpu.memref_squeeze %dma_start3A_111 : memref<1x40x128xf32, #tpu.memory_space<vmem>> -> memref<40x128xf32, #tpu.memory_space<vmem>>
      %dma_start3A_113 = arith.constant 0 : i32
      %dma_start3A_114 = tpu.memref_slice %arg6[%add3A_107, %dma_start3A_113] : memref<250x40xi32, #tpu.memory_space<vmem>> -> memref<1x40xi32, #tpu.memory_space<vmem>>
      %dma_start3A_115 = tpu.memref_squeeze %dma_start3A_114 : memref<1x40xi32, #tpu.memory_space<vmem>> -> memref<40xi32, #tpu.memory_space<vmem>>
      %dma_start3A_116 = arith.constant 0 : i32
      %dma_start3A_117 = arith.constant 0 : i32
      %dma_start3A_118 = tpu.memref_slice %arg8[%dma_start3A_116, %dma_start3A_117] : memref<10112x128xf32, #tpu.memory_space<vmem_shared>> -> memref<10112x128xf32, #tpu.memory_space<vmem_shared>>
      tpu.enqueue_indirect_dma source(%dma_start3A_112 : memref<40x128xf32, #tpu.memory_space<vmem>>) target(%dma_start3A_118 : memref<10112x128xf32, #tpu.memory_space<vmem_shared>>) offsets(%dma_start3A_115 : memref<40xi32, #tpu.memory_space<vmem>>) semaphore(%arg11 : memref<!tpu.dma_semaphore, #tpu.memory_space<semaphore_mem>>) {add = true}
      %add3A_119 = arith.constant 1 : i32
      %add3A_120 = arith.addi %mul3A_83, %add3A_119 : i32
      %mul3A_121 = arith.constant 10000 : i32
      %mul3A_122 = arith.muli %arg1, %mul3A_121 : i32
      %mul3A_123 = arith.constant 40 : i32
      %mul3A_124 = arith.muli %add3A_120, %mul3A_123 : i32
      %add3A_125 = arith.addi %mul3A_122, %mul3A_124 : i32
      %multiple_of3A_126 = tpu.assume_multiple %add3A_125, 40 : i32
      %dma_start3A_127 = arith.constant 1 : i32
      %dma_start3A_128 = arith.constant 0 : i32
      %dma_start3A_129 = arith.constant 0 : i32
      %dma_start3A_130 = tpu.memref_slice %arg7[%dma_start3A_127, %dma_start3A_128, %dma_start3A_129] : memref<2x40x128xf32, #tpu.memory_space<vmem>> -> memref<1x40x128xf32, #tpu.memory_space<vmem>>
      %dma_start3A_131 = tpu.memref_squeeze %dma_start3A_130 : memref<1x40x128xf32, #tpu.memory_space<vmem>> -> memref<40x128xf32, #tpu.memory_space<vmem>>
      %dma_start3A_132 = arith.constant 0 : i32
      %dma_start3A_133 = tpu.memref_slice %arg2[%add3A_1, %multiple_of3A_126, %dma_start3A_132] : memref<4x160000x128xf32, #tpu.memory_space<hbm>> -> memref<1x40x128xf32, #tpu.memory_space<hbm>>
      %dma_start3A_134 = tpu.memref_squeeze %dma_start3A_133 : memref<1x40x128xf32, #tpu.memory_space<hbm>> -> memref<40x128xf32, #tpu.memory_space<hbm>>
      %dma_start3A_135 = arith.constant 0 : i32
      %dma_start3A_136 = arith.constant 0 : i32
      %dma_start3A_137 = tpu.memref_slice %arg7[%dma_start3A_127, %dma_start3A_135, %dma_start3A_136] : memref<2x40x128xf32, #tpu.memory_space<vmem>> -> memref<1x40x128xf32, #tpu.memory_space<vmem>>
      %dma_start3A_138 = tpu.memref_squeeze %dma_start3A_137 : memref<1x40x128xf32, #tpu.memory_space<vmem>> -> memref<40x128xf32, #tpu.memory_space<vmem>>
      %dma_start3A_139 = arith.constant 0 : i32
      %dma_start3A_140 = tpu.memref_slice %arg2[%add3A_1, %multiple_of3A_126, %dma_start3A_139] : memref<4x160000x128xf32, #tpu.memory_space<hbm>> -> memref<1x40x128xf32, #tpu.memory_space<hbm>>
      %dma_start3A_141 = tpu.memref_squeeze %dma_start3A_140 : memref<1x40x128xf32, #tpu.memory_space<hbm>> -> memref<40x128xf32, #tpu.memory_space<hbm>>
      tpu.enqueue_dma source(%dma_start3A_141 : memref<40x128xf32, #tpu.memory_space<hbm>>) target(%dma_start3A_138 : memref<40x128xf32, #tpu.memory_space<vmem>>) target_semaphore(%arg10 : memref<!tpu.dma_semaphore, #tpu.memory_space<semaphore_mem>>)
      %mul3A_142 = arith.constant 1 : i32
      %mul3A_143 = arith.muli %mul3A_83, %mul3A_142 : i32
      %add3A_144 = arith.constant 0 : i32
      %add3A_145 = arith.addi %mul3A_143, %add3A_144 : i32
      %dma_wait3A_146 = arith.constant 0 : i32
      %dma_wait3A_147 = arith.constant 0 : i32
      %dma_wait3A_148 = arith.constant 0 : i32
      %dma_wait3A_149 = tpu.memref_slice %arg7[%dma_wait3A_146, %dma_wait3A_147, %dma_wait3A_148] : memref<2x40x128xf32, #tpu.memory_space<vmem>> -> memref<1x40x128xf32, #tpu.memory_space<vmem>>
      %dma_wait3A_150 = tpu.memref_squeeze %dma_wait3A_149 : memref<1x40x128xf32, #tpu.memory_space<vmem>> -> memref<40x128xf32, #tpu.memory_space<vmem>>
      %dma_wait3A_151 = arith.constant 0 : i32
      %dma_wait3A_152 = tpu.memref_slice %arg6[%add3A_145, %dma_wait3A_151] : memref<250x40xi32, #tpu.memory_space<vmem>> -> memref<1x40xi32, #tpu.memory_space<vmem>>
      %dma_wait3A_153 = tpu.memref_squeeze %dma_wait3A_152 : memref<1x40xi32, #tpu.memory_space<vmem>> -> memref<40xi32, #tpu.memory_space<vmem>>
      %dma_wait3A_154 = arith.constant 0 : i32
      %dma_wait3A_155 = arith.constant 0 : i32
      %dma_wait3A_156 = tpu.memref_slice %arg8[%dma_wait3A_154, %dma_wait3A_155] : memref<10112x128xf32, #tpu.memory_space<vmem_shared>> -> memref<10112x128xf32, #tpu.memory_space<vmem_shared>>
      tpu.wait_indirect_dma semaphore(%arg11 : memref<!tpu.dma_semaphore, #tpu.memory_space<semaphore_mem>>) src(%dma_wait3A_150 : memref<40x128xf32, #tpu.memory_space<vmem>>) dst(%dma_wait3A_156 : memref<10112x128xf32, #tpu.memory_space<vmem_shared>>)
      %lt3A_157 = arith.constant 124 : i32
      %lt3A_158 = arith.cmpi slt, %scan3A_81, %lt3A_157 : i32
      %convert_element_type3A_159 = arith.extui %lt3A_158 : i1 to i32
      %cond3A_160 = arith.constant 0 : i32
      %cond3A_161 = arith.cmpi ne, %convert_element_type3A_159, %cond3A_160 : i32
      scf.if %cond3A_161 {
        %add3A_219 = arith.constant 2 : i32
        %add3A_220 = arith.addi %mul3A_83, %add3A_219 : i32
        %mul3A_221 = arith.constant 10000 : i32
        %mul3A_222 = arith.muli %arg1, %mul3A_221 : i32
        %mul3A_223 = arith.constant 40 : i32
        %mul3A_224 = arith.muli %add3A_220, %mul3A_223 : i32
        %add3A_225 = arith.addi %mul3A_222, %mul3A_224 : i32
        %multiple_of3A_226 = tpu.assume_multiple %add3A_225, 40 : i32
        %dma_start3A_227 = arith.constant 0 : i32
        %dma_start3A_228 = arith.constant 0 : i32
        %dma_start3A_229 = arith.constant 0 : i32
        %dma_start3A_230 = tpu.memref_slice %arg7[%dma_start3A_227, %dma_start3A_228, %dma_start3A_229] : memref<2x40x128xf32, #tpu.memory_space<vmem>> -> memref<1x40x128xf32, #tpu.memory_space<vmem>>
        %dma_start3A_231 = tpu.memref_squeeze %dma_start3A_230 : memref<1x40x128xf32, #tpu.memory_space<vmem>> -> memref<40x128xf32, #tpu.memory_space<vmem>>
        %dma_start3A_232 = arith.constant 0 : i32
        %dma_start3A_233 = tpu.memref_slice %arg2[%add3A_1, %multiple_of3A_226, %dma_start3A_232] : memref<4x160000x128xf32, #tpu.memory_space<hbm>> -> memref<1x40x128xf32, #tpu.memory_space<hbm>>
        %dma_start3A_234 = tpu.memref_squeeze %dma_start3A_233 : memref<1x40x128xf32, #tpu.memory_space<hbm>> -> memref<40x128xf32, #tpu.memory_space<hbm>>
        %dma_start3A_235 = arith.constant 0 : i32
        %dma_start3A_236 = arith.constant 0 : i32
        %dma_start3A_237 = tpu.memref_slice %arg7[%dma_start3A_227, %dma_start3A_235, %dma_start3A_236] : memref<2x40x128xf32, #tpu.memory_space<vmem>> -> memref<1x40x128xf32, #tpu.memory_space<vmem>>
        %dma_start3A_238 = tpu.memref_squeeze %dma_start3A_237 : memref<1x40x128xf32, #tpu.memory_space<vmem>> -> memref<40x128xf32, #tpu.memory_space<vmem>>
        %dma_start3A_239 = arith.constant 0 : i32
        %dma_start3A_240 = tpu.memref_slice %arg2[%add3A_1, %multiple_of3A_226, %dma_start3A_239] : memref<4x160000x128xf32, #tpu.memory_space<hbm>> -> memref<1x40x128xf32, #tpu.memory_space<hbm>>
        %dma_start3A_241 = tpu.memref_squeeze %dma_start3A_240 : memref<1x40x128xf32, #tpu.memory_space<hbm>> -> memref<40x128xf32, #tpu.memory_space<hbm>>
        tpu.enqueue_dma source(%dma_start3A_241 : memref<40x128xf32, #tpu.memory_space<hbm>>) target(%dma_start3A_238 : memref<40x128xf32, #tpu.memory_space<vmem>>) target_semaphore(%arg9 : memref<!tpu.dma_semaphore, #tpu.memory_space<semaphore_mem>>)
      } else {
      }
      %add3A_162 = arith.constant 1 : i32
      %add3A_163 = arith.addi %mul3A_83, %add3A_162 : i32
      %mul3A_164 = arith.constant 10000 : i32
      %mul3A_165 = arith.muli %arg1, %mul3A_164 : i32
      %mul3A_166 = arith.constant 40 : i32
      %mul3A_167 = arith.muli %add3A_163, %mul3A_166 : i32
      %add3A_168 = arith.addi %mul3A_165, %mul3A_167 : i32
      %multiple_of3A_169 = tpu.assume_multiple %add3A_168, 40 : i32
      %dma_wait3A_170 = arith.constant 1 : i32
      %dma_wait3A_171 = arith.constant 0 : i32
      %dma_wait3A_172 = arith.constant 0 : i32
      %dma_wait3A_173 = tpu.memref_slice %arg7[%dma_wait3A_170, %dma_wait3A_171, %dma_wait3A_172] : memref<2x40x128xf32, #tpu.memory_space<vmem>> -> memref<1x40x128xf32, #tpu.memory_space<vmem>>
      %dma_wait3A_174 = tpu.memref_squeeze %dma_wait3A_173 : memref<1x40x128xf32, #tpu.memory_space<vmem>> -> memref<40x128xf32, #tpu.memory_space<vmem>>
      %dma_wait3A_175 = arith.constant 0 : i32
      %dma_wait3A_176 = tpu.memref_slice %arg2[%add3A_1, %multiple_of3A_169, %dma_wait3A_175] : memref<4x160000x128xf32, #tpu.memory_space<hbm>> -> memref<1x40x128xf32, #tpu.memory_space<hbm>>
      %dma_wait3A_177 = tpu.memref_squeeze %dma_wait3A_176 : memref<1x40x128xf32, #tpu.memory_space<hbm>> -> memref<40x128xf32, #tpu.memory_space<hbm>>
      %dma_wait3A_178 = arith.constant 0 : i32
      %dma_wait3A_179 = arith.constant 0 : i32
      %dma_wait3A_180 = tpu.memref_slice %arg7[%dma_wait3A_170, %dma_wait3A_178, %dma_wait3A_179] : memref<2x40x128xf32, #tpu.memory_space<vmem>> -> memref<1x40x128xf32, #tpu.memory_space<vmem>>
      %dma_wait3A_181 = tpu.memref_squeeze %dma_wait3A_180 : memref<1x40x128xf32, #tpu.memory_space<vmem>> -> memref<40x128xf32, #tpu.memory_space<vmem>>
      %dma_wait3A_182 = arith.constant 0 : i32
      %dma_wait3A_183 = tpu.memref_slice %arg2[%add3A_1, %multiple_of3A_169, %dma_wait3A_182] : memref<4x160000x128xf32, #tpu.memory_space<hbm>> -> memref<1x40x128xf32, #tpu.memory_space<hbm>>
      %dma_wait3A_184 = tpu.memref_squeeze %dma_wait3A_183 : memref<1x40x128xf32, #tpu.memory_space<hbm>> -> memref<40x128xf32, #tpu.memory_space<hbm>>
      tpu.wait_dma2 semaphore(%arg10 : memref<!tpu.dma_semaphore, #tpu.memory_space<semaphore_mem>>) src(%dma_wait3A_184 : memref<40x128xf32, #tpu.memory_space<hbm>>) dst(%dma_wait3A_181 : memref<40x128xf32, #tpu.memory_space<vmem>>)
      %add3A_185 = arith.constant 1 : i32
      %add3A_186 = arith.addi %mul3A_83, %add3A_185 : i32
      %mul3A_187 = arith.constant 1 : i32
      %mul3A_188 = arith.muli %add3A_186, %mul3A_187 : i32
      %add3A_189 = arith.constant 0 : i32
      %add3A_190 = arith.addi %mul3A_188, %add3A_189 : i32
      %dma_start3A_191 = arith.constant 1 : i32
      %dma_start3A_192 = arith.constant 0 : i32
      %dma_start3A_193 = arith.constant 0 : i32
      %dma_start3A_194 = tpu.memref_slice %arg7[%dma_start3A_191, %dma_start3A_192, %dma_start3A_193] : memref<2x40x128xf32, #tpu.memory_space<vmem>> -> memref<1x40x128xf32, #tpu.memory_space<vmem>>
      %dma_start3A_195 = tpu.memref_squeeze %dma_start3A_194 : memref<1x40x128xf32, #tpu.memory_space<vmem>> -> memref<40x128xf32, #tpu.memory_space<vmem>>
      %dma_start3A_196 = arith.constant 0 : i32
      %dma_start3A_197 = tpu.memref_slice %arg6[%add3A_190, %dma_start3A_196] : memref<250x40xi32, #tpu.memory_space<vmem>> -> memref<1x40xi32, #tpu.memory_space<vmem>>
      %dma_start3A_198 = tpu.memref_squeeze %dma_start3A_197 : memref<1x40xi32, #tpu.memory_space<vmem>> -> memref<40xi32, #tpu.memory_space<vmem>>
      %dma_start3A_199 = arith.constant 0 : i32
      %dma_start3A_200 = arith.constant 0 : i32
      %dma_start3A_201 = tpu.memref_slice %arg8[%dma_start3A_199, %dma_start3A_200] : memref<10112x128xf32, #tpu.memory_space<vmem_shared>> -> memref<10112x128xf32, #tpu.memory_space<vmem_shared>>
      tpu.enqueue_indirect_dma source(%dma_start3A_195 : memref<40x128xf32, #tpu.memory_space<vmem>>) target(%dma_start3A_201 : memref<10112x128xf32, #tpu.memory_space<vmem_shared>>) offsets(%dma_start3A_198 : memref<40xi32, #tpu.memory_space<vmem>>) semaphore(%arg12 : memref<!tpu.dma_semaphore, #tpu.memory_space<semaphore_mem>>) {add = true}
      %add3A_202 = arith.constant 1 : i32
      %add3A_203 = arith.addi %mul3A_83, %add3A_202 : i32
      %mul3A_204 = arith.constant 1 : i32
      %mul3A_205 = arith.muli %add3A_203, %mul3A_204 : i32
      %add3A_206 = arith.constant 0 : i32
      %add3A_207 = arith.addi %mul3A_205, %add3A_206 : i32
      %dma_wait3A_208 = arith.constant 1 : i32
      %dma_wait3A_209 = arith.constant 0 : i32
      %dma_wait3A_210 = arith.constant 0 : i32
      %dma_wait3A_211 = tpu.memref_slice %arg7[%dma_wait3A_208, %dma_wait3A_209, %dma_wait3A_210] : memref<2x40x128xf32, #tpu.memory_space<vmem>> -> memref<1x40x128xf32, #tpu.memory_space<vmem>>
      %dma_wait3A_212 = tpu.memref_squeeze %dma_wait3A_211 : memref<1x40x128xf32, #tpu.memory_space<vmem>> -> memref<40x128xf32, #tpu.memory_space<vmem>>
      %dma_wait3A_213 = arith.constant 0 : i32
      %dma_wait3A_214 = tpu.memref_slice %arg6[%add3A_207, %dma_wait3A_213] : memref<250x40xi32, #tpu.memory_space<vmem>> -> memref<1x40xi32, #tpu.memory_space<vmem>>
      %dma_wait3A_215 = tpu.memref_squeeze %dma_wait3A_214 : memref<1x40xi32, #tpu.memory_space<vmem>> -> memref<40xi32, #tpu.memory_space<vmem>>
      %dma_wait3A_216 = arith.constant 0 : i32
      %dma_wait3A_217 = arith.constant 0 : i32
      %dma_wait3A_218 = tpu.memref_slice %arg8[%dma_wait3A_216, %dma_wait3A_217] : memref<10112x128xf32, #tpu.memory_space<vmem_shared>> -> memref<10112x128xf32, #tpu.memory_space<vmem_shared>>
      tpu.wait_indirect_dma semaphore(%arg12 : memref<!tpu.dma_semaphore, #tpu.memory_space<semaphore_mem>>) src(%dma_wait3A_212 : memref<40x128xf32, #tpu.memory_space<vmem>>) dst(%dma_wait3A_218 : memref<10112x128xf32, #tpu.memory_space<vmem_shared>>)
    }
    %scan3A_34 = arith.constant 125 : i32
    %barrier3A_35 = arith.constant 0 : index
    tpu.barrier barrier_id(%barrier3A_35)
    "tpu.region"() ({
      %run_scoped3A = tpu.sem_alloc : memref<!tpu.dma_semaphore, #tpu.memory_space<semaphore_mem>>
      %dma_start3A_81 = tpu.memref_slice %arg5[%multiple_of3A, %multiple_of3A_4] : memref<10112x512xf32, #tpu.memory_space<hbm>> -> memref<632x128xf32, #tpu.memory_space<hbm>>
      %dma_start3A_82 = arith.constant 0 : i32
      %dma_start3A_83 = tpu.memref_slice %arg8[%multiple_of3A, %dma_start3A_82] : memref<10112x128xf32, #tpu.memory_space<vmem_shared>> -> memref<632x128xf32, #tpu.memory_space<vmem_shared>>
      tpu.enqueue_dma source(%dma_start3A_83 : memref<632x128xf32, #tpu.memory_space<vmem_shared>>) target(%dma_start3A_81 : memref<632x128xf32, #tpu.memory_space<hbm>>) target_semaphore(%run_scoped3A : memref<!tpu.dma_semaphore, #tpu.memory_space<semaphore_mem>>)
      %dma_wait3A = tpu.memref_slice %arg5[%multiple_of3A, %multiple_of3A_4] : memref<10112x512xf32, #tpu.memory_space<hbm>> -> memref<632x128xf32, #tpu.memory_space<hbm>>
      %dma_wait3A_84 = arith.constant 0 : i32
      %dma_wait3A_85 = tpu.memref_slice %arg8[%multiple_of3A, %dma_wait3A_84] : memref<10112x128xf32, #tpu.memory_space<vmem_shared>> -> memref<632x128xf32, #tpu.memory_space<vmem_shared>>
      tpu.wait_dma2 semaphore(%run_scoped3A : memref<!tpu.dma_semaphore, #tpu.memory_space<semaphore_mem>>) src(%dma_wait3A_85 : memref<632x128xf32, #tpu.memory_space<vmem_shared>>) dst(%dma_wait3A : memref<632x128xf32, #tpu.memory_space<hbm>>)
      tpu.yield
    }) : () -> ()
    %barrier3A_36 = arith.constant 0 : index
    tpu.barrier barrier_id(%barrier3A_36)
    %add3A_37 = arith.constant 2 : i32
    %add3A_38 = arith.addi %add3A_37, %arg0 : i32
    %mul3A_39 = arith.constant 128 : i32
    %mul3A_40 = arith.muli %add3A_38, %mul3A_39 : i32
    %multiple_of3A_41 = tpu.assume_multiple %mul3A_40, 128 : i32
    %lt3A_42 = arith.constant 15 : i32
    %lt3A_43 = arith.cmpi slt, %arg1, %lt3A_42 : i32
    %convert_element_type3A_44 = arith.extui %lt3A_43 : i1 to i32
    %cond3A_45 = arith.constant 0 : i32
    %cond3A_46 = arith.cmpi ne, %convert_element_type3A_44, %cond3A_45 : i32
    scf.if %cond3A_46 {
      "tpu.region"() ({
        %run_scoped3A = tpu.sem_alloc : memref<!tpu.dma_semaphore, #tpu.memory_space<semaphore_mem>>
        %dma_start3A_81 = arith.constant 0 : i32
        %dma_start3A_82 = tpu.memref_slice %arg8[%multiple_of3A, %dma_start3A_81] : memref<10112x128xf32, #tpu.memory_space<vmem_shared>> -> memref<632x128xf32, #tpu.memory_space<vmem_shared>>
        %dma_start3A_83 = tpu.memref_slice %arg4[%multiple_of3A, %multiple_of3A_41] : memref<10112x512xf32, #tpu.memory_space<hbm>> -> memref<632x128xf32, #tpu.memory_space<hbm>>
        tpu.enqueue_dma source(%dma_start3A_83 : memref<632x128xf32, #tpu.memory_space<hbm>>) target(%dma_start3A_82 : memref<632x128xf32, #tpu.memory_space<vmem_shared>>) target_semaphore(%run_scoped3A : memref<!tpu.dma_semaphore, #tpu.memory_space<semaphore_mem>>)
        %dma_wait3A = arith.constant 0 : i32
        %dma_wait3A_84 = tpu.memref_slice %arg8[%multiple_of3A, %dma_wait3A] : memref<10112x128xf32, #tpu.memory_space<vmem_shared>> -> memref<632x128xf32, #tpu.memory_space<vmem_shared>>
        %dma_wait3A_85 = tpu.memref_slice %arg4[%multiple_of3A, %multiple_of3A_41] : memref<10112x512xf32, #tpu.memory_space<hbm>> -> memref<632x128xf32, #tpu.memory_space<hbm>>
        tpu.wait_dma2 semaphore(%run_scoped3A : memref<!tpu.dma_semaphore, #tpu.memory_space<semaphore_mem>>) src(%dma_wait3A_85 : memref<632x128xf32, #tpu.memory_space<hbm>>) dst(%dma_wait3A_84 : memref<632x128xf32, #tpu.memory_space<vmem_shared>>)
        tpu.yield
      }) : () -> ()
    } else {
    }
    %eq3A_47 = arith.constant 15 : i32
    %eq3A_48 = arith.cmpi eq, %arg1, %eq3A_47 : i32
    %convert_element_type3A_49 = arith.extui %eq3A_48 : i1 to i32
    %cond3A_50 = arith.constant 0 : i32
    %cond3A_51 = arith.cmpi ne, %convert_element_type3A_49, %cond3A_50 : i32
    scf.if %cond3A_51 {
      "tpu.region"() ({
        %run_scoped3A = tpu.sem_alloc : memref<!tpu.dma_semaphore, #tpu.memory_space<semaphore_mem>>
        %dma_start3A_81 = arith.constant 0 : i32
        %dma_start3A_82 = tpu.memref_slice %arg8[%multiple_of3A, %dma_start3A_81] : memref<10112x128xf32, #tpu.memory_space<vmem_shared>> -> memref<632x128xf32, #tpu.memory_space<vmem_shared>>
        %dma_start3A_83 = tpu.memref_slice %arg4[%multiple_of3A, %multiple_of3A_41] : memref<10112x512xf32, #tpu.memory_space<hbm>> -> memref<632x128xf32, #tpu.memory_space<hbm>>
        tpu.enqueue_dma source(%dma_start3A_83 : memref<632x128xf32, #tpu.memory_space<hbm>>) target(%dma_start3A_82 : memref<632x128xf32, #tpu.memory_space<vmem_shared>>) target_semaphore(%run_scoped3A : memref<!tpu.dma_semaphore, #tpu.memory_space<semaphore_mem>>)
        %dma_wait3A = arith.constant 0 : i32
        %dma_wait3A_84 = tpu.memref_slice %arg8[%multiple_of3A, %dma_wait3A] : memref<10112x128xf32, #tpu.memory_space<vmem_shared>> -> memref<632x128xf32, #tpu.memory_space<vmem_shared>>
        %dma_wait3A_85 = tpu.memref_slice %arg4[%multiple_of3A, %multiple_of3A_41] : memref<10112x512xf32, #tpu.memory_space<hbm>> -> memref<632x128xf32, #tpu.memory_space<hbm>>
        tpu.wait_dma2 semaphore(%run_scoped3A : memref<!tpu.dma_semaphore, #tpu.memory_space<semaphore_mem>>) src(%dma_wait3A_85 : memref<632x128xf32, #tpu.memory_space<hbm>>) dst(%dma_wait3A_84 : memref<632x128xf32, #tpu.memory_space<vmem_shared>>)
        tpu.yield
      }) : () -> ()
    } else {
    }
    %barrier3A_52 = arith.constant 0 : index
    tpu.barrier barrier_id(%barrier3A_52)
    %mul3A_53 = arith.constant 10000 : i32
    %mul3A_54 = arith.muli %arg1, %mul3A_53 : i32
    %add3A_55 = arith.constant 0 : i32
    %add3A_56 = arith.addi %mul3A_54, %add3A_55 : i32
    %multiple_of3A_57 = tpu.assume_multiple %add3A_56, 40 : i32
    %dma_start3A_58 = arith.constant 0 : i32
    %dma_start3A_59 = arith.constant 0 : i32
    %dma_start3A_60 = arith.constant 0 : i32
    %dma_start3A_61 = tpu.memref_slice %arg7[%dma_start3A_58, %dma_start3A_59, %dma_start3A_60] : memref<2x40x128xf32, #tpu.memory_space<vmem>> -> memref<1x40x128xf32, #tpu.memory_space<vmem>>
    %dma_start3A_62 = tpu.memref_squeeze %dma_start3A_61 : memref<1x40x128xf32, #tpu.memory_space<vmem>> -> memref<40x128xf32, #tpu.memory_space<vmem>>
    %dma_start3A_63 = arith.constant 0 : i32
    %dma_start3A_64 = tpu.memref_slice %arg2[%add3A_38, %multiple_of3A_57, %dma_start3A_63] : memref<4x160000x128xf32, #tpu.memory_space<hbm>> -> memref<1x40x128xf32, #tpu.memory_space<hbm>>
    %dma_start3A_65 = tpu.memref_squeeze %dma_start3A_64 : memref<1x40x128xf32, #tpu.memory_space<hbm>> -> memref<40x128xf32, #tpu.memory_space<hbm>>
    %dma_start3A_66 = arith.constant 0 : i32
    %dma_start3A_67 = arith.constant 0 : i32
    %dma_start3A_68 = tpu.memref_slice %arg7[%dma_start3A_58, %dma_start3A_66, %dma_start3A_67] : memref<2x40x128xf32, #tpu.memory_space<vmem>> -> memref<1x40x128xf32, #tpu.memory_space<vmem>>
    %dma_start3A_69 = tpu.memref_squeeze %dma_start3A_68 : memref<1x40x128xf32, #tpu.memory_space<vmem>> -> memref<40x128xf32, #tpu.memory_space<vmem>>
    %dma_start3A_70 = arith.constant 0 : i32
    %dma_start3A_71 = tpu.memref_slice %arg2[%add3A_38, %multiple_of3A_57, %dma_start3A_70] : memref<4x160000x128xf32, #tpu.memory_space<hbm>> -> memref<1x40x128xf32, #tpu.memory_space<hbm>>
    %dma_start3A_72 = tpu.memref_squeeze %dma_start3A_71 : memref<1x40x128xf32, #tpu.memory_space<hbm>> -> memref<40x128xf32, #tpu.memory_space<hbm>>
    tpu.enqueue_dma source(%dma_start3A_72 : memref<40x128xf32, #tpu.memory_space<hbm>>) target(%dma_start3A_69 : memref<40x128xf32, #tpu.memory_space<vmem>>) target_semaphore(%arg9 : memref<!tpu.dma_semaphore, #tpu.memory_space<semaphore_mem>>)
    %scan3A_73 = arith.constant 0 : i32
    %scan3A_74 = arith.constant 0 : i32
    %scan3A_75 = arith.constant 125 : i32
    %scan3A_76 = arith.addi %scan3A_74, %scan3A_75 : i32
    %scan3A_77 = arith.constant 1 : i32
    scf.for %scan3A_81 = %scan3A_74 to %scan3A_76 step %scan3A_77  : i32 {
      %mul3A_82 = arith.constant 2 : i32
      %mul3A_83 = arith.muli %mul3A_82, %scan3A_81 : i32
      %mul3A_84 = arith.constant 10000 : i32
      %mul3A_85 = arith.muli %arg1, %mul3A_84 : i32
      %mul3A_86 = arith.constant 40 : i32
      %mul3A_87 = arith.muli %mul3A_83, %mul3A_86 : i32
      %add3A_88 = arith.addi %mul3A_85, %mul3A_87 : i32
      %multiple_of3A_89 = tpu.assume_multiple %add3A_88, 40 : i32
      %dma_wait3A = arith.constant 0 : i32
      %dma_wait3A_90 = arith.constant 0 : i32
      %dma_wait3A_91 = arith.constant 0 : i32
      %dma_wait3A_92 = tpu.memref_slice %arg7[%dma_wait3A, %dma_wait3A_90, %dma_wait3A_91] : memref<2x40x128xf32, #tpu.memory_space<vmem>> -> memref<1x40x128xf32, #tpu.memory_space<vmem>>
      %dma_wait3A_93 = tpu.memref_squeeze %dma_wait3A_92 : memref<1x40x128xf32, #tpu.memory_space<vmem>> -> memref<40x128xf32, #tpu.memory_space<vmem>>
      %dma_wait3A_94 = arith.constant 0 : i32
      %dma_wait3A_95 = tpu.memref_slice %arg2[%add3A_38, %multiple_of3A_89, %dma_wait3A_94] : memref<4x160000x128xf32, #tpu.memory_space<hbm>> -> memref<1x40x128xf32, #tpu.memory_space<hbm>>
      %dma_wait3A_96 = tpu.memref_squeeze %dma_wait3A_95 : memref<1x40x128xf32, #tpu.memory_space<hbm>> -> memref<40x128xf32, #tpu.memory_space<hbm>>
      %dma_wait3A_97 = arith.constant 0 : i32
      %dma_wait3A_98 = arith.constant 0 : i32
      %dma_wait3A_99 = tpu.memref_slice %arg7[%dma_wait3A, %dma_wait3A_97, %dma_wait3A_98] : memref<2x40x128xf32, #tpu.memory_space<vmem>> -> memref<1x40x128xf32, #tpu.memory_space<vmem>>
      %dma_wait3A_100 = tpu.memref_squeeze %dma_wait3A_99 : memref<1x40x128xf32, #tpu.memory_space<vmem>> -> memref<40x128xf32, #tpu.memory_space<vmem>>
      %dma_wait3A_101 = arith.constant 0 : i32
      %dma_wait3A_102 = tpu.memref_slice %arg2[%add3A_38, %multiple_of3A_89, %dma_wait3A_101] : memref<4x160000x128xf32, #tpu.memory_space<hbm>> -> memref<1x40x128xf32, #tpu.memory_space<hbm>>
      %dma_wait3A_103 = tpu.memref_squeeze %dma_wait3A_102 : memref<1x40x128xf32, #tpu.memory_space<hbm>> -> memref<40x128xf32, #tpu.memory_space<hbm>>
      tpu.wait_dma2 semaphore(%arg9 : memref<!tpu.dma_semaphore, #tpu.memory_space<semaphore_mem>>) src(%dma_wait3A_103 : memref<40x128xf32, #tpu.memory_space<hbm>>) dst(%dma_wait3A_100 : memref<40x128xf32, #tpu.memory_space<vmem>>)
      %mul3A_104 = arith.constant 1 : i32
      %mul3A_105 = arith.muli %mul3A_83, %mul3A_104 : i32
      %add3A_106 = arith.constant 0 : i32
      %add3A_107 = arith.addi %mul3A_105, %add3A_106 : i32
      %dma_start3A_108 = arith.constant 0 : i32
      %dma_start3A_109 = arith.constant 0 : i32
      %dma_start3A_110 = arith.constant 0 : i32
      %dma_start3A_111 = tpu.memref_slice %arg7[%dma_start3A_108, %dma_start3A_109, %dma_start3A_110] : memref<2x40x128xf32, #tpu.memory_space<vmem>> -> memref<1x40x128xf32, #tpu.memory_space<vmem>>
      %dma_start3A_112 = tpu.memref_squeeze %dma_start3A_111 : memref<1x40x128xf32, #tpu.memory_space<vmem>> -> memref<40x128xf32, #tpu.memory_space<vmem>>
      %dma_start3A_113 = arith.constant 0 : i32
      %dma_start3A_114 = tpu.memref_slice %arg6[%add3A_107, %dma_start3A_113] : memref<250x40xi32, #tpu.memory_space<vmem>> -> memref<1x40xi32, #tpu.memory_space<vmem>>
      %dma_start3A_115 = tpu.memref_squeeze %dma_start3A_114 : memref<1x40xi32, #tpu.memory_space<vmem>> -> memref<40xi32, #tpu.memory_space<vmem>>
      %dma_start3A_116 = arith.constant 0 : i32
      %dma_start3A_117 = arith.constant 0 : i32
      %dma_start3A_118 = tpu.memref_slice %arg8[%dma_start3A_116, %dma_start3A_117] : memref<10112x128xf32, #tpu.memory_space<vmem_shared>> -> memref<10112x128xf32, #tpu.memory_space<vmem_shared>>
      tpu.enqueue_indirect_dma source(%dma_start3A_112 : memref<40x128xf32, #tpu.memory_space<vmem>>) target(%dma_start3A_118 : memref<10112x128xf32, #tpu.memory_space<vmem_shared>>) offsets(%dma_start3A_115 : memref<40xi32, #tpu.memory_space<vmem>>) semaphore(%arg11 : memref<!tpu.dma_semaphore, #tpu.memory_space<semaphore_mem>>) {add = true}
      %add3A_119 = arith.constant 1 : i32
      %add3A_120 = arith.addi %mul3A_83, %add3A_119 : i32
      %mul3A_121 = arith.constant 10000 : i32
      %mul3A_122 = arith.muli %arg1, %mul3A_121 : i32
      %mul3A_123 = arith.constant 40 : i32
      %mul3A_124 = arith.muli %add3A_120, %mul3A_123 : i32
      %add3A_125 = arith.addi %mul3A_122, %mul3A_124 : i32
      %multiple_of3A_126 = tpu.assume_multiple %add3A_125, 40 : i32
      %dma_start3A_127 = arith.constant 1 : i32
      %dma_start3A_128 = arith.constant 0 : i32
      %dma_start3A_129 = arith.constant 0 : i32
      %dma_start3A_130 = tpu.memref_slice %arg7[%dma_start3A_127, %dma_start3A_128, %dma_start3A_129] : memref<2x40x128xf32, #tpu.memory_space<vmem>> -> memref<1x40x128xf32, #tpu.memory_space<vmem>>
      %dma_start3A_131 = tpu.memref_squeeze %dma_start3A_130 : memref<1x40x128xf32, #tpu.memory_space<vmem>> -> memref<40x128xf32, #tpu.memory_space<vmem>>
      %dma_start3A_132 = arith.constant 0 : i32
      %dma_start3A_133 = tpu.memref_slice %arg2[%add3A_38, %multiple_of3A_126, %dma_start3A_132] : memref<4x160000x128xf32, #tpu.memory_space<hbm>> -> memref<1x40x128xf32, #tpu.memory_space<hbm>>
      %dma_start3A_134 = tpu.memref_squeeze %dma_start3A_133 : memref<1x40x128xf32, #tpu.memory_space<hbm>> -> memref<40x128xf32, #tpu.memory_space<hbm>>
      %dma_start3A_135 = arith.constant 0 : i32
      %dma_start3A_136 = arith.constant 0 : i32
      %dma_start3A_137 = tpu.memref_slice %arg7[%dma_start3A_127, %dma_start3A_135, %dma_start3A_136] : memref<2x40x128xf32, #tpu.memory_space<vmem>> -> memref<1x40x128xf32, #tpu.memory_space<vmem>>
      %dma_start3A_138 = tpu.memref_squeeze %dma_start3A_137 : memref<1x40x128xf32, #tpu.memory_space<vmem>> -> memref<40x128xf32, #tpu.memory_space<vmem>>
      %dma_start3A_139 = arith.constant 0 : i32
      %dma_start3A_140 = tpu.memref_slice %arg2[%add3A_38, %multiple_of3A_126, %dma_start3A_139] : memref<4x160000x128xf32, #tpu.memory_space<hbm>> -> memref<1x40x128xf32, #tpu.memory_space<hbm>>
      %dma_start3A_141 = tpu.memref_squeeze %dma_start3A_140 : memref<1x40x128xf32, #tpu.memory_space<hbm>> -> memref<40x128xf32, #tpu.memory_space<hbm>>
      tpu.enqueue_dma source(%dma_start3A_141 : memref<40x128xf32, #tpu.memory_space<hbm>>) target(%dma_start3A_138 : memref<40x128xf32, #tpu.memory_space<vmem>>) target_semaphore(%arg10 : memref<!tpu.dma_semaphore, #tpu.memory_space<semaphore_mem>>)
      %mul3A_142 = arith.constant 1 : i32
      %mul3A_143 = arith.muli %mul3A_83, %mul3A_142 : i32
      %add3A_144 = arith.constant 0 : i32
      %add3A_145 = arith.addi %mul3A_143, %add3A_144 : i32
      %dma_wait3A_146 = arith.constant 0 : i32
      %dma_wait3A_147 = arith.constant 0 : i32
      %dma_wait3A_148 = arith.constant 0 : i32
      %dma_wait3A_149 = tpu.memref_slice %arg7[%dma_wait3A_146, %dma_wait3A_147, %dma_wait3A_148] : memref<2x40x128xf32, #tpu.memory_space<vmem>> -> memref<1x40x128xf32, #tpu.memory_space<vmem>>
      %dma_wait3A_150 = tpu.memref_squeeze %dma_wait3A_149 : memref<1x40x128xf32, #tpu.memory_space<vmem>> -> memref<40x128xf32, #tpu.memory_space<vmem>>
      %dma_wait3A_151 = arith.constant 0 : i32
      %dma_wait3A_152 = tpu.memref_slice %arg6[%add3A_145, %dma_wait3A_151] : memref<250x40xi32, #tpu.memory_space<vmem>> -> memref<1x40xi32, #tpu.memory_space<vmem>>
      %dma_wait3A_153 = tpu.memref_squeeze %dma_wait3A_152 : memref<1x40xi32, #tpu.memory_space<vmem>> -> memref<40xi32, #tpu.memory_space<vmem>>
      %dma_wait3A_154 = arith.constant 0 : i32
      %dma_wait3A_155 = arith.constant 0 : i32
      %dma_wait3A_156 = tpu.memref_slice %arg8[%dma_wait3A_154, %dma_wait3A_155] : memref<10112x128xf32, #tpu.memory_space<vmem_shared>> -> memref<10112x128xf32, #tpu.memory_space<vmem_shared>>
      tpu.wait_indirect_dma semaphore(%arg11 : memref<!tpu.dma_semaphore, #tpu.memory_space<semaphore_mem>>) src(%dma_wait3A_150 : memref<40x128xf32, #tpu.memory_space<vmem>>) dst(%dma_wait3A_156 : memref<10112x128xf32, #tpu.memory_space<vmem_shared>>)
      %lt3A_157 = arith.constant 124 : i32
      %lt3A_158 = arith.cmpi slt, %scan3A_81, %lt3A_157 : i32
      %convert_element_type3A_159 = arith.extui %lt3A_158 : i1 to i32
      %cond3A_160 = arith.constant 0 : i32
      %cond3A_161 = arith.cmpi ne, %convert_element_type3A_159, %cond3A_160 : i32
      scf.if %cond3A_161 {
        %add3A_219 = arith.constant 2 : i32
        %add3A_220 = arith.addi %mul3A_83, %add3A_219 : i32
        %mul3A_221 = arith.constant 10000 : i32
        %mul3A_222 = arith.muli %arg1, %mul3A_221 : i32
        %mul3A_223 = arith.constant 40 : i32
        %mul3A_224 = arith.muli %add3A_220, %mul3A_223 : i32
        %add3A_225 = arith.addi %mul3A_222, %mul3A_224 : i32
        %multiple_of3A_226 = tpu.assume_multiple %add3A_225, 40 : i32
        %dma_start3A_227 = arith.constant 0 : i32
        %dma_start3A_228 = arith.constant 0 : i32
        %dma_start3A_229 = arith.constant 0 : i32
        %dma_start3A_230 = tpu.memref_slice %arg7[%dma_start3A_227, %dma_start3A_228, %dma_start3A_229] : memref<2x40x128xf32, #tpu.memory_space<vmem>> -> memref<1x40x128xf32, #tpu.memory_space<vmem>>
        %dma_start3A_231 = tpu.memref_squeeze %dma_start3A_230 : memref<1x40x128xf32, #tpu.memory_space<vmem>> -> memref<40x128xf32, #tpu.memory_space<vmem>>
        %dma_start3A_232 = arith.constant 0 : i32
        %dma_start3A_233 = tpu.memref_slice %arg2[%add3A_38, %multiple_of3A_226, %dma_start3A_232] : memref<4x160000x128xf32, #tpu.memory_space<hbm>> -> memref<1x40x128xf32, #tpu.memory_space<hbm>>
        %dma_start3A_234 = tpu.memref_squeeze %dma_start3A_233 : memref<1x40x128xf32, #tpu.memory_space<hbm>> -> memref<40x128xf32, #tpu.memory_space<hbm>>
        %dma_start3A_235 = arith.constant 0 : i32
        %dma_start3A_236 = arith.constant 0 : i32
        %dma_start3A_237 = tpu.memref_slice %arg7[%dma_start3A_227, %dma_start3A_235, %dma_start3A_236] : memref<2x40x128xf32, #tpu.memory_space<vmem>> -> memref<1x40x128xf32, #tpu.memory_space<vmem>>
        %dma_start3A_238 = tpu.memref_squeeze %dma_start3A_237 : memref<1x40x128xf32, #tpu.memory_space<vmem>> -> memref<40x128xf32, #tpu.memory_space<vmem>>
        %dma_start3A_239 = arith.constant 0 : i32
        %dma_start3A_240 = tpu.memref_slice %arg2[%add3A_38, %multiple_of3A_226, %dma_start3A_239] : memref<4x160000x128xf32, #tpu.memory_space<hbm>> -> memref<1x40x128xf32, #tpu.memory_space<hbm>>
        %dma_start3A_241 = tpu.memref_squeeze %dma_start3A_240 : memref<1x40x128xf32, #tpu.memory_space<hbm>> -> memref<40x128xf32, #tpu.memory_space<hbm>>
        tpu.enqueue_dma source(%dma_start3A_241 : memref<40x128xf32, #tpu.memory_space<hbm>>) target(%dma_start3A_238 : memref<40x128xf32, #tpu.memory_space<vmem>>) target_semaphore(%arg9 : memref<!tpu.dma_semaphore, #tpu.memory_space<semaphore_mem>>)
      } else {
      }
      %add3A_162 = arith.constant 1 : i32
      %add3A_163 = arith.addi %mul3A_83, %add3A_162 : i32
      %mul3A_164 = arith.constant 10000 : i32
      %mul3A_165 = arith.muli %arg1, %mul3A_164 : i32
      %mul3A_166 = arith.constant 40 : i32
      %mul3A_167 = arith.muli %add3A_163, %mul3A_166 : i32
      %add3A_168 = arith.addi %mul3A_165, %mul3A_167 : i32
      %multiple_of3A_169 = tpu.assume_multiple %add3A_168, 40 : i32
      %dma_wait3A_170 = arith.constant 1 : i32
      %dma_wait3A_171 = arith.constant 0 : i32
      %dma_wait3A_172 = arith.constant 0 : i32
      %dma_wait3A_173 = tpu.memref_slice %arg7[%dma_wait3A_170, %dma_wait3A_171, %dma_wait3A_172] : memref<2x40x128xf32, #tpu.memory_space<vmem>> -> memref<1x40x128xf32, #tpu.memory_space<vmem>>
      %dma_wait3A_174 = tpu.memref_squeeze %dma_wait3A_173 : memref<1x40x128xf32, #tpu.memory_space<vmem>> -> memref<40x128xf32, #tpu.memory_space<vmem>>
      %dma_wait3A_175 = arith.constant 0 : i32
      %dma_wait3A_176 = tpu.memref_slice %arg2[%add3A_38, %multiple_of3A_169, %dma_wait3A_175] : memref<4x160000x128xf32, #tpu.memory_space<hbm>> -> memref<1x40x128xf32, #tpu.memory_space<hbm>>
      %dma_wait3A_177 = tpu.memref_squeeze %dma_wait3A_176 : memref<1x40x128xf32, #tpu.memory_space<hbm>> -> memref<40x128xf32, #tpu.memory_space<hbm>>
      %dma_wait3A_178 = arith.constant 0 : i32
      %dma_wait3A_179 = arith.constant 0 : i32
      %dma_wait3A_180 = tpu.memref_slice %arg7[%dma_wait3A_170, %dma_wait3A_178, %dma_wait3A_179] : memref<2x40x128xf32, #tpu.memory_space<vmem>> -> memref<1x40x128xf32, #tpu.memory_space<vmem>>
      %dma_wait3A_181 = tpu.memref_squeeze %dma_wait3A_180 : memref<1x40x128xf32, #tpu.memory_space<vmem>> -> memref<40x128xf32, #tpu.memory_space<vmem>>
      %dma_wait3A_182 = arith.constant 0 : i32
      %dma_wait3A_183 = tpu.memref_slice %arg2[%add3A_38, %multiple_of3A_169, %dma_wait3A_182] : memref<4x160000x128xf32, #tpu.memory_space<hbm>> -> memref<1x40x128xf32, #tpu.memory_space<hbm>>
      %dma_wait3A_184 = tpu.memref_squeeze %dma_wait3A_183 : memref<1x40x128xf32, #tpu.memory_space<hbm>> -> memref<40x128xf32, #tpu.memory_space<hbm>>
      tpu.wait_dma2 semaphore(%arg10 : memref<!tpu.dma_semaphore, #tpu.memory_space<semaphore_mem>>) src(%dma_wait3A_184 : memref<40x128xf32, #tpu.memory_space<hbm>>) dst(%dma_wait3A_181 : memref<40x128xf32, #tpu.memory_space<vmem>>)
      %add3A_185 = arith.constant 1 : i32
      %add3A_186 = arith.addi %mul3A_83, %add3A_185 : i32
      %mul3A_187 = arith.constant 1 : i32
      %mul3A_188 = arith.muli %add3A_186, %mul3A_187 : i32
      %add3A_189 = arith.constant 0 : i32
      %add3A_190 = arith.addi %mul3A_188, %add3A_189 : i32
      %dma_start3A_191 = arith.constant 1 : i32
      %dma_start3A_192 = arith.constant 0 : i32
      %dma_start3A_193 = arith.constant 0 : i32
      %dma_start3A_194 = tpu.memref_slice %arg7[%dma_start3A_191, %dma_start3A_192, %dma_start3A_193] : memref<2x40x128xf32, #tpu.memory_space<vmem>> -> memref<1x40x128xf32, #tpu.memory_space<vmem>>
      %dma_start3A_195 = tpu.memref_squeeze %dma_start3A_194 : memref<1x40x128xf32, #tpu.memory_space<vmem>> -> memref<40x128xf32, #tpu.memory_space<vmem>>
      %dma_start3A_196 = arith.constant 0 : i32
      %dma_start3A_197 = tpu.memref_slice %arg6[%add3A_190, %dma_start3A_196] : memref<250x40xi32, #tpu.memory_space<vmem>> -> memref<1x40xi32, #tpu.memory_space<vmem>>
      %dma_start3A_198 = tpu.memref_squeeze %dma_start3A_197 : memref<1x40xi32, #tpu.memory_space<vmem>> -> memref<40xi32, #tpu.memory_space<vmem>>
      %dma_start3A_199 = arith.constant 0 : i32
      %dma_start3A_200 = arith.constant 0 : i32
      %dma_start3A_201 = tpu.memref_slice %arg8[%dma_start3A_199, %dma_start3A_200] : memref<10112x128xf32, #tpu.memory_space<vmem_shared>> -> memref<10112x128xf32, #tpu.memory_space<vmem_shared>>
      tpu.enqueue_indirect_dma source(%dma_start3A_195 : memref<40x128xf32, #tpu.memory_space<vmem>>) target(%dma_start3A_201 : memref<10112x128xf32, #tpu.memory_space<vmem_shared>>) offsets(%dma_start3A_198 : memref<40xi32, #tpu.memory_space<vmem>>) semaphore(%arg12 : memref<!tpu.dma_semaphore, #tpu.memory_space<semaphore_mem>>) {add = true}
      %add3A_202 = arith.constant 1 : i32
      %add3A_203 = arith.addi %mul3A_83, %add3A_202 : i32
      %mul3A_204 = arith.constant 1 : i32
      %mul3A_205 = arith.muli %add3A_203, %mul3A_204 : i32
      %add3A_206 = arith.constant 0 : i32
      %add3A_207 = arith.addi %mul3A_205, %add3A_206 : i32
      %dma_wait3A_208 = arith.constant 1 : i32
      %dma_wait3A_209 = arith.constant 0 : i32
      %dma_wait3A_210 = arith.constant 0 : i32
      %dma_wait3A_211 = tpu.memref_slice %arg7[%dma_wait3A_208, %dma_wait3A_209, %dma_wait3A_210] : memref<2x40x128xf32, #tpu.memory_space<vmem>> -> memref<1x40x128xf32, #tpu.memory_space<vmem>>
      %dma_wait3A_212 = tpu.memref_squeeze %dma_wait3A_211 : memref<1x40x128xf32, #tpu.memory_space<vmem>> -> memref<40x128xf32, #tpu.memory_space<vmem>>
      %dma_wait3A_213 = arith.constant 0 : i32
      %dma_wait3A_214 = tpu.memref_slice %arg6[%add3A_207, %dma_wait3A_213] : memref<250x40xi32, #tpu.memory_space<vmem>> -> memref<1x40xi32, #tpu.memory_space<vmem>>
      %dma_wait3A_215 = tpu.memref_squeeze %dma_wait3A_214 : memref<1x40xi32, #tpu.memory_space<vmem>> -> memref<40xi32, #tpu.memory_space<vmem>>
      %dma_wait3A_216 = arith.constant 0 : i32
      %dma_wait3A_217 = arith.constant 0 : i32
      %dma_wait3A_218 = tpu.memref_slice %arg8[%dma_wait3A_216, %dma_wait3A_217] : memref<10112x128xf32, #tpu.memory_space<vmem_shared>> -> memref<10112x128xf32, #tpu.memory_space<vmem_shared>>
      tpu.wait_indirect_dma semaphore(%arg12 : memref<!tpu.dma_semaphore, #tpu.memory_space<semaphore_mem>>) src(%dma_wait3A_212 : memref<40x128xf32, #tpu.memory_space<vmem>>) dst(%dma_wait3A_218 : memref<10112x128xf32, #tpu.memory_space<vmem_shared>>)
    }
    %scan3A_78 = arith.constant 125 : i32
    %barrier3A_79 = arith.constant 0 : index
    tpu.barrier barrier_id(%barrier3A_79)
    "tpu.region"() ({
      %run_scoped3A = tpu.sem_alloc : memref<!tpu.dma_semaphore, #tpu.memory_space<semaphore_mem>>
      %dma_start3A_81 = tpu.memref_slice %arg5[%multiple_of3A, %multiple_of3A_41] : memref<10112x512xf32, #tpu.memory_space<hbm>> -> memref<632x128xf32, #tpu.memory_space<hbm>>
      %dma_start3A_82 = arith.constant 0 : i32
      %dma_start3A_83 = tpu.memref_slice %arg8[%multiple_of3A, %dma_start3A_82] : memref<10112x128xf32, #tpu.memory_space<vmem_shared>> -> memref<632x128xf32, #tpu.memory_space<vmem_shared>>
      tpu.enqueue_dma source(%dma_start3A_83 : memref<632x128xf32, #tpu.memory_space<vmem_shared>>) target(%dma_start3A_81 : memref<632x128xf32, #tpu.memory_space<hbm>>) target_semaphore(%run_scoped3A : memref<!tpu.dma_semaphore, #tpu.memory_space<semaphore_mem>>)
      %dma_wait3A = tpu.memref_slice %arg5[%multiple_of3A, %multiple_of3A_41] : memref<10112x512xf32, #tpu.memory_space<hbm>> -> memref<632x128xf32, #tpu.memory_space<hbm>>
      %dma_wait3A_84 = arith.constant 0 : i32
      %dma_wait3A_85 = tpu.memref_slice %arg8[%multiple_of3A, %dma_wait3A_84] : memref<10112x128xf32, #tpu.memory_space<vmem_shared>> -> memref<632x128xf32, #tpu.memory_space<vmem_shared>>
      tpu.wait_dma2 semaphore(%run_scoped3A : memref<!tpu.dma_semaphore, #tpu.memory_space<semaphore_mem>>) src(%dma_wait3A_85 : memref<632x128xf32, #tpu.memory_space<vmem_shared>>) dst(%dma_wait3A : memref<632x128xf32, #tpu.memory_space<hbm>>)
      tpu.yield
    }) : () -> ()
    %barrier3A_80 = arith.constant 0 : index
    tpu.barrier barrier_id(%barrier3A_80)
    return
  }
}

#map = affine_map<(d0, d1) -> (0, 0, 0)>
#map1 = affine_map<(d0, d1) -> (0, 0)>
module attributes {stable_mosaic.version = 14 : i64} {
  func.func @k(%arg0: i32, %arg1: i32, %arg2: memref<2x160000x128xf32, #tpu.memory_space<hbm>>, %arg3: memref<16x250x40xi32, #tpu.memory_space<hbm>>, %arg4: memref<10000x256xf32, #tpu.memory_space<hbm>>, %arg5: memref<10112x256xf32, #tpu.memory_space<hbm>>, %arg6: memref<250x40xi32, #tpu.memory_space<vmem>>, %arg7: memref<2x40x128xf32, #tpu.memory_space<vmem>>, %arg8: memref<10112x128xf32, #tpu.memory_space<vmem_shared>>, %arg9: memref<!tpu.dma_semaphore, #tpu.memory_space<semaphore_mem>>, %arg10: memref<!tpu.dma_semaphore, #tpu.memory_space<semaphore_mem>>, %arg11: memref<!tpu.dma_semaphore, #tpu.memory_space<semaphore_mem>>, %arg12: memref<!tpu.dma_semaphore, #tpu.memory_space<semaphore_mem>>) attributes {dimension_semantics = [#tpu.dimension_semantics<core_parallel>, #tpu.dimension_semantics<subcore_parallel>], iteration_bounds = array<i64: 2, 16>, scalar_prefetch = 0 : i64, scratch_operands = 7 : i64, tpu.core_type = #tpu.core_type<sc_vector_subcore>, window_params = [{transform_indices = #map}, {transform_indices = #map}, {transform_indices = #map1}, {transform_indices = #map1}]} {
    %mul3A = arith.constant 632 : i32
    %mul3A_0 = arith.muli %arg1, %mul3A : i32
    %multiple_of3A = tpu.assume_multiple %mul3A_0, 632 : i32
    "tpu.region"() ({
      %run_scoped3A = tpu.sem_alloc : memref<!tpu.dma_semaphore, #tpu.memory_space<semaphore_mem>>
      %dma_start3A_37 = arith.constant 0 : i32
      %dma_start3A_38 = arith.constant 0 : i32
      %dma_start3A_39 = tpu.memref_slice %arg3[%arg1, %dma_start3A_37, %dma_start3A_38] : memref<16x250x40xi32, #tpu.memory_space<hbm>> -> memref<1x250x40xi32, #tpu.memory_space<hbm>>
      %dma_start3A_40 = tpu.memref_squeeze %dma_start3A_39 : memref<1x250x40xi32, #tpu.memory_space<hbm>> -> memref<250x40xi32, #tpu.memory_space<hbm>>
      %dma_start3A_41 = arith.constant 0 : i32
      %dma_start3A_42 = arith.constant 0 : i32
      %dma_start3A_43 = tpu.memref_slice %arg3[%arg1, %dma_start3A_41, %dma_start3A_42] : memref<16x250x40xi32, #tpu.memory_space<hbm>> -> memref<1x250x40xi32, #tpu.memory_space<hbm>>
      %dma_start3A_44 = tpu.memref_squeeze %dma_start3A_43 : memref<1x250x40xi32, #tpu.memory_space<hbm>> -> memref<250x40xi32, #tpu.memory_space<hbm>>
      tpu.enqueue_dma source(%dma_start3A_44 : memref<250x40xi32, #tpu.memory_space<hbm>>) target(%arg6 : memref<250x40xi32, #tpu.memory_space<vmem>>) target_semaphore(%run_scoped3A : memref<!tpu.dma_semaphore, #tpu.memory_space<semaphore_mem>>)
      %dma_wait3A = arith.constant 0 : i32
      %dma_wait3A_45 = arith.constant 0 : i32
      %dma_wait3A_46 = tpu.memref_slice %arg3[%arg1, %dma_wait3A, %dma_wait3A_45] : memref<16x250x40xi32, #tpu.memory_space<hbm>> -> memref<1x250x40xi32, #tpu.memory_space<hbm>>
      %dma_wait3A_47 = tpu.memref_squeeze %dma_wait3A_46 : memref<1x250x40xi32, #tpu.memory_space<hbm>> -> memref<250x40xi32, #tpu.memory_space<hbm>>
      %dma_wait3A_48 = arith.constant 0 : i32
      %dma_wait3A_49 = arith.constant 0 : i32
      %dma_wait3A_50 = tpu.memref_slice %arg3[%arg1, %dma_wait3A_48, %dma_wait3A_49] : memref<16x250x40xi32, #tpu.memory_space<hbm>> -> memref<1x250x40xi32, #tpu.memory_space<hbm>>
      %dma_wait3A_51 = tpu.memref_squeeze %dma_wait3A_50 : memref<1x250x40xi32, #tpu.memory_space<hbm>> -> memref<250x40xi32, #tpu.memory_space<hbm>>
      tpu.wait_dma2 semaphore(%run_scoped3A : memref<!tpu.dma_semaphore, #tpu.memory_space<semaphore_mem>>) src(%dma_wait3A_51 : memref<250x40xi32, #tpu.memory_space<hbm>>) dst(%arg6 : memref<250x40xi32, #tpu.memory_space<vmem>>)
      tpu.yield
    }) : () -> ()
    %add3A = arith.constant 0 : i32
    %add3A_1 = arith.addi %add3A, %arg0 : i32
    %mul3A_2 = arith.constant 128 : i32
    %mul3A_3 = arith.muli %add3A_1, %mul3A_2 : i32
    %multiple_of3A_4 = tpu.assume_multiple %mul3A_3, 128 : i32
    %lt3A = arith.constant 15 : i32
    %lt3A_5 = arith.cmpi slt, %arg1, %lt3A : i32
    %convert_element_type3A = arith.extui %lt3A_5 : i1 to i32
    %cond3A = arith.constant 0 : i32
    %cond3A_6 = arith.cmpi ne, %convert_element_type3A, %cond3A : i32
    scf.if %cond3A_6 {
      "tpu.region"() ({
        %run_scoped3A = tpu.sem_alloc : memref<!tpu.dma_semaphore, #tpu.memory_space<semaphore_mem>>
        %dma_start3A_37 = arith.constant 0 : i32
        %dma_start3A_38 = tpu.memref_slice %arg8[%multiple_of3A, %dma_start3A_37] : memref<10112x128xf32, #tpu.memory_space<vmem_shared>> -> memref<632x128xf32, #tpu.memory_space<vmem_shared>>
        %dma_start3A_39 = tpu.memref_slice %arg4[%multiple_of3A, %multiple_of3A_4] : memref<10000x256xf32, #tpu.memory_space<hbm>> -> memref<632x128xf32, #tpu.memory_space<hbm>>
        tpu.enqueue_dma source(%dma_start3A_39 : memref<632x128xf32, #tpu.memory_space<hbm>>) target(%dma_start3A_38 : memref<632x128xf32, #tpu.memory_space<vmem_shared>>) target_semaphore(%run_scoped3A : memref<!tpu.dma_semaphore, #tpu.memory_space<semaphore_mem>>)
        %dma_wait3A = arith.constant 0 : i32
        %dma_wait3A_40 = tpu.memref_slice %arg8[%multiple_of3A, %dma_wait3A] : memref<10112x128xf32, #tpu.memory_space<vmem_shared>> -> memref<632x128xf32, #tpu.memory_space<vmem_shared>>
        %dma_wait3A_41 = tpu.memref_slice %arg4[%multiple_of3A, %multiple_of3A_4] : memref<10000x256xf32, #tpu.memory_space<hbm>> -> memref<632x128xf32, #tpu.memory_space<hbm>>
        tpu.wait_dma2 semaphore(%run_scoped3A : memref<!tpu.dma_semaphore, #tpu.memory_space<semaphore_mem>>) src(%dma_wait3A_41 : memref<632x128xf32, #tpu.memory_space<hbm>>) dst(%dma_wait3A_40 : memref<632x128xf32, #tpu.memory_space<vmem_shared>>)
        tpu.yield
      }) : () -> ()
    } else {
    }
    %eq3A = arith.constant 15 : i32
    %eq3A_7 = arith.cmpi eq, %arg1, %eq3A : i32
    %convert_element_type3A_8 = arith.extui %eq3A_7 : i1 to i32
    %cond3A_9 = arith.constant 0 : i32
    %cond3A_10 = arith.cmpi ne, %convert_element_type3A_8, %cond3A_9 : i32
    scf.if %cond3A_10 {
      "tpu.region"() ({
        %run_scoped3A = tpu.sem_alloc : memref<!tpu.dma_semaphore, #tpu.memory_space<semaphore_mem>>
        %dma_start3A_37 = arith.constant 0 : i32
        %dma_start3A_38 = tpu.memref_slice %arg8[%multiple_of3A, %dma_start3A_37] : memref<10112x128xf32, #tpu.memory_space<vmem_shared>> -> memref<520x128xf32, #tpu.memory_space<vmem_shared>>
        %dma_start3A_39 = tpu.memref_slice %arg4[%multiple_of3A, %multiple_of3A_4] : memref<10000x256xf32, #tpu.memory_space<hbm>> -> memref<520x128xf32, #tpu.memory_space<hbm>>
        tpu.enqueue_dma source(%dma_start3A_39 : memref<520x128xf32, #tpu.memory_space<hbm>>) target(%dma_start3A_38 : memref<520x128xf32, #tpu.memory_space<vmem_shared>>) target_semaphore(%run_scoped3A : memref<!tpu.dma_semaphore, #tpu.memory_space<semaphore_mem>>)
        %dma_wait3A = arith.constant 0 : i32
        %dma_wait3A_40 = tpu.memref_slice %arg8[%multiple_of3A, %dma_wait3A] : memref<10112x128xf32, #tpu.memory_space<vmem_shared>> -> memref<520x128xf32, #tpu.memory_space<vmem_shared>>
        %dma_wait3A_41 = tpu.memref_slice %arg4[%multiple_of3A, %multiple_of3A_4] : memref<10000x256xf32, #tpu.memory_space<hbm>> -> memref<520x128xf32, #tpu.memory_space<hbm>>
        tpu.wait_dma2 semaphore(%run_scoped3A : memref<!tpu.dma_semaphore, #tpu.memory_space<semaphore_mem>>) src(%dma_wait3A_41 : memref<520x128xf32, #tpu.memory_space<hbm>>) dst(%dma_wait3A_40 : memref<520x128xf32, #tpu.memory_space<vmem_shared>>)
        tpu.yield
      }) : () -> ()
    } else {
    }
    %barrier3A = arith.constant 0 : index
    tpu.barrier barrier_id(%barrier3A)
    %mul3A_11 = arith.constant 10000 : i32
    %mul3A_12 = arith.muli %arg1, %mul3A_11 : i32
    %add3A_13 = arith.constant 0 : i32
    %add3A_14 = arith.addi %mul3A_12, %add3A_13 : i32
    %multiple_of3A_15 = tpu.assume_multiple %add3A_14, 40 : i32
    %dma_start3A = arith.constant 0 : i32
    %dma_start3A_16 = arith.constant 0 : i32
    %dma_start3A_17 = arith.constant 0 : i32
    %dma_start3A_18 = tpu.memref_slice %arg7[%dma_start3A, %dma_start3A_16, %dma_start3A_17] : memref<2x40x128xf32, #tpu.memory_space<vmem>> -> memref<1x40x128xf32, #tpu.memory_space<vmem>>
    %dma_start3A_19 = tpu.memref_squeeze %dma_start3A_18 : memref<1x40x128xf32, #tpu.memory_space<vmem>> -> memref<40x128xf32, #tpu.memory_space<vmem>>
    %dma_start3A_20 = arith.constant 0 : i32
    %dma_start3A_21 = tpu.memref_slice %arg2[%add3A_1, %multiple_of3A_15, %dma_start3A_20] : memref<2x160000x128xf32, #tpu.memory_space<hbm>> -> memref<1x40x128xf32, #tpu.memory_space<hbm>>
    %dma_start3A_22 = tpu.memref_squeeze %dma_start3A_21 : memref<1x40x128xf32, #tpu.memory_space<hbm>> -> memref<40x128xf32, #tpu.memory_space<hbm>>
    %dma_start3A_23 = arith.constant 0 : i32
    %dma_start3A_24 = arith.constant 0 : i32
    %dma_start3A_25 = tpu.memref_slice %arg7[%dma_start3A, %dma_start3A_23, %dma_start3A_24] : memref<2x40x128xf32, #tpu.memory_space<vmem>> -> memref<1x40x128xf32, #tpu.memory_space<vmem>>
    %dma_start3A_26 = tpu.memref_squeeze %dma_start3A_25 : memref<1x40x128xf32, #tpu.memory_space<vmem>> -> memref<40x128xf32, #tpu.memory_space<vmem>>
    %dma_start3A_27 = arith.constant 0 : i32
    %dma_start3A_28 = tpu.memref_slice %arg2[%add3A_1, %multiple_of3A_15, %dma_start3A_27] : memref<2x160000x128xf32, #tpu.memory_space<hbm>> -> memref<1x40x128xf32, #tpu.memory_space<hbm>>
    %dma_start3A_29 = tpu.memref_squeeze %dma_start3A_28 : memref<1x40x128xf32, #tpu.memory_space<hbm>> -> memref<40x128xf32, #tpu.memory_space<hbm>>
    tpu.enqueue_dma source(%dma_start3A_29 : memref<40x128xf32, #tpu.memory_space<hbm>>) target(%dma_start3A_26 : memref<40x128xf32, #tpu.memory_space<vmem>>) target_semaphore(%arg9 : memref<!tpu.dma_semaphore, #tpu.memory_space<semaphore_mem>>)
    %scan3A = arith.constant 0 : i32
    %scan3A_30 = arith.constant 0 : i32
    %scan3A_31 = arith.constant 125 : i32
    %scan3A_32 = arith.addi %scan3A_30, %scan3A_31 : i32
    %scan3A_33 = arith.constant 1 : i32
    scf.for %scan3A_37 = %scan3A_30 to %scan3A_32 step %scan3A_33  : i32 {
      %mul3A_38 = arith.constant 2 : i32
      %mul3A_39 = arith.muli %mul3A_38, %scan3A_37 : i32
      %mul3A_40 = arith.constant 10000 : i32
      %mul3A_41 = arith.muli %arg1, %mul3A_40 : i32
      %mul3A_42 = arith.constant 40 : i32
      %mul3A_43 = arith.muli %mul3A_39, %mul3A_42 : i32
      %add3A_44 = arith.addi %mul3A_41, %mul3A_43 : i32
      %multiple_of3A_45 = tpu.assume_multiple %add3A_44, 40 : i32
      %dma_wait3A = arith.constant 0 : i32
      %dma_wait3A_46 = arith.constant 0 : i32
      %dma_wait3A_47 = arith.constant 0 : i32
      %dma_wait3A_48 = tpu.memref_slice %arg7[%dma_wait3A, %dma_wait3A_46, %dma_wait3A_47] : memref<2x40x128xf32, #tpu.memory_space<vmem>> -> memref<1x40x128xf32, #tpu.memory_space<vmem>>
      %dma_wait3A_49 = tpu.memref_squeeze %dma_wait3A_48 : memref<1x40x128xf32, #tpu.memory_space<vmem>> -> memref<40x128xf32, #tpu.memory_space<vmem>>
      %dma_wait3A_50 = arith.constant 0 : i32
      %dma_wait3A_51 = tpu.memref_slice %arg2[%add3A_1, %multiple_of3A_45, %dma_wait3A_50] : memref<2x160000x128xf32, #tpu.memory_space<hbm>> -> memref<1x40x128xf32, #tpu.memory_space<hbm>>
      %dma_wait3A_52 = tpu.memref_squeeze %dma_wait3A_51 : memref<1x40x128xf32, #tpu.memory_space<hbm>> -> memref<40x128xf32, #tpu.memory_space<hbm>>
      %dma_wait3A_53 = arith.constant 0 : i32
      %dma_wait3A_54 = arith.constant 0 : i32
      %dma_wait3A_55 = tpu.memref_slice %arg7[%dma_wait3A, %dma_wait3A_53, %dma_wait3A_54] : memref<2x40x128xf32, #tpu.memory_space<vmem>> -> memref<1x40x128xf32, #tpu.memory_space<vmem>>
      %dma_wait3A_56 = tpu.memref_squeeze %dma_wait3A_55 : memref<1x40x128xf32, #tpu.memory_space<vmem>> -> memref<40x128xf32, #tpu.memory_space<vmem>>
      %dma_wait3A_57 = arith.constant 0 : i32
      %dma_wait3A_58 = tpu.memref_slice %arg2[%add3A_1, %multiple_of3A_45, %dma_wait3A_57] : memref<2x160000x128xf32, #tpu.memory_space<hbm>> -> memref<1x40x128xf32, #tpu.memory_space<hbm>>
      %dma_wait3A_59 = tpu.memref_squeeze %dma_wait3A_58 : memref<1x40x128xf32, #tpu.memory_space<hbm>> -> memref<40x128xf32, #tpu.memory_space<hbm>>
      tpu.wait_dma2 semaphore(%arg9 : memref<!tpu.dma_semaphore, #tpu.memory_space<semaphore_mem>>) src(%dma_wait3A_59 : memref<40x128xf32, #tpu.memory_space<hbm>>) dst(%dma_wait3A_56 : memref<40x128xf32, #tpu.memory_space<vmem>>)
      %mul3A_60 = arith.constant 1 : i32
      %mul3A_61 = arith.muli %mul3A_39, %mul3A_60 : i32
      %add3A_62 = arith.constant 0 : i32
      %add3A_63 = arith.addi %mul3A_61, %add3A_62 : i32
      %dma_start3A_64 = arith.constant 0 : i32
      %dma_start3A_65 = arith.constant 0 : i32
      %dma_start3A_66 = arith.constant 0 : i32
      %dma_start3A_67 = tpu.memref_slice %arg7[%dma_start3A_64, %dma_start3A_65, %dma_start3A_66] : memref<2x40x128xf32, #tpu.memory_space<vmem>> -> memref<1x40x128xf32, #tpu.memory_space<vmem>>
      %dma_start3A_68 = tpu.memref_squeeze %dma_start3A_67 : memref<1x40x128xf32, #tpu.memory_space<vmem>> -> memref<40x128xf32, #tpu.memory_space<vmem>>
      %dma_start3A_69 = arith.constant 0 : i32
      %dma_start3A_70 = tpu.memref_slice %arg6[%add3A_63, %dma_start3A_69] : memref<250x40xi32, #tpu.memory_space<vmem>> -> memref<1x40xi32, #tpu.memory_space<vmem>>
      %dma_start3A_71 = tpu.memref_squeeze %dma_start3A_70 : memref<1x40xi32, #tpu.memory_space<vmem>> -> memref<40xi32, #tpu.memory_space<vmem>>
      %dma_start3A_72 = arith.constant 0 : i32
      %dma_start3A_73 = arith.constant 0 : i32
      %dma_start3A_74 = tpu.memref_slice %arg8[%dma_start3A_72, %dma_start3A_73] : memref<10112x128xf32, #tpu.memory_space<vmem_shared>> -> memref<10112x128xf32, #tpu.memory_space<vmem_shared>>
      tpu.enqueue_indirect_dma source(%dma_start3A_68 : memref<40x128xf32, #tpu.memory_space<vmem>>) target(%dma_start3A_74 : memref<10112x128xf32, #tpu.memory_space<vmem_shared>>) offsets(%dma_start3A_71 : memref<40xi32, #tpu.memory_space<vmem>>) semaphore(%arg11 : memref<!tpu.dma_semaphore, #tpu.memory_space<semaphore_mem>>) {add = true}
      %add3A_75 = arith.constant 1 : i32
      %add3A_76 = arith.addi %mul3A_39, %add3A_75 : i32
      %mul3A_77 = arith.constant 10000 : i32
      %mul3A_78 = arith.muli %arg1, %mul3A_77 : i32
      %mul3A_79 = arith.constant 40 : i32
      %mul3A_80 = arith.muli %add3A_76, %mul3A_79 : i32
      %add3A_81 = arith.addi %mul3A_78, %mul3A_80 : i32
      %multiple_of3A_82 = tpu.assume_multiple %add3A_81, 40 : i32
      %dma_start3A_83 = arith.constant 1 : i32
      %dma_start3A_84 = arith.constant 0 : i32
      %dma_start3A_85 = arith.constant 0 : i32
      %dma_start3A_86 = tpu.memref_slice %arg7[%dma_start3A_83, %dma_start3A_84, %dma_start3A_85] : memref<2x40x128xf32, #tpu.memory_space<vmem>> -> memref<1x40x128xf32, #tpu.memory_space<vmem>>
      %dma_start3A_87 = tpu.memref_squeeze %dma_start3A_86 : memref<1x40x128xf32, #tpu.memory_space<vmem>> -> memref<40x128xf32, #tpu.memory_space<vmem>>
      %dma_start3A_88 = arith.constant 0 : i32
      %dma_start3A_89 = tpu.memref_slice %arg2[%add3A_1, %multiple_of3A_82, %dma_start3A_88] : memref<2x160000x128xf32, #tpu.memory_space<hbm>> -> memref<1x40x128xf32, #tpu.memory_space<hbm>>
      %dma_start3A_90 = tpu.memref_squeeze %dma_start3A_89 : memref<1x40x128xf32, #tpu.memory_space<hbm>> -> memref<40x128xf32, #tpu.memory_space<hbm>>
      %dma_start3A_91 = arith.constant 0 : i32
      %dma_start3A_92 = arith.constant 0 : i32
      %dma_start3A_93 = tpu.memref_slice %arg7[%dma_start3A_83, %dma_start3A_91, %dma_start3A_92] : memref<2x40x128xf32, #tpu.memory_space<vmem>> -> memref<1x40x128xf32, #tpu.memory_space<vmem>>
      %dma_start3A_94 = tpu.memref_squeeze %dma_start3A_93 : memref<1x40x128xf32, #tpu.memory_space<vmem>> -> memref<40x128xf32, #tpu.memory_space<vmem>>
      %dma_start3A_95 = arith.constant 0 : i32
      %dma_start3A_96 = tpu.memref_slice %arg2[%add3A_1, %multiple_of3A_82, %dma_start3A_95] : memref<2x160000x128xf32, #tpu.memory_space<hbm>> -> memref<1x40x128xf32, #tpu.memory_space<hbm>>
      %dma_start3A_97 = tpu.memref_squeeze %dma_start3A_96 : memref<1x40x128xf32, #tpu.memory_space<hbm>> -> memref<40x128xf32, #tpu.memory_space<hbm>>
      tpu.enqueue_dma source(%dma_start3A_97 : memref<40x128xf32, #tpu.memory_space<hbm>>) target(%dma_start3A_94 : memref<40x128xf32, #tpu.memory_space<vmem>>) target_semaphore(%arg10 : memref<!tpu.dma_semaphore, #tpu.memory_space<semaphore_mem>>)
      %mul3A_98 = arith.constant 1 : i32
      %mul3A_99 = arith.muli %mul3A_39, %mul3A_98 : i32
      %add3A_100 = arith.constant 0 : i32
      %add3A_101 = arith.addi %mul3A_99, %add3A_100 : i32
      %dma_wait3A_102 = arith.constant 0 : i32
      %dma_wait3A_103 = arith.constant 0 : i32
      %dma_wait3A_104 = arith.constant 0 : i32
      %dma_wait3A_105 = tpu.memref_slice %arg7[%dma_wait3A_102, %dma_wait3A_103, %dma_wait3A_104] : memref<2x40x128xf32, #tpu.memory_space<vmem>> -> memref<1x40x128xf32, #tpu.memory_space<vmem>>
      %dma_wait3A_106 = tpu.memref_squeeze %dma_wait3A_105 : memref<1x40x128xf32, #tpu.memory_space<vmem>> -> memref<40x128xf32, #tpu.memory_space<vmem>>
      %dma_wait3A_107 = arith.constant 0 : i32
      %dma_wait3A_108 = tpu.memref_slice %arg6[%add3A_101, %dma_wait3A_107] : memref<250x40xi32, #tpu.memory_space<vmem>> -> memref<1x40xi32, #tpu.memory_space<vmem>>
      %dma_wait3A_109 = tpu.memref_squeeze %dma_wait3A_108 : memref<1x40xi32, #tpu.memory_space<vmem>> -> memref<40xi32, #tpu.memory_space<vmem>>
      %dma_wait3A_110 = arith.constant 0 : i32
      %dma_wait3A_111 = arith.constant 0 : i32
      %dma_wait3A_112 = tpu.memref_slice %arg8[%dma_wait3A_110, %dma_wait3A_111] : memref<10112x128xf32, #tpu.memory_space<vmem_shared>> -> memref<10112x128xf32, #tpu.memory_space<vmem_shared>>
      tpu.wait_indirect_dma semaphore(%arg11 : memref<!tpu.dma_semaphore, #tpu.memory_space<semaphore_mem>>) src(%dma_wait3A_106 : memref<40x128xf32, #tpu.memory_space<vmem>>) dst(%dma_wait3A_112 : memref<10112x128xf32, #tpu.memory_space<vmem_shared>>)
      %lt3A_113 = arith.constant 124 : i32
      %lt3A_114 = arith.cmpi slt, %scan3A_37, %lt3A_113 : i32
      %convert_element_type3A_115 = arith.extui %lt3A_114 : i1 to i32
      %cond3A_116 = arith.constant 0 : i32
      %cond3A_117 = arith.cmpi ne, %convert_element_type3A_115, %cond3A_116 : i32
      scf.if %cond3A_117 {
        %add3A_175 = arith.constant 2 : i32
        %add3A_176 = arith.addi %mul3A_39, %add3A_175 : i32
        %mul3A_177 = arith.constant 10000 : i32
        %mul3A_178 = arith.muli %arg1, %mul3A_177 : i32
        %mul3A_179 = arith.constant 40 : i32
        %mul3A_180 = arith.muli %add3A_176, %mul3A_179 : i32
        %add3A_181 = arith.addi %mul3A_178, %mul3A_180 : i32
        %multiple_of3A_182 = tpu.assume_multiple %add3A_181, 40 : i32
        %dma_start3A_183 = arith.constant 0 : i32
        %dma_start3A_184 = arith.constant 0 : i32
        %dma_start3A_185 = arith.constant 0 : i32
        %dma_start3A_186 = tpu.memref_slice %arg7[%dma_start3A_183, %dma_start3A_184, %dma_start3A_185] : memref<2x40x128xf32, #tpu.memory_space<vmem>> -> memref<1x40x128xf32, #tpu.memory_space<vmem>>
        %dma_start3A_187 = tpu.memref_squeeze %dma_start3A_186 : memref<1x40x128xf32, #tpu.memory_space<vmem>> -> memref<40x128xf32, #tpu.memory_space<vmem>>
        %dma_start3A_188 = arith.constant 0 : i32
        %dma_start3A_189 = tpu.memref_slice %arg2[%add3A_1, %multiple_of3A_182, %dma_start3A_188] : memref<2x160000x128xf32, #tpu.memory_space<hbm>> -> memref<1x40x128xf32, #tpu.memory_space<hbm>>
        %dma_start3A_190 = tpu.memref_squeeze %dma_start3A_189 : memref<1x40x128xf32, #tpu.memory_space<hbm>> -> memref<40x128xf32, #tpu.memory_space<hbm>>
        %dma_start3A_191 = arith.constant 0 : i32
        %dma_start3A_192 = arith.constant 0 : i32
        %dma_start3A_193 = tpu.memref_slice %arg7[%dma_start3A_183, %dma_start3A_191, %dma_start3A_192] : memref<2x40x128xf32, #tpu.memory_space<vmem>> -> memref<1x40x128xf32, #tpu.memory_space<vmem>>
        %dma_start3A_194 = tpu.memref_squeeze %dma_start3A_193 : memref<1x40x128xf32, #tpu.memory_space<vmem>> -> memref<40x128xf32, #tpu.memory_space<vmem>>
        %dma_start3A_195 = arith.constant 0 : i32
        %dma_start3A_196 = tpu.memref_slice %arg2[%add3A_1, %multiple_of3A_182, %dma_start3A_195] : memref<2x160000x128xf32, #tpu.memory_space<hbm>> -> memref<1x40x128xf32, #tpu.memory_space<hbm>>
        %dma_start3A_197 = tpu.memref_squeeze %dma_start3A_196 : memref<1x40x128xf32, #tpu.memory_space<hbm>> -> memref<40x128xf32, #tpu.memory_space<hbm>>
        tpu.enqueue_dma source(%dma_start3A_197 : memref<40x128xf32, #tpu.memory_space<hbm>>) target(%dma_start3A_194 : memref<40x128xf32, #tpu.memory_space<vmem>>) target_semaphore(%arg9 : memref<!tpu.dma_semaphore, #tpu.memory_space<semaphore_mem>>)
      } else {
      }
      %add3A_118 = arith.constant 1 : i32
      %add3A_119 = arith.addi %mul3A_39, %add3A_118 : i32
      %mul3A_120 = arith.constant 10000 : i32
      %mul3A_121 = arith.muli %arg1, %mul3A_120 : i32
      %mul3A_122 = arith.constant 40 : i32
      %mul3A_123 = arith.muli %add3A_119, %mul3A_122 : i32
      %add3A_124 = arith.addi %mul3A_121, %mul3A_123 : i32
      %multiple_of3A_125 = tpu.assume_multiple %add3A_124, 40 : i32
      %dma_wait3A_126 = arith.constant 1 : i32
      %dma_wait3A_127 = arith.constant 0 : i32
      %dma_wait3A_128 = arith.constant 0 : i32
      %dma_wait3A_129 = tpu.memref_slice %arg7[%dma_wait3A_126, %dma_wait3A_127, %dma_wait3A_128] : memref<2x40x128xf32, #tpu.memory_space<vmem>> -> memref<1x40x128xf32, #tpu.memory_space<vmem>>
      %dma_wait3A_130 = tpu.memref_squeeze %dma_wait3A_129 : memref<1x40x128xf32, #tpu.memory_space<vmem>> -> memref<40x128xf32, #tpu.memory_space<vmem>>
      %dma_wait3A_131 = arith.constant 0 : i32
      %dma_wait3A_132 = tpu.memref_slice %arg2[%add3A_1, %multiple_of3A_125, %dma_wait3A_131] : memref<2x160000x128xf32, #tpu.memory_space<hbm>> -> memref<1x40x128xf32, #tpu.memory_space<hbm>>
      %dma_wait3A_133 = tpu.memref_squeeze %dma_wait3A_132 : memref<1x40x128xf32, #tpu.memory_space<hbm>> -> memref<40x128xf32, #tpu.memory_space<hbm>>
      %dma_wait3A_134 = arith.constant 0 : i32
      %dma_wait3A_135 = arith.constant 0 : i32
      %dma_wait3A_136 = tpu.memref_slice %arg7[%dma_wait3A_126, %dma_wait3A_134, %dma_wait3A_135] : memref<2x40x128xf32, #tpu.memory_space<vmem>> -> memref<1x40x128xf32, #tpu.memory_space<vmem>>
      %dma_wait3A_137 = tpu.memref_squeeze %dma_wait3A_136 : memref<1x40x128xf32, #tpu.memory_space<vmem>> -> memref<40x128xf32, #tpu.memory_space<vmem>>
      %dma_wait3A_138 = arith.constant 0 : i32
      %dma_wait3A_139 = tpu.memref_slice %arg2[%add3A_1, %multiple_of3A_125, %dma_wait3A_138] : memref<2x160000x128xf32, #tpu.memory_space<hbm>> -> memref<1x40x128xf32, #tpu.memory_space<hbm>>
      %dma_wait3A_140 = tpu.memref_squeeze %dma_wait3A_139 : memref<1x40x128xf32, #tpu.memory_space<hbm>> -> memref<40x128xf32, #tpu.memory_space<hbm>>
      tpu.wait_dma2 semaphore(%arg10 : memref<!tpu.dma_semaphore, #tpu.memory_space<semaphore_mem>>) src(%dma_wait3A_140 : memref<40x128xf32, #tpu.memory_space<hbm>>) dst(%dma_wait3A_137 : memref<40x128xf32, #tpu.memory_space<vmem>>)
      %add3A_141 = arith.constant 1 : i32
      %add3A_142 = arith.addi %mul3A_39, %add3A_141 : i32
      %mul3A_143 = arith.constant 1 : i32
      %mul3A_144 = arith.muli %add3A_142, %mul3A_143 : i32
      %add3A_145 = arith.constant 0 : i32
      %add3A_146 = arith.addi %mul3A_144, %add3A_145 : i32
      %dma_start3A_147 = arith.constant 1 : i32
      %dma_start3A_148 = arith.constant 0 : i32
      %dma_start3A_149 = arith.constant 0 : i32
      %dma_start3A_150 = tpu.memref_slice %arg7[%dma_start3A_147, %dma_start3A_148, %dma_start3A_149] : memref<2x40x128xf32, #tpu.memory_space<vmem>> -> memref<1x40x128xf32, #tpu.memory_space<vmem>>
      %dma_start3A_151 = tpu.memref_squeeze %dma_start3A_150 : memref<1x40x128xf32, #tpu.memory_space<vmem>> -> memref<40x128xf32, #tpu.memory_space<vmem>>
      %dma_start3A_152 = arith.constant 0 : i32
      %dma_start3A_153 = tpu.memref_slice %arg6[%add3A_146, %dma_start3A_152] : memref<250x40xi32, #tpu.memory_space<vmem>> -> memref<1x40xi32, #tpu.memory_space<vmem>>
      %dma_start3A_154 = tpu.memref_squeeze %dma_start3A_153 : memref<1x40xi32, #tpu.memory_space<vmem>> -> memref<40xi32, #tpu.memory_space<vmem>>
      %dma_start3A_155 = arith.constant 0 : i32
      %dma_start3A_156 = arith.constant 0 : i32
      %dma_start3A_157 = tpu.memref_slice %arg8[%dma_start3A_155, %dma_start3A_156] : memref<10112x128xf32, #tpu.memory_space<vmem_shared>> -> memref<10112x128xf32, #tpu.memory_space<vmem_shared>>
      tpu.enqueue_indirect_dma source(%dma_start3A_151 : memref<40x128xf32, #tpu.memory_space<vmem>>) target(%dma_start3A_157 : memref<10112x128xf32, #tpu.memory_space<vmem_shared>>) offsets(%dma_start3A_154 : memref<40xi32, #tpu.memory_space<vmem>>) semaphore(%arg12 : memref<!tpu.dma_semaphore, #tpu.memory_space<semaphore_mem>>) {add = true}
      %add3A_158 = arith.constant 1 : i32
      %add3A_159 = arith.addi %mul3A_39, %add3A_158 : i32
      %mul3A_160 = arith.constant 1 : i32
      %mul3A_161 = arith.muli %add3A_159, %mul3A_160 : i32
      %add3A_162 = arith.constant 0 : i32
      %add3A_163 = arith.addi %mul3A_161, %add3A_162 : i32
      %dma_wait3A_164 = arith.constant 1 : i32
      %dma_wait3A_165 = arith.constant 0 : i32
      %dma_wait3A_166 = arith.constant 0 : i32
      %dma_wait3A_167 = tpu.memref_slice %arg7[%dma_wait3A_164, %dma_wait3A_165, %dma_wait3A_166] : memref<2x40x128xf32, #tpu.memory_space<vmem>> -> memref<1x40x128xf32, #tpu.memory_space<vmem>>
      %dma_wait3A_168 = tpu.memref_squeeze %dma_wait3A_167 : memref<1x40x128xf32, #tpu.memory_space<vmem>> -> memref<40x128xf32, #tpu.memory_space<vmem>>
      %dma_wait3A_169 = arith.constant 0 : i32
      %dma_wait3A_170 = tpu.memref_slice %arg6[%add3A_163, %dma_wait3A_169] : memref<250x40xi32, #tpu.memory_space<vmem>> -> memref<1x40xi32, #tpu.memory_space<vmem>>
      %dma_wait3A_171 = tpu.memref_squeeze %dma_wait3A_170 : memref<1x40xi32, #tpu.memory_space<vmem>> -> memref<40xi32, #tpu.memory_space<vmem>>
      %dma_wait3A_172 = arith.constant 0 : i32
      %dma_wait3A_173 = arith.constant 0 : i32
      %dma_wait3A_174 = tpu.memref_slice %arg8[%dma_wait3A_172, %dma_wait3A_173] : memref<10112x128xf32, #tpu.memory_space<vmem_shared>> -> memref<10112x128xf32, #tpu.memory_space<vmem_shared>>
      tpu.wait_indirect_dma semaphore(%arg12 : memref<!tpu.dma_semaphore, #tpu.memory_space<semaphore_mem>>) src(%dma_wait3A_168 : memref<40x128xf32, #tpu.memory_space<vmem>>) dst(%dma_wait3A_174 : memref<10112x128xf32, #tpu.memory_space<vmem_shared>>)
    }
    %scan3A_34 = arith.constant 125 : i32
    %barrier3A_35 = arith.constant 0 : index
    tpu.barrier barrier_id(%barrier3A_35)
    "tpu.region"() ({
      %run_scoped3A = tpu.sem_alloc : memref<!tpu.dma_semaphore, #tpu.memory_space<semaphore_mem>>
      %dma_start3A_37 = tpu.memref_slice %arg5[%multiple_of3A, %multiple_of3A_4] : memref<10112x256xf32, #tpu.memory_space<hbm>> -> memref<632x128xf32, #tpu.memory_space<hbm>>
      %dma_start3A_38 = arith.constant 0 : i32
      %dma_start3A_39 = tpu.memref_slice %arg8[%multiple_of3A, %dma_start3A_38] : memref<10112x128xf32, #tpu.memory_space<vmem_shared>> -> memref<632x128xf32, #tpu.memory_space<vmem_shared>>
      tpu.enqueue_dma source(%dma_start3A_39 : memref<632x128xf32, #tpu.memory_space<vmem_shared>>) target(%dma_start3A_37 : memref<632x128xf32, #tpu.memory_space<hbm>>) target_semaphore(%run_scoped3A : memref<!tpu.dma_semaphore, #tpu.memory_space<semaphore_mem>>)
      %dma_wait3A = tpu.memref_slice %arg5[%multiple_of3A, %multiple_of3A_4] : memref<10112x256xf32, #tpu.memory_space<hbm>> -> memref<632x128xf32, #tpu.memory_space<hbm>>
      %dma_wait3A_40 = arith.constant 0 : i32
      %dma_wait3A_41 = tpu.memref_slice %arg8[%multiple_of3A, %dma_wait3A_40] : memref<10112x128xf32, #tpu.memory_space<vmem_shared>> -> memref<632x128xf32, #tpu.memory_space<vmem_shared>>
      tpu.wait_dma2 semaphore(%run_scoped3A : memref<!tpu.dma_semaphore, #tpu.memory_space<semaphore_mem>>) src(%dma_wait3A_41 : memref<632x128xf32, #tpu.memory_space<vmem_shared>>) dst(%dma_wait3A : memref<632x128xf32, #tpu.memory_space<hbm>>)
      tpu.yield
    }) : () -> ()
    %barrier3A_36 = arith.constant 0 : index
    tpu.barrier barrier_id(%barrier3A_36)
    return
  }
}

module attributes {stable_mosaic.version = 14 : i64} {
  func.func @body(%arg0: i32, %arg1: i32, %arg2: memref<2000x128xf32, #tpu.memory_space<vmem>>, %arg3: memref<2000x3xf32, #tpu.memory_space<vmem>>, %arg4: memref<3x128xf32, #tpu.memory_space<vmem>>, %arg5: memref<1x128xf32, #tpu.memory_space<vmem>>, %arg6: memref<1x2000x128xf32, #tpu.memory_space<vmem>>) attributes {dimension_semantics = [#tpu.dimension_semantics<arbitrary>, #tpu.dimension_semantics<arbitrary>], iteration_bounds = array<i64: 80, 2>, scalar_prefetch = 0 : i64, scratch_operands = 0 : i64, tpu.core_type = #tpu.core_type<tc>, window_params = [{transform_indices = @transform_0, window_bounds = array<i64: 2000, 128>}, {transform_indices = @transform_1, window_bounds = array<i64: 2000, 3>}, {transform_indices = @transform_2, window_bounds = array<i64: 3, 128>}, {transform_indices = @transform_3, window_bounds = array<i64: 1, 128>}, {transform_indices = @transform_4, window_bounds = array<i64: 1, 2000, 128>}]} {
    %get3A = arith.constant 0 : index
    %get3A_0 = arith.constant 0 : index
    %get3A_1 = vector.load %arg3[%get3A, %get3A_0] : memref<2000x3xf32, #tpu.memory_space<vmem>>, vector<2000x3xf32>
    %convert_element_type3A = arith.truncf %get3A_1 : vector<2000x3xf32> to vector<2000x3xbf16>
    %convert_element_type3A_2 = arith.extf %convert_element_type3A : vector<2000x3xbf16> to vector<2000x3xf32>
    %get3A_3 = arith.constant 0 : index
    %get3A_4 = arith.constant 0 : index
    %get3A_5 = vector.load %arg4[%get3A_3, %get3A_4] : memref<3x128xf32, #tpu.memory_space<vmem>>, vector<3x128xf32>
    %convert_element_type3A_6 = arith.truncf %get3A_5 : vector<3x128xf32> to vector<3x128xbf16>
    %convert_element_type3A_7 = arith.extf %convert_element_type3A_6 : vector<3x128xbf16> to vector<3x128xf32>
    %slice3A = vector.extract_strided_slice %convert_element_type3A_2 {offsets = [0, 0], sizes = [2000, 1], strides = [1, 1]} : vector<2000x3xf32> to vector<2000x1xf32>
    %slice3A_8 = vector.extract_strided_slice %convert_element_type3A_7 {offsets = [0, 0], sizes = [1, 128], strides = [1, 1]} : vector<3x128xf32> to vector<1x128xf32>
    %mul3A = vector.broadcast %slice3A : vector<2000x1xf32> to vector<2000x128xf32>
    %mul3A_9 = vector.broadcast %slice3A_8 : vector<1x128xf32> to vector<2000x128xf32>
    %mul3A_10 = arith.mulf %mul3A, %mul3A_9 : vector<2000x128xf32>
    %slice3A_11 = vector.extract_strided_slice %convert_element_type3A_2 {offsets = [0, 1], sizes = [2000, 1], strides = [1, 1]} : vector<2000x3xf32> to vector<2000x1xf32>
    %slice3A_12 = vector.extract_strided_slice %convert_element_type3A_7 {offsets = [1, 0], sizes = [1, 128], strides = [1, 1]} : vector<3x128xf32> to vector<1x128xf32>
    %mul3A_13 = vector.broadcast %slice3A_11 : vector<2000x1xf32> to vector<2000x128xf32>
    %mul3A_14 = vector.broadcast %slice3A_12 : vector<1x128xf32> to vector<2000x128xf32>
    %mul3A_15 = arith.mulf %mul3A_13, %mul3A_14 : vector<2000x128xf32>
    %add3A = arith.addf %mul3A_10, %mul3A_15 : vector<2000x128xf32>
    %slice3A_16 = vector.extract_strided_slice %convert_element_type3A_2 {offsets = [0, 2], sizes = [2000, 1], strides = [1, 1]} : vector<2000x3xf32> to vector<2000x1xf32>
    %slice3A_17 = vector.extract_strided_slice %convert_element_type3A_7 {offsets = [2, 0], sizes = [1, 128], strides = [1, 1]} : vector<3x128xf32> to vector<1x128xf32>
    %mul3A_18 = vector.broadcast %slice3A_16 : vector<2000x1xf32> to vector<2000x128xf32>
    %mul3A_19 = vector.broadcast %slice3A_17 : vector<1x128xf32> to vector<2000x128xf32>
    %mul3A_20 = arith.mulf %mul3A_18, %mul3A_19 : vector<2000x128xf32>
    %add3A_21 = arith.addf %add3A, %mul3A_20 : vector<2000x128xf32>
    %get3A_22 = arith.constant 0 : index
    %get3A_23 = arith.constant 0 : index
    %get3A_24 = vector.load %arg2[%get3A_22, %get3A_23] : memref<2000x128xf32, #tpu.memory_space<vmem>>, vector<2000x128xf32>
    %add3A_25 = arith.addf %get3A_24, %add3A_21 : vector<2000x128xf32>
    %get3A_26 = arith.constant 0 : index
    %get3A_27 = arith.constant 0 : index
    %get3A_28 = vector.load %arg5[%get3A_26, %get3A_27] : memref<1x128xf32, #tpu.memory_space<vmem>>, vector<1x128xf32>
    %add3A_29 = vector.broadcast %get3A_28 : vector<1x128xf32> to vector<2000x128xf32>
    %add3A_30 = arith.addf %add3A_25, %add3A_29 : vector<2000x128xf32>
    %max3A = arith.constant 0.000000e+00 : f32
    %max3A_31 = vector.broadcast %max3A : f32 to vector<2000x128xf32>
    %max3A_32 = arith.maximumf %add3A_30, %max3A_31 : vector<2000x128xf32>
    %swap3A = arith.constant 0 : index
    %swap3A_33 = arith.constant 0 : index
    %swap3A_34 = arith.constant 0 : index
    %swap3A_35 = vector.load %arg6[%swap3A, %swap3A_33, %swap3A_34] : memref<1x2000x128xf32, #tpu.memory_space<vmem>>, vector<1x2000x128xf32>
    %swap3A_36 = vector.shape_cast %swap3A_35 : vector<1x2000x128xf32> to vector<2000x128xf32>
    %swap3A_37 = vector.shape_cast %max3A_32 : vector<2000x128xf32> to vector<1x2000x128xf32>
    tpu.vector_store %arg6[%swap3A, %swap3A_33, %swap3A_34], %swap3A_37 {strides = array<i32>} : memref<1x2000x128xf32, #tpu.memory_space<vmem>>, vector<1x2000x128xf32>,
    return
  }
  func.func @transform_0(%arg0: i32, %arg1: i32) -> (i32, i32) {
    %c0_i32 = arith.constant 0 : i32
    return %arg0, %arg1 : i32, i32
  }
  func.func @transform_1(%arg0: i32, %arg1: i32) -> (i32, i32) {
    %c0_i32 = arith.constant 0 : i32
    %c0_i32_0 = arith.constant 0 : i32
    return %arg0, %c0_i32 : i32, i32
  }
  func.func @transform_2(%arg0: i32, %arg1: i32) -> (i32, i32) {
    %c0_i32 = arith.constant 0 : i32
    %c0_i32_0 = arith.constant 0 : i32
    return %c0_i32, %arg1 : i32, i32
  }
  func.func @transform_3(%arg0: i32, %arg1: i32) -> (i32, i32) {
    %c0_i32 = arith.constant 0 : i32
    %c0_i32_0 = arith.constant 0 : i32
    return %c0_i32, %arg1 : i32, i32
  }
  func.func @transform_4(%arg0: i32, %arg1: i32) -> (i32, i32, i32) {
    %c0_i32 = arith.constant 0 : i32
    %c0_i32_0 = arith.constant 0 : i32
    return %arg1, %arg0, %c0_i32 : i32, i32, i32
  }
}

module attributes {stable_mosaic.version = 14 : i64} {
  func.func @body(%arg0: i32, %arg1: memref<1264x256xf32, #tpu.memory_space<vmem>>, %arg2: memref<256x512xf32, #tpu.memory_space<vmem>>, %arg3: memref<1x512xf32, #tpu.memory_space<vmem>>, %arg4: memref<512x512xf32, #tpu.memory_space<vmem>>, %arg5: memref<1x512xf32, #tpu.memory_space<vmem>>, %arg6: memref<1264x512xf32, #tpu.memory_space<vmem>>) attributes {dimension_semantics = [#tpu.dimension_semantics<arbitrary>], iteration_bounds = array<i64: 8>, scalar_prefetch = 0 : i64, scratch_operands = 0 : i64, tpu.core_type = #tpu.core_type<tc>, window_params = [{transform_indices = @transform_0, window_bounds = array<i64: 1264, 256>}, {pipeline_mode = #tpu.pipeline_mode<synchronous>, transform_indices = @transform_1, window_bounds = array<i64: 256, 512>}, {pipeline_mode = #tpu.pipeline_mode<synchronous>, transform_indices = @transform_2, window_bounds = array<i64: 1, 512>}, {pipeline_mode = #tpu.pipeline_mode<synchronous>, transform_indices = @transform_3, window_bounds = array<i64: 512, 512>}, {pipeline_mode = #tpu.pipeline_mode<synchronous>, transform_indices = @transform_4, window_bounds = array<i64: 1, 512>}, {transform_indices = @transform_5, window_bounds = array<i64: 1264, 512>}]} {
    %get3A = arith.constant 0 : index
    %get3A_0 = arith.constant 0 : index
    %get3A_1 = vector.load %arg1[%get3A, %get3A_0] : memref<1264x256xf32, #tpu.memory_space<vmem>>, vector<1264x256xf32>
    %convert_element_type3A = arith.truncf %get3A_1 : vector<1264x256xf32> to vector<1264x256xbf16>
    %get3A_2 = arith.constant 0 : index
    %get3A_3 = arith.constant 0 : index
    %get3A_4 = vector.load %arg2[%get3A_2, %get3A_3] : memref<256x512xf32, #tpu.memory_space<vmem>>, vector<256x512xf32>
    %convert_element_type3A_5 = arith.truncf %get3A_4 : vector<256x512xf32> to vector<256x512xbf16>
    %dot_general3A = arith.constant dense<0.000000e+00> : vector<1264x512xf32>
    %dot_general3A_6 = tpu.matmul %convert_element_type3A, %convert_element_type3A_5, %dot_general3A {dimension_numbers = #tpu.dot_dimension_numbers<[1], [0], [0], [1], [0, 0, 1, 1], [], []>, transpose_lhs_hint = false} : vector<1264x256xbf16>, vector<256x512xbf16>, vector<1264x512xf32> -> vector<1264x512xf32>
    %get3A_7 = arith.constant 0 : index
    %get3A_8 = arith.constant 0 : index
    %get3A_9 = vector.load %arg3[%get3A_7, %get3A_8] : memref<1x512xf32, #tpu.memory_space<vmem>>, vector<1x512xf32>
    %add3A = vector.broadcast %get3A_9 : vector<1x512xf32> to vector<1264x512xf32>
    %add3A_10 = arith.addf %dot_general3A_6, %add3A : vector<1264x512xf32>
    %max3A = arith.constant 0.000000e+00 : f32
    %max3A_11 = vector.broadcast %max3A : f32 to vector<1264x512xf32>
    %max3A_12 = arith.maximumf %add3A_10, %max3A_11 : vector<1264x512xf32>
    %convert_element_type3A_13 = arith.truncf %max3A_12 : vector<1264x512xf32> to vector<1264x512xbf16>
    %get3A_14 = arith.constant 0 : index
    %get3A_15 = arith.constant 0 : index
    %get3A_16 = vector.load %arg4[%get3A_14, %get3A_15] : memref<512x512xf32, #tpu.memory_space<vmem>>, vector<512x512xf32>
    %convert_element_type3A_17 = arith.truncf %get3A_16 : vector<512x512xf32> to vector<512x512xbf16>
    %dot_general3A_18 = arith.constant dense<0.000000e+00> : vector<1264x512xf32>
    %dot_general3A_19 = tpu.matmul %convert_element_type3A_13, %convert_element_type3A_17, %dot_general3A_18 {dimension_numbers = #tpu.dot_dimension_numbers<[1], [0], [0], [1], [0, 0, 1, 1], [], []>, transpose_lhs_hint = false} : vector<1264x512xbf16>, vector<512x512xbf16>, vector<1264x512xf32> -> vector<1264x512xf32>
    %get3A_20 = arith.constant 0 : index
    %get3A_21 = arith.constant 0 : index
    %get3A_22 = vector.load %arg5[%get3A_20, %get3A_21] : memref<1x512xf32, #tpu.memory_space<vmem>>, vector<1x512xf32>
    %add3A_23 = vector.broadcast %get3A_22 : vector<1x512xf32> to vector<1264x512xf32>
    %add3A_24 = arith.addf %dot_general3A_19, %add3A_23 : vector<1264x512xf32>
    %max3A_25 = arith.constant 0.000000e+00 : f32
    %max3A_26 = vector.broadcast %max3A_25 : f32 to vector<1264x512xf32>
    %max3A_27 = arith.maximumf %add3A_24, %max3A_26 : vector<1264x512xf32>
    %swap3A = arith.constant 0 : index
    %swap3A_28 = arith.constant 0 : index
    %swap3A_29 = vector.load %arg6[%swap3A, %swap3A_28] : memref<1264x512xf32, #tpu.memory_space<vmem>>, vector<1264x512xf32>
    tpu.vector_store %arg6[%swap3A, %swap3A_28], %max3A_27 {strides = array<i32>} : memref<1264x512xf32, #tpu.memory_space<vmem>>, vector<1264x512xf32>,
    return
  }
  func.func @transform_0(%arg0: i32) -> (i32, i32) {
    %c0_i32 = arith.constant 0 : i32
    %c0_i32_0 = arith.constant 0 : i32
    return %arg0, %c0_i32 : i32, i32
  }
  func.func @transform_1(%arg0: i32) -> (i32, i32) {
    %c0_i32 = arith.constant 0 : i32
    %c0_i32_0 = arith.constant 0 : i32
    %c0_i32_1 = arith.constant 0 : i32
    return %c0_i32, %c0_i32_0 : i32, i32
  }
  func.func @transform_2(%arg0: i32) -> (i32, i32) {
    %c0_i32 = arith.constant 0 : i32
    %c0_i32_0 = arith.constant 0 : i32
    %c0_i32_1 = arith.constant 0 : i32
    return %c0_i32, %c0_i32_0 : i32, i32
  }
  func.func @transform_3(%arg0: i32) -> (i32, i32) {
    %c0_i32 = arith.constant 0 : i32
    %c0_i32_0 = arith.constant 0 : i32
    %c0_i32_1 = arith.constant 0 : i32
    return %c0_i32, %c0_i32_0 : i32, i32
  }
  func.func @transform_4(%arg0: i32) -> (i32, i32) {
    %c0_i32 = arith.constant 0 : i32
    %c0_i32_0 = arith.constant 0 : i32
    %c0_i32_1 = arith.constant 0 : i32
    return %c0_i32, %c0_i32_0 : i32, i32
  }
  func.func @transform_5(%arg0: i32) -> (i32, i32) {
    %c0_i32 = arith.constant 0 : i32
    %c0_i32_0 = arith.constant 0 : i32
    return %arg0, %c0_i32 : i32, i32
  }
}

module attributes {stable_mosaic.version = 14 : i64} {
  func.func @body(%arg0: i32, %arg1: i32, %arg2: memref<2000x128xf32, #tpu.memory_space<vmem>>, %arg3: memref<2000x3xf32, #tpu.memory_space<vmem>>, %arg4: memref<3x128xf32, #tpu.memory_space<vmem>>, %arg5: memref<1x128xf32, #tpu.memory_space<vmem>>, %arg6: memref<1x2000x128xf32, #tpu.memory_space<vmem>>) attributes {dimension_semantics = [#tpu.dimension_semantics<arbitrary>, #tpu.dimension_semantics<arbitrary>], iteration_bounds = array<i64: 80, 4>, scalar_prefetch = 0 : i64, scratch_operands = 0 : i64, tpu.core_type = #tpu.core_type<tc>, window_params = [{transform_indices = @transform_0, window_bounds = array<i64: 2000, 128>}, {transform_indices = @transform_1, window_bounds = array<i64: 2000, 3>}, {transform_indices = @transform_2, window_bounds = array<i64: 3, 128>}, {transform_indices = @transform_3, window_bounds = array<i64: 1, 128>}, {transform_indices = @transform_4, window_bounds = array<i64: 1, 2000, 128>}]} {
    %get3A = arith.constant 0 : index
    %get3A_0 = arith.constant 0 : index
    %get3A_1 = vector.load %arg3[%get3A, %get3A_0] : memref<2000x3xf32, #tpu.memory_space<vmem>>, vector<2000x3xf32>
    %convert_element_type3A = arith.truncf %get3A_1 : vector<2000x3xf32> to vector<2000x3xbf16>
    %convert_element_type3A_2 = arith.extf %convert_element_type3A : vector<2000x3xbf16> to vector<2000x3xf32>
    %get3A_3 = arith.constant 0 : index
    %get3A_4 = arith.constant 0 : index
    %get3A_5 = vector.load %arg4[%get3A_3, %get3A_4] : memref<3x128xf32, #tpu.memory_space<vmem>>, vector<3x128xf32>
    %convert_element_type3A_6 = arith.truncf %get3A_5 : vector<3x128xf32> to vector<3x128xbf16>
    %convert_element_type3A_7 = arith.extf %convert_element_type3A_6 : vector<3x128xbf16> to vector<3x128xf32>
    %slice3A = vector.extract_strided_slice %convert_element_type3A_2 {offsets = [0, 0], sizes = [2000, 1], strides = [1, 1]} : vector<2000x3xf32> to vector<2000x1xf32>
    %slice3A_8 = vector.extract_strided_slice %convert_element_type3A_7 {offsets = [0, 0], sizes = [1, 128], strides = [1, 1]} : vector<3x128xf32> to vector<1x128xf32>
    %mul3A = vector.broadcast %slice3A : vector<2000x1xf32> to vector<2000x128xf32>
    %mul3A_9 = vector.broadcast %slice3A_8 : vector<1x128xf32> to vector<2000x128xf32>
    %mul3A_10 = arith.mulf %mul3A, %mul3A_9 : vector<2000x128xf32>
    %slice3A_11 = vector.extract_strided_slice %convert_element_type3A_2 {offsets = [0, 1], sizes = [2000, 1], strides = [1, 1]} : vector<2000x3xf32> to vector<2000x1xf32>
    %slice3A_12 = vector.extract_strided_slice %convert_element_type3A_7 {offsets = [1, 0], sizes = [1, 128], strides = [1, 1]} : vector<3x128xf32> to vector<1x128xf32>
    %mul3A_13 = vector.broadcast %slice3A_11 : vector<2000x1xf32> to vector<2000x128xf32>
    %mul3A_14 = vector.broadcast %slice3A_12 : vector<1x128xf32> to vector<2000x128xf32>
    %mul3A_15 = arith.mulf %mul3A_13, %mul3A_14 : vector<2000x128xf32>
    %add3A = arith.addf %mul3A_10, %mul3A_15 : vector<2000x128xf32>
    %slice3A_16 = vector.extract_strided_slice %convert_element_type3A_2 {offsets = [0, 2], sizes = [2000, 1], strides = [1, 1]} : vector<2000x3xf32> to vector<2000x1xf32>
    %slice3A_17 = vector.extract_strided_slice %convert_element_type3A_7 {offsets = [2, 0], sizes = [1, 128], strides = [1, 1]} : vector<3x128xf32> to vector<1x128xf32>
    %mul3A_18 = vector.broadcast %slice3A_16 : vector<2000x1xf32> to vector<2000x128xf32>
    %mul3A_19 = vector.broadcast %slice3A_17 : vector<1x128xf32> to vector<2000x128xf32>
    %mul3A_20 = arith.mulf %mul3A_18, %mul3A_19 : vector<2000x128xf32>
    %add3A_21 = arith.addf %add3A, %mul3A_20 : vector<2000x128xf32>
    %get3A_22 = arith.constant 0 : index
    %get3A_23 = arith.constant 0 : index
    %get3A_24 = vector.load %arg2[%get3A_22, %get3A_23] : memref<2000x128xf32, #tpu.memory_space<vmem>>, vector<2000x128xf32>
    %add3A_25 = arith.addf %get3A_24, %add3A_21 : vector<2000x128xf32>
    %get3A_26 = arith.constant 0 : index
    %get3A_27 = arith.constant 0 : index
    %get3A_28 = vector.load %arg5[%get3A_26, %get3A_27] : memref<1x128xf32, #tpu.memory_space<vmem>>, vector<1x128xf32>
    %add3A_29 = vector.broadcast %get3A_28 : vector<1x128xf32> to vector<2000x128xf32>
    %add3A_30 = arith.addf %add3A_25, %add3A_29 : vector<2000x128xf32>
    %max3A = arith.constant 0.000000e+00 : f32
    %max3A_31 = vector.broadcast %max3A : f32 to vector<2000x128xf32>
    %max3A_32 = arith.maximumf %add3A_30, %max3A_31 : vector<2000x128xf32>
    %swap3A = arith.constant 0 : index
    %swap3A_33 = arith.constant 0 : index
    %swap3A_34 = arith.constant 0 : index
    %swap3A_35 = vector.load %arg6[%swap3A, %swap3A_33, %swap3A_34] : memref<1x2000x128xf32, #tpu.memory_space<vmem>>, vector<1x2000x128xf32>
    %swap3A_36 = vector.shape_cast %swap3A_35 : vector<1x2000x128xf32> to vector<2000x128xf32>
    %swap3A_37 = vector.shape_cast %max3A_32 : vector<2000x128xf32> to vector<1x2000x128xf32>
    tpu.vector_store %arg6[%swap3A, %swap3A_33, %swap3A_34], %swap3A_37 {strides = array<i32>} : memref<1x2000x128xf32, #tpu.memory_space<vmem>>, vector<1x2000x128xf32>,
    return
  }
  func.func @transform_0(%arg0: i32, %arg1: i32) -> (i32, i32) {
    %c0_i32 = arith.constant 0 : i32
    return %arg0, %arg1 : i32, i32
  }
  func.func @transform_1(%arg0: i32, %arg1: i32) -> (i32, i32) {
    %c0_i32 = arith.constant 0 : i32
    %c0_i32_0 = arith.constant 0 : i32
    return %arg0, %c0_i32 : i32, i32
  }
  func.func @transform_2(%arg0: i32, %arg1: i32) -> (i32, i32) {
    %c0_i32 = arith.constant 0 : i32
    %c0_i32_0 = arith.constant 0 : i32
    return %c0_i32, %arg1 : i32, i32
  }
  func.func @transform_3(%arg0: i32, %arg1: i32) -> (i32, i32) {
    %c0_i32 = arith.constant 0 : i32
    %c0_i32_0 = arith.constant 0 : i32
    return %c0_i32, %arg1 : i32, i32
  }
  func.func @transform_4(%arg0: i32, %arg1: i32) -> (i32, i32, i32) {
    %c0_i32 = arith.constant 0 : i32
    %c0_i32_0 = arith.constant 0 : i32
    return %arg1, %arg0, %c0_i32 : i32, i32, i32
  }
}

module attributes {stable_mosaic.version = 14 : i64} {
  func.func @body(%arg0: i32, %arg1: memref<1264x512xf32, #tpu.memory_space<vmem>>, %arg2: memref<512x512xf32, #tpu.memory_space<vmem>>, %arg3: memref<1x512xf32, #tpu.memory_space<vmem>>, %arg4: memref<512x512xf32, #tpu.memory_space<vmem>>, %arg5: memref<1x512xf32, #tpu.memory_space<vmem>>, %arg6: memref<1264x512xf32, #tpu.memory_space<vmem>>) attributes {dimension_semantics = [#tpu.dimension_semantics<arbitrary>], iteration_bounds = array<i64: 8>, scalar_prefetch = 0 : i64, scratch_operands = 0 : i64, tpu.core_type = #tpu.core_type<tc>, window_params = [{transform_indices = @transform_0, window_bounds = array<i64: 1264, 512>}, {pipeline_mode = #tpu.pipeline_mode<synchronous>, transform_indices = @transform_1, window_bounds = array<i64: 512, 512>}, {pipeline_mode = #tpu.pipeline_mode<synchronous>, transform_indices = @transform_2, window_bounds = array<i64: 1, 512>}, {pipeline_mode = #tpu.pipeline_mode<synchronous>, transform_indices = @transform_3, window_bounds = array<i64: 512, 512>}, {pipeline_mode = #tpu.pipeline_mode<synchronous>, transform_indices = @transform_4, window_bounds = array<i64: 1, 512>}, {transform_indices = @transform_5, window_bounds = array<i64: 1264, 512>}]} {
    %get3A = arith.constant 0 : index
    %get3A_0 = arith.constant 0 : index
    %get3A_1 = vector.load %arg1[%get3A, %get3A_0] : memref<1264x512xf32, #tpu.memory_space<vmem>>, vector<1264x512xf32>
    %convert_element_type3A = arith.truncf %get3A_1 : vector<1264x512xf32> to vector<1264x512xbf16>
    %get3A_2 = arith.constant 0 : index
    %get3A_3 = arith.constant 0 : index
    %get3A_4 = vector.load %arg2[%get3A_2, %get3A_3] : memref<512x512xf32, #tpu.memory_space<vmem>>, vector<512x512xf32>
    %convert_element_type3A_5 = arith.truncf %get3A_4 : vector<512x512xf32> to vector<512x512xbf16>
    %dot_general3A = arith.constant dense<0.000000e+00> : vector<1264x512xf32>
    %dot_general3A_6 = tpu.matmul %convert_element_type3A, %convert_element_type3A_5, %dot_general3A {dimension_numbers = #tpu.dot_dimension_numbers<[1], [0], [0], [1], [0, 0, 1, 1], [], []>, transpose_lhs_hint = false} : vector<1264x512xbf16>, vector<512x512xbf16>, vector<1264x512xf32> -> vector<1264x512xf32>
    %get3A_7 = arith.constant 0 : index
    %get3A_8 = arith.constant 0 : index
    %get3A_9 = vector.load %arg3[%get3A_7, %get3A_8] : memref<1x512xf32, #tpu.memory_space<vmem>>, vector<1x512xf32>
    %add3A = vector.broadcast %get3A_9 : vector<1x512xf32> to vector<1264x512xf32>
    %add3A_10 = arith.addf %dot_general3A_6, %add3A : vector<1264x512xf32>
    %max3A = arith.constant 0.000000e+00 : f32
    %max3A_11 = vector.broadcast %max3A : f32 to vector<1264x512xf32>
    %max3A_12 = arith.maximumf %add3A_10, %max3A_11 : vector<1264x512xf32>
    %convert_element_type3A_13 = arith.truncf %max3A_12 : vector<1264x512xf32> to vector<1264x512xbf16>
    %get3A_14 = arith.constant 0 : index
    %get3A_15 = arith.constant 0 : index
    %get3A_16 = vector.load %arg4[%get3A_14, %get3A_15] : memref<512x512xf32, #tpu.memory_space<vmem>>, vector<512x512xf32>
    %convert_element_type3A_17 = arith.truncf %get3A_16 : vector<512x512xf32> to vector<512x512xbf16>
    %dot_general3A_18 = arith.constant dense<0.000000e+00> : vector<1264x512xf32>
    %dot_general3A_19 = tpu.matmul %convert_element_type3A_13, %convert_element_type3A_17, %dot_general3A_18 {dimension_numbers = #tpu.dot_dimension_numbers<[1], [0], [0], [1], [0, 0, 1, 1], [], []>, transpose_lhs_hint = false} : vector<1264x512xbf16>, vector<512x512xbf16>, vector<1264x512xf32> -> vector<1264x512xf32>
    %get3A_20 = arith.constant 0 : index
    %get3A_21 = arith.constant 0 : index
    %get3A_22 = vector.load %arg5[%get3A_20, %get3A_21] : memref<1x512xf32, #tpu.memory_space<vmem>>, vector<1x512xf32>
    %add3A_23 = vector.broadcast %get3A_22 : vector<1x512xf32> to vector<1264x512xf32>
    %add3A_24 = arith.addf %dot_general3A_19, %add3A_23 : vector<1264x512xf32>
    %max3A_25 = arith.constant 0.000000e+00 : f32
    %max3A_26 = vector.broadcast %max3A_25 : f32 to vector<1264x512xf32>
    %max3A_27 = arith.maximumf %add3A_24, %max3A_26 : vector<1264x512xf32>
    %swap3A = arith.constant 0 : index
    %swap3A_28 = arith.constant 0 : index
    %swap3A_29 = vector.load %arg6[%swap3A, %swap3A_28] : memref<1264x512xf32, #tpu.memory_space<vmem>>, vector<1264x512xf32>
    tpu.vector_store %arg6[%swap3A, %swap3A_28], %max3A_27 {strides = array<i32>} : memref<1264x512xf32, #tpu.memory_space<vmem>>, vector<1264x512xf32>,
    return
  }
  func.func @transform_0(%arg0: i32) -> (i32, i32) {
    %c0_i32 = arith.constant 0 : i32
    %c0_i32_0 = arith.constant 0 : i32
    return %arg0, %c0_i32 : i32, i32
  }
  func.func @transform_1(%arg0: i32) -> (i32, i32) {
    %c0_i32 = arith.constant 0 : i32
    %c0_i32_0 = arith.constant 0 : i32
    %c0_i32_1 = arith.constant 0 : i32
    return %c0_i32, %c0_i32_0 : i32, i32
  }
  func.func @transform_2(%arg0: i32) -> (i32, i32) {
    %c0_i32 = arith.constant 0 : i32
    %c0_i32_0 = arith.constant 0 : i32
    %c0_i32_1 = arith.constant 0 : i32
    return %c0_i32, %c0_i32_0 : i32, i32
  }
  func.func @transform_3(%arg0: i32) -> (i32, i32) {
    %c0_i32 = arith.constant 0 : i32
    %c0_i32_0 = arith.constant 0 : i32
    %c0_i32_1 = arith.constant 0 : i32
    return %c0_i32, %c0_i32_0 : i32, i32
  }
  func.func @transform_4(%arg0: i32) -> (i32, i32) {
    %c0_i32 = arith.constant 0 : i32
    %c0_i32_0 = arith.constant 0 : i32
    %c0_i32_1 = arith.constant 0 : i32
    return %c0_i32, %c0_i32_0 : i32, i32
  }
  func.func @transform_5(%arg0: i32) -> (i32, i32) {
    %c0_i32 = arith.constant 0 : i32
    %c0_i32_0 = arith.constant 0 : i32
    return %arg0, %c0_i32 : i32, i32
  }
}

module attributes {stable_mosaic.version = 14 : i64} {
  func.func @body(%arg0: i32, %arg1: memref<1000x512xf32, #tpu.memory_space<vmem>>, %arg2: memref<1000x1xi32, #tpu.memory_space<vmem>>, %arg3: memref<512x128xf32, #tpu.memory_space<vmem>>, %arg4: memref<1x128xf32, #tpu.memory_space<vmem>>, %arg5: memref<64x128xf32, #tpu.memory_space<vmem>>, %arg6: memref<64x512xf32, #tpu.memory_space<vmem>>) attributes {dimension_semantics = [#tpu.dimension_semantics<arbitrary>], iteration_bounds = array<i64: 10>, scalar_prefetch = 0 : i64, scratch_operands = 1 : i64, tpu.core_type = #tpu.core_type<tc>, window_params = [{transform_indices = @transform_0, window_bounds = array<i64: 1000, 512>}, {transform_indices = @transform_1, window_bounds = array<i64: 1000, 1>}, {pipeline_mode = #tpu.pipeline_mode<synchronous>, transform_indices = @transform_2, window_bounds = array<i64: 512, 128>}, {pipeline_mode = #tpu.pipeline_mode<synchronous>, transform_indices = @transform_3, window_bounds = array<i64: 1, 128>}, {pipeline_mode = #tpu.pipeline_mode<synchronous>, transform_indices = @transform_4, window_bounds = array<i64: 64, 128>}]} {
    %eq3A = arith.constant 0 : i32
    %eq3A_0 = arith.cmpi eq, %arg0, %eq3A : i32
    %convert_element_type3A = arith.extui %eq3A_0 : i1 to i32
    %cond3A = arith.constant 0 : i32
    %cond3A_1 = arith.cmpi ne, %convert_element_type3A, %cond3A : i32
    scf.if %cond3A_1 {
      %broadcast_in_dim3A = arith.constant 0.000000e+00 : f32
      %broadcast_in_dim3A_22 = vector.broadcast %broadcast_in_dim3A : f32 to vector<64x512xf32>
      %swap3A_23 = arith.constant 0 : index
      %swap3A_24 = arith.constant 0 : index
      %swap3A_25 = vector.load %arg6[%swap3A_23, %swap3A_24] : memref<64x512xf32, #tpu.memory_space<vmem>>, vector<64x512xf32>
      tpu.vector_store %arg6[%swap3A_23, %swap3A_24], %broadcast_in_dim3A_22 {strides = array<i32>} : memref<64x512xf32, #tpu.memory_space<vmem>>, vector<64x512xf32>,
    } else {
    }
    %get3A = arith.constant 0 : index
    %get3A_2 = arith.constant 0 : index
    %get3A_3 = vector.load %arg2[%get3A, %get3A_2] : memref<1000x1xi32, #tpu.memory_space<vmem>>, vector<1000x1xi32>
    %iota3A = tpu.iota {dimensions = array<i32: 1>} : vector<1000x64xi32>
    %eq3A_4 = vector.broadcast %get3A_3 : vector<1000x1xi32> to vector<1000x64xi32>
    %eq3A_5 = arith.cmpi eq, %eq3A_4, %iota3A : vector<1000x64xi32>
    %convert_element_type3A_6 = arith.extui %eq3A_5 : vector<1000x64xi1> to vector<1000x64xi32>
    %convert_element_type3A_7 = arith.sitofp %convert_element_type3A_6 : vector<1000x64xi32> to vector<1000x64xf32>
    %get3A_8 = arith.constant 0 : index
    %get3A_9 = arith.constant 0 : index
    %get3A_10 = vector.load %arg6[%get3A_8, %get3A_9] : memref<64x512xf32, #tpu.memory_space<vmem>>, vector<64x512xf32>
    %get3A_11 = arith.constant 0 : index
    %get3A_12 = arith.constant 0 : index
    %get3A_13 = vector.load %arg1[%get3A_11, %get3A_12] : memref<1000x512xf32, #tpu.memory_space<vmem>>, vector<1000x512xf32>
    %dot_general3A = arith.constant dense<0.000000e+00> : vector<64x512xf32>
    %dot_general3A_14 = tpu.matmul %convert_element_type3A_7, %get3A_13, %dot_general3A {dimension_numbers = #tpu.dot_dimension_numbers<[0], [0], [1], [1], [0, 1, 1, 1], [], []>, precision = #tpu.contract_precision<fp32>, transpose_lhs_hint = false} : vector<1000x64xf32>, vector<1000x512xf32>, vector<64x512xf32> -> vector<64x512xf32>
    %add3A = arith.addf %get3A_10, %dot_general3A_14 : vector<64x512xf32>
    %swap3A = arith.constant 0 : index
    %swap3A_15 = arith.constant 0 : index
    %swap3A_16 = vector.load %arg6[%swap3A, %swap3A_15] : memref<64x512xf32, #tpu.memory_space<vmem>>, vector<64x512xf32>
    tpu.vector_store %arg6[%swap3A, %swap3A_15], %add3A {strides = array<i32>} : memref<64x512xf32, #tpu.memory_space<vmem>>, vector<64x512xf32>,
    %eq3A_17 = arith.constant 9 : i32
    %eq3A_18 = arith.cmpi eq, %arg0, %eq3A_17 : i32
    %convert_element_type3A_19 = arith.extui %eq3A_18 : i1 to i32
    %cond3A_20 = arith.constant 0 : i32
    %cond3A_21 = arith.cmpi ne, %convert_element_type3A_19, %cond3A_20 : i32
    scf.if %cond3A_21 {
      %get3A_22 = arith.constant 0 : index
      %get3A_23 = arith.constant 0 : index
      %get3A_24 = vector.load %arg6[%get3A_22, %get3A_23] : memref<64x512xf32, #tpu.memory_space<vmem>>, vector<64x512xf32>
      %max3A = arith.constant 0.000000e+00 : f32
      %max3A_25 = vector.broadcast %max3A : f32 to vector<64x512xf32>
      %max3A_26 = arith.maximumf %get3A_24, %max3A_25 : vector<64x512xf32>
      %convert_element_type3A_27 = arith.truncf %max3A_26 : vector<64x512xf32> to vector<64x512xbf16>
      %get3A_28 = arith.constant 0 : index
      %get3A_29 = arith.constant 0 : index
      %get3A_30 = vector.load %arg3[%get3A_28, %get3A_29] : memref<512x128xf32, #tpu.memory_space<vmem>>, vector<512x128xf32>
      %convert_element_type3A_31 = arith.truncf %get3A_30 : vector<512x128xf32> to vector<512x128xbf16>
      %dot_general3A_32 = arith.constant dense<0.000000e+00> : vector<64x128xf32>
      %dot_general3A_33 = tpu.matmul %convert_element_type3A_27, %convert_element_type3A_31, %dot_general3A_32 {dimension_numbers = #tpu.dot_dimension_numbers<[1], [0], [0], [1], [0, 0, 1, 1], [], []>, transpose_lhs_hint = false} : vector<64x512xbf16>, vector<512x128xbf16>, vector<64x128xf32> -> vector<64x128xf32>
      %get3A_34 = arith.constant 0 : index
      %get3A_35 = arith.constant 0 : index
      %get3A_36 = vector.load %arg4[%get3A_34, %get3A_35] : memref<1x128xf32, #tpu.memory_space<vmem>>, vector<1x128xf32>
      %add3A_37 = vector.broadcast %get3A_36 : vector<1x128xf32> to vector<64x128xf32>
      %add3A_38 = arith.addf %dot_general3A_33, %add3A_37 : vector<64x128xf32>
      %neg3A = arith.constant 0.000000e+00 : f32
      %neg3A_39 = vector.broadcast %neg3A : f32 to vector<64x128xf32>
      %neg3A_40 = arith.subf %neg3A_39, %add3A_38 : vector<64x128xf32>
      %exp3A = math.exp %neg3A_40 : vector<64x128xf32>
      %add3A_41 = arith.constant 1.000000e+00 : f32
      %add3A_42 = vector.broadcast %add3A_41 : f32 to vector<64x128xf32>
      %add3A_43 = arith.addf %add3A_42, %exp3A : vector<64x128xf32>
      %div3A = arith.constant 1.000000e+00 : f32
      %div3A_44 = vector.broadcast %div3A : f32 to vector<64x128xf32>
      %div3A_45 = arith.divf %div3A_44, %add3A_43 : vector<64x128xf32>
      %swap3A_46 = arith.constant 0 : index
      %swap3A_47 = arith.constant 0 : index
      %swap3A_48 = vector.load %arg5[%swap3A_46, %swap3A_47] : memref<64x128xf32, #tpu.memory_space<vmem>>, vector<64x128xf32>
      tpu.vector_store %arg5[%swap3A_46, %swap3A_47], %div3A_45 {strides = array<i32>} : memref<64x128xf32, #tpu.memory_space<vmem>>, vector<64x128xf32>,
    } else {
    }
    return
  }
  func.func @transform_0(%arg0: i32) -> (i32, i32) {
    %c0_i32 = arith.constant 0 : i32
    %c0_i32_0 = arith.constant 0 : i32
    return %arg0, %c0_i32 : i32, i32
  }
  func.func @transform_1(%arg0: i32) -> (i32, i32) {
    %c0_i32 = arith.constant 0 : i32
    %c0_i32_0 = arith.constant 0 : i32
    return %arg0, %c0_i32 : i32, i32
  }
  func.func @transform_2(%arg0: i32) -> (i32, i32) {
    %c0_i32 = arith.constant 0 : i32
    %c0_i32_0 = arith.constant 0 : i32
    %c0_i32_1 = arith.constant 0 : i32
    return %c0_i32, %c0_i32_0 : i32, i32
  }
  func.func @transform_3(%arg0: i32) -> (i32, i32) {
    %c0_i32 = arith.constant 0 : i32
    %c0_i32_0 = arith.constant 0 : i32
    %c0_i32_1 = arith.constant 0 : i32
    return %c0_i32, %c0_i32_0 : i32, i32
  }
  func.func @transform_4(%arg0: i32) -> (i32, i32) {
    %c0_i32 = arith.constant 0 : i32
    %c0_i32_0 = arith.constant 0 : i32
    %c0_i32_1 = arith.constant 0 : i32
    return %c0_i32, %c0_i32_0 : i32, i32
  }
}

</mosaic_0001>

<sc_bundles>
// kernel: kernel.11.cloned.1.call-start
scs
__scs_entry_jumppad:
0x0: {  	(pc) =	sbr.rel $0x88, $3  }
0x1: {  	(tag) =	ssettag $0x0;
	lr =	simm.s32 $0x1  }
0x2: {  	[smem:$0x3F8F] =	sst lr;
	_ =	strace $0xD0000000  }
0x3: {  	_ = 	snop  }
0x4: {  	_ = 	snop  }
0x5: {  	_ = 	snop  }
0x6: {  	_ = 	snop  }
0x7: {  	_ = 	snop  }
__scs_overlays_trampoline_lowered:
0x8: {  	[smem:$0x3F9E] =	sst s0  }
0x9: {  	[smem:$0x3F9F] =	sst s1  }
0xa: {  	[smem:$0x3FA0] =	sst s2  }
0xb: {  	[smem:$0x3FA1] =	sst s3  }
0xc: {  	[smem:$0x3FA2] =	sst s4  }
0xd: {  	[smem:$0x3FA3] =	sst s5  }
0xe: {  	[smem:$0x3FA4] =	sst s6  }
0xf: {  	[smem:$0x3FA5] =	sst s7  }
0x10: {  	[smem:$0x3FA6] =	sst s8  }
0x11: {  	[smem:$0x3FA7] =	sst s9;
	s0 =	simm.s32 @!p0 $0x0  }
0x12: {  	s1 =	sld [smem:$0x3F8D];
	s0 =	simm.s32 @p0 $0x1  }
0x13: {  	[smem:$0x3FA8] =	sst s0;
	s0 =	simm.s32 @!p1 $0x0  }
0x14: {  	s2 =	sld [smem:$0x3F8C];
	s0 =	simm.s32 @p1 $0x1  }
0x15: {  	[smem:$0x3FA9] =	sst s0;
	s0 =	simm.s32 @!p2 $0x0  }
0x16: {  	s3 =	sld [smem:$0x3FDB];
	s0 =	simm.s32 @p2 $0x1  }
0x17: {  	s4 =	simm.s32 $0x1BF5;
	[smem:$0x3FAB] =	sst s0  }
0x18: {  	s0 =	sld [smem:$0x3F8E];
	_ =	swait.ge [sflag:s4], $0x0  }
0x19: {  	s7 =	sld [smem:$0x3F8F]  }
0x1a: {  	s8 =	sadd.s32 $0xFFFFE003, lr  }
0x1b: {  	s9 =	sadd.s32 $0xFFFFFEF7, lr;
	s5 =	simm.s32 $0xFFFFFFFF;
	p2 =	slt.u32 s8, $0xFFFFF086  }
0x1c: {  	p1 =	slt.u32 s9, $0xF7A;
	s5 =	simm.s32 @!p2 $0x0  }
0x1d: {  	s5 =	simm.s32 @p1 $0x1;
	p0 =	seq.s32 s7, s2  }
0x1e: {  	s7 =	smul.u32 @!p0 $0xF7A, s2;
	p2 =	seq.s32 @!p0 s5, $0x0  }
0x1f: {  	s9 =	smul.u32 $0xF7A, s1;
	s8 =	simm.s32 @!p0 $0x1BF5;
	p2 =	por !p2, p0  }
0x20: {  	[sflag:s8] =	ssyncset.s32 @!p0 $0xFFFFF086;
	s6 =	sadd.s32 @!p0 s3, s7;
	s7 =	simm.s32 @!p0 $0x108  }
0x21: {  	s3 =	sadd.s32 s3, s9;
	s6 =	sadd.s32 @!p0 $0x88, s6;
	s7 =	simm.s32 @p2 $0x1082  }
0x22: {  	[simem:s7], [sflag:s8] =	dma.local @!p0 [hbm:s6], $0xF7A  }
0x23: {  	s9 =	sor.u32 $0xD0000000, s2;
	s6 =	simm.s32 $0x108;
	_ =	swait.ge @!p0 [sflag:s8], $0x0  }
0x24: {  	s3 =	sadd.s32 $0x88, s3;
	s6 =	simm.s32 @!p1 $0x1082;
	[sflag:s4] =	ssyncset.s32 $0xFFFFF086  }
0x25: {  	[simem:s6], [sflag:s4] =	dma.local [hbm:s3], $0xF7A  }
0x26: {  	[smem:$0x3F8F] =	sst s1;
	(tag) =	ssettag s2;
	_ =	strace s9  }
0x27: {  	s1 =	sld [smem:$0x3F9F]  }
0x28: {  	s2 =	sld [smem:$0x3FA0]  }
0x29: {  	s4 =	sld [smem:$0x3FA2]  }
0x2a: {  	p0 =	seq.s32 s5, $0x0;
	s5 =	sld [smem:$0x3FA3]  }
0x2b: {  	s6 =	sld [smem:$0x3FA4]  }
0x2c: {  	s7 =	sld [smem:$0x3FA5]  }
0x2d: {  	s3 =	simm.s32 $0x108;
	s8 =	sld [smem:$0x3FA6]  }
0x2e: {  	s3 =	simm.s32 @!p0 $0x1082;
	s9 =	sld [smem:$0x3FA7]  }
0x2f: {  	lr =	sadd.s32 s0, s3;
	s0 =	sld [smem:$0x3F9E]  }
0x30: {  	s3 =	sld [smem:$0x3FA1]  }
0x31: {  	[smem:$0x3FAA] =	sst s10  }
0x32: {  	s10 =	sld [smem:$0x3FA8];
	_ =	sdelay $0x3  }
0x33: {  	p0 =	seq.s32 s10, $0x1;
	s10 =	sld [smem:$0x3FAA];
	_ =	sdelay $0x3  }
0x34: {  	[smem:$0x3FAA] =	sst s10  }
0x35: {  	s10 =	sld [smem:$0x3FA9];
	_ =	sdelay $0x3  }
0x36: {  	p1 =	seq.s32 s10, $0x1;
	s10 =	sld [smem:$0x3FAA];
	_ =	sdelay $0x3  }
0x37: {  	[smem:$0x3FAA] =	sst s10  }
0x38: {  	s10 =	sld [smem:$0x3FAB]  }
0x39: {  	_ = 	snop;
	(pc) =	sbr.ind lr, $3  }
0x3a: {  	_ = 	snop  }
0x3b: {  	_ = 	snop  }
0x3c: {  	p2 =	seq.s32 s10, $0x1;
	s10 =	sld [smem:$0x3FAA]  }
0x3d: {  	_ =	shalt  }
0x3e: {  	_ =	shalt  }
0x3f: {  	_ =	shalt  }
0x40: {  	_ =	shalt  }
0x41: {  	_ =	shalt  }
0x42: {  	_ =	shalt  }
0x43: {  	_ =	shalt  }
0x44: {  	_ =	shalt  }
0x45: {  	_ =	shalt  }
0x46: {  	_ =	shalt  }
0x47: {  	_ =	shalt  }
0x48: {  	_ =	shalt  }
0x49: {  	_ =	shalt  }
0x4a: {  	_ =	shalt  }
0x4b: {  	_ =	shalt  }
0x4c: {  	_ =	shalt  }
0x4d: {  	_ =	shalt  }
0x4e: {  	_ =	shalt  }
0x4f: {  	_ =	shalt  }
0x50: {  	_ =	shalt  }
0x51: {  	_ =	shalt  }
0x52: {  	_ =	shalt  }
0x53: {  	_ =	shalt  }
0x54: {  	_ =	shalt  }
0x55: {  	_ =	shalt  }
0x56: {  	_ =	shalt  }
0x57: {  	_ =	shalt  }
0x58: {  	_ =	shalt  }
0x59: {  	_ =	shalt  }
0x5a: {  	_ =	shalt  }
0x5b: {  	_ =	shalt  }
0x5c: {  	_ =	shalt  }
0x5d: {  	_ =	shalt  }
0x5e: {  	_ =	shalt  }
0x5f: {  	_ =	shalt  }
0x60: {  	_ =	shalt  }
0x61: {  	_ =	shalt  }
0x62: {  	_ =	shalt  }
0x63: {  	_ =	shalt  }
0x64: {  	_ =	shalt  }
0x65: {  	_ =	shalt  }
0x66: {  	_ =	shalt  }
0x67: {  	_ =	shalt  }
0x68: {  	_ =	shalt  }
0x69: {  	_ =	shalt  }
0x6a: {  	_ =	shalt  }
0x6b: {  	_ =	shalt  }
0x6c: {  	_ =	shalt  }
0x6d: {  	_ =	shalt  }
0x6e: {  	_ =	shalt  }
0x6f: {  	_ =	shalt  }
0x70: {  	_ =	shalt  }
0x71: {  	_ =	shalt  }
0x72: {  	_ =	shalt  }
0x73: {  	_ =	shalt  }
0x74: {  	_ =	shalt  }
0x75: {  	_ =	shalt  }
0x76: {  	_ =	shalt  }
0x77: {  	_ =	shalt  }
0x78: {  	_ =	shalt  }
0x79: {  	_ =	shalt  }
0x7a: {  	_ =	shalt  }
0x7b: {  	_ =	shalt  }
0x7c: {  	_ =	shalt  }
0x7d: {  	_ =	shalt  }
0x7e: {  	_ =	shalt  }
0x7f: {  	_ =	shalt  }
0x80: {  	_ =	shalt  }
0x81: {  	_ =	shalt  }
0x82: {  	_ =	shalt  }
0x83: {  	_ =	shalt  }
0x84: {  	_ =	shalt  }
0x85: {  	_ =	shalt  }
0x86: {  	_ =	shalt  }
0x87: {  	_ =	shalt  }
.Lfunc_end0:
.L_simem_size_0:
called_computation_lowered:
.L_overlay_start_0:
0x88: {  	s2 =	sld [smem:$0x3FD9]  }
0x89: {  	s3 =	sld [smem:$0x3FFE];
	_ =	sdelay $0x1  }
0x8a: {  	s1 =	srdreg.scid  }
0x8b: {  	s0 =	sand.u32 $0x1, s1  }
0x8c: {  	s17 =	sshll.u32 s0, $0xA;
	s2 =	sadd.s32 s3, s2  }
0x8d: {  	s2 =	sadd.s32 s2, s17  }
0x8e: {  	[smem:$0x3FB6] =	sst s2  }
0x8f: {  	_ = 	snop  }
0x90: {  	s2 =	sld [smem:$0x3FC9];
	(tm) =	ssettm $0x1  }
0x91: {  	s18 =	sld [smem:$0x3FFB];
	_ =	sdelay $0x3  }
0x92: {  	_ =	strace s18  }
0x93: {  	s3 =	sld [smem:$0x3FFC];
	_ =	sdelay $0x3  }
0x94: {  	_ =	strace s3  }
0x95: {  	s3 =	sld [smem:$0x3FFD];
	_ =	sdelay $0x3  }
0x96: {  	_ =	strace s3  }
0x97: {  	_ =	strace $0x8FFFFFFF  }
0x98: {  	s19 =	sld [smem:$0x3FDB];
	_ =	sdelay $0x1  }
0x99: {  	s4 =	simm.s32 $_scs_section_size  }
0x9a: {  	s5 =	simm.s32 $_size__tile_overlayer_lowered;
	s6 =	simm.s32 $_tile_overlayer_lowered  }
0x9b: {  	s22 =	simm.s32 $0x1BFF;
	s21 =	sshll.u32 s6, $0x1;
	s3 =	sadd.s32 s4, s19  }
0x9c: {  	s7 =	simm.s32 $0x0;
	s20 =	sshll.u32 s5, $0x1;
	s5 =	sadd.s32 s21, s3  }
0x9d: {  	[timem:s7], [sflag:s22] =	dma.local [hbm:s5], s20  }
0x9e: {  	_ =	swait.ge [sflag:s22], s20  }
0x9f: {  	s4 =	ssub.s32 $0x0, s20;
	[sflag:s22] =	ssyncset.done $0x0  }
0xa0: {  	[sflag:s22] =	ssyncadd.s32 s4;
	_ =	sdelay $0x1  }
0xa1: {  	s23 =	simm.s32 $0x1B8B  }
0xa2: {  	_ =	swait.ge [sflag:s23], $0x1  }
0xa3: {  	[sflag:s23] =	ssyncset.done $0x0  }
0xa4: {  	s25 =	simm.s32 $0x1B8E;
	s24 =	sld [smem:$0x3FFE];
	[sflag:s23] =	ssyncadd.s32 $0xFFFFFFFF  }
0xa5: {  	s26 =	simm.s32 $execute0_lowered;
	[smem:$0x3FD2] =	sst s25  }
0xa6: {  	s5 =	sshll.u32 s26, $0x1;
	_ =	strace $0x80000046;
	[dreg:$0x1] =	wrdreg $0xFFFFFFFF  }
0xa7: {  	s28 =	simm.s32 $_size_execute0_lowered;
	s3 =	sadd.s32 s3, s5;
	[dreg:$0x0] =	wrdreg $0x0  }
0xa8: {  	s5 =	sshll.u32 s28, $0x1;
	[dreg:$0x2] =	wrdreg s3  }
0xa9: {  	[dreg:$0x3] =	wrdreg s5  }
0xaa: {  	[dreg:$0x4] =	wrdreg $0xC0  }
0xab: {  	_ =	task [dreg:s7], $0x5FFFF  }
0xac: {  	[dreg:$0x1] =	wrdreg $0xFFFFFFFF  }
0xad: {  	[dreg:$0x0] =	wrdreg $0x60  }
0xae: {  	[dreg:$0x2] =	wrdreg s2  }
0xaf: {  	[dreg:$0x3] =	wrdreg s24  }
0xb0: {  	[dreg:$0x4] =	wrdreg $0x9  }
0xb1: {  	_ =	task.clear_ibuf [dreg:s7], $0x5FFFF;
	_ =	strace $0x90000046  }
0xb2: {  	s29 =	simm.s32 $0x9;
	_ =	strace $0x80000048  }
0xb3: {  	_ =	swait.ge [sflag:s29], $0x1  }
0xb4: {  	[sflag:s29] =	ssyncadd.s32 $0xFFFFFFFF  }
0xb5: {  	_ =	strace $0x90000048  }
0xb6: {  	_ =	sfence  }
0xb7: {  	s30 =	sld [smem:$0x0];
	_ =	sdelay $0x2  }
0xb8: {  	s31 =	sshll.u32 s1, $0xD;
	s1 =	sshrl.u32 s1, $0x2  }
0xb9: {  	s3 =	sand.u32 $0x4000, s31;
	s1 =	sadd.s32 s1, s30  }
0xba: {  	s0 =	sor.u32 s3, s0;
	s1 =	sshll.u32 s1, $0x11  }
0xbb: {  	s0 =	sor.u32 s1, s0  }
0xbc: {  	s0 =	sadd.s32 $0x8F2B, s0  }
0xbd: {  	[sflag:s0] =	ssyncadd.remote.s32 $0x1  }
0xbe: {  	_ =	sfence.sel $0xFFFF  }
0xbf: {  	[dreg:$0x0] =	wrdreg $0xFFFFFFFF;
	(pc) =	sbr.abs _section_cstart, $3  }
0xc0: {  	[dreg:$0x1] =	wrdreg $0xFFFFFFFF  }
0xc1: {  	_ =	task.clear_ibuf [dreg:s7], $0x2FFFF;
	_ =	strace $0x9FFFFFFF  }
0xc2: {  	(tm) =	ssettm $0x7FFFFFFF  }
0xc3: {  	_ =	shalt  }
tec
execute0_lowered:
.L_overlay_start_1:
0x0: {  	(tag) =	ssettag $0x1  }
0x1: {  	s2 =	rddreg [dreg:$0x0];
	s1 =	srdreg.scid  }
0x2: {  	s0 =	stileid.u32;
	s4 =	rddreg [dreg:$0x1]  }
0x3: {  	s3 =	simm.s32 $0x0;
	s9 =	simm.s32 $0x1C00;
	s10 =	simm.s32 $0x2400  }
0x4: {  	s11 =	simm.s32 $0x2C00;
	s12 =	simm.s32 $0x3400;
	s13 =	simm.s32 $0x3C00  }
0x5: {  	s14 =	simm.s32 $0x4400;
	s15 =	simm.s32 $0x4C00;
	s16 =	simm.s32 $0x5400  }
0x6: {  	s17 =	simm.s32 $0x5C00;
	s18 =	simm.s32 $0x6400;
	s19 =	simm.s32 $0x6C00  }
0x7: {  	s20 =	simm.s32 $0x7400;
	s21 =	simm.s32 $0x7C00;
	s22 =	simm.s32 $0x8400  }
0x8: {  	s23 =	simm.s32 $0x1;
	s24 =	simm.s32 $0x2;
	s5 =	sand.u32 $0x1, s1  }
0x9: {  	s6 =	sshll.u32 s0, $0x1;
	s1 =	rddreg [dreg:$0x2];
	s7 =	smul.u32 $0x4E200, s0  }
0xa: {  	s6 =	sor.u32 s5, s6;
	s8 =	ssub.s32 $0x2, s5;
	s5 =	smul.u32 $0x27100, s5  }
0xb: {  	s25 =	simm.s32 $0x0;
	[smem:$0x7FF] =	sst s3;
	s6 =	smul.u32 $0x1388, s6  }
0xc: {  	_ =	strace $0x80000047;
	s7 =	sadd.s32 s7, s4;
	s30 =	sshrl.u32 s8, $0x1  }
0xd: {  	v2 =	vlaneseq.u32;
	s8 =	ssub.s32 s8, s30;
	s31 =	sadd.s32 s5, s7;
	s6 =	sshrl.u32 s6, $0x3  }
0xe: {  	vm0 =	vmmov $0xffff;
	v1 =	vshrl.u32 v2, $0x3;
	s7 =	simm.s32 $0x3;
	s5 =	smax.u32 s8, $0x1;
	s6 =	sadd.s32 s6, s4  }
0xf: {  	v0 =	vand.u32 $0x7, v2;
	v2 =	vor.u32 $0x8, v2;
	v1 =	vmul.u32 $0x8, v1;
	s8 =	simm.s32 $0x1400;
	s4 =	sadd.s32 $0x7E00, s6;
	s6 =	sadd.s32 $0xCE00, s31  }
.LBB2_1:
0x10: {  	[tilespmem:s3], [sflag:$0x3] =	stream.linear.gather [hbm4b:s4+s3], $0x1388, $0x38;
	[tilespmem:$0xDC00] =	vst v63  }
0x11: {  	_ =	swait.ge [sflag:s7], $0x1388  }
0x12: {  	[sflag:s7] =	ssyncset.done $0x0  }
0x13: {  	[sflag:s7] =	ssyncadd.s32 $0xFFFFEC78  }
0x14: {  	v3 =	vld [tilespmem:$0x0];
	_ =	sdelay $0x4  }
0x15: {  	v4 =	vshll.u32 v3, $0x1  }
0x16: {  	v3 =	vand.u32 $0x7, v3;
	v4 =	vand.u32 $0xFFFFFFF0, v4  }
0x17: {  	v3 =	vor.u32 v3, v4  }
0x18: {  	v4 =	vperm.xlane v3, v0;
	_ =	sdelay $0x1  }
0x19: {  	v3 =	vperm.xlane v3, v2;
	v4 =	vadd.s32 v1, v4;
	_ =	sdelay $0x1  }
0x1a: {  	v3 =	vadd.s32 v1, v3;
	_ =	sdelay $0x2  }
0x1b: {  	[tilespmem:s8], [sflag:$0x1] =	stream.indirect_vreg.gather [hbm4b:s2+s3], $0x80, v4, vm0, $0xb8;
	[tilespmem:$0xDC00] =	vst v63  }
0x1c: {  	_ = 	snop  }
0x1d: {  	[tilespmem:s9], [sflag:$0x1] =	stream.indirect_vreg.gather [hbm4b:s2+s3], $0x80, v3, vm0, $0xb8;
	[tilespmem:$0xDC00] =	vst v63  }
0x1e: {  	v3 =	vld [tilespmem:$0x10];
	_ =	sdelay $0x4  }
0x1f: {  	v56 =	vshll.u32 v3, $0x1  }
0x20: {  	v3 =	vand.u32 $0x7, v3;
	v4 =	vand.u32 $0xFFFFFFF0, v56  }
0x21: {  	v3 =	vor.u32 v3, v4  }
0x22: {  	v4 =	vperm.xlane v3, v0;
	_ =	sdelay $0x1  }
0x23: {  	v3 =	vperm.xlane v3, v2;
	v4 =	vadd.s32 v1, v4;
	_ =	sdelay $0x1  }
0x24: {  	v3 =	vadd.s32 v1, v3;
	_ =	sdelay $0x2  }
0x25: {  	[tilespmem:s10], [sflag:$0x1] =	stream.indirect_vreg.gather [hbm4b:s2+s3], $0x80, v4, vm0, $0xb8;
	[tilespmem:$0xDC00] =	vst v63  }
0x26: {  	_ = 	snop  }
0x27: {  	[tilespmem:s11], [sflag:$0x1] =	stream.indirect_vreg.gather [hbm4b:s2+s3], $0x80, v3, vm0, $0xb8;
	[tilespmem:$0xDC00] =	vst v63  }
0x28: {  	v3 =	vld.msk [tilespmem:$0x20], $0xff;
	_ =	sdelay $0x4  }
0x29: {  	v57 =	vshll.u32 v3, $0x1  }
0x2a: {  	v3 =	vand.u32 $0x7, v3;
	v4 =	vand.u32 $0xFFFFFFF0, v57  }
0x2b: {  	v3 =	vor.u32 v3, v4  }
0x2c: {  	v3 =	vperm.xlane v3, v0;
	_ =	sdelay $0x1  }
0x2d: {  	v3 =	vadd.s32 v1, v3;
	_ =	sdelay $0x4  }
0x2e: {  	[tilespmem:s12], [sflag:$0x1] =	stream.indirect_vreg.gather [hbm4b:s2+s3], $0x80, v3, vm0, $0xb8;
	[tilespmem:$0xDC00] =	vst v63  }
0x2f: {  	v3 =	vld [tilespmem:$0x28];
	_ =	sdelay $0x4  }
0x30: {  	v58 =	vshll.u32 v3, $0x1  }
0x31: {  	v3 =	vand.u32 $0x7, v3;
	v4 =	vand.u32 $0xFFFFFFF0, v58  }
0x32: {  	v3 =	vor.u32 v3, v4  }
0x33: {  	v4 =	vperm.xlane v3, v0;
	_ =	sdelay $0x1  }
0x34: {  	v3 =	vperm.xlane v3, v2;
	v4 =	vadd.s32 v1, v4;
	_ =	sdelay $0x1  }
0x35: {  	v3 =	vadd.s32 v1, v3;
	_ =	sdelay $0x2  }
0x36: {  	[tilespmem:s13], [sflag:$0x1] =	stream.indirect_vreg.gather [hbm4b:s2+s3], $0x80, v4, vm0, $0xb8;
	[tilespmem:$0xDC00] =	vst v63  }
0x37: {  	_ = 	snop  }
0x38: {  	[tilespmem:s14], [sflag:$0x1] =	stream.indirect_vreg.gather [hbm4b:s2+s3], $0x80, v3, vm0, $0xb8;
	[tilespmem:$0xDC00] =	vst v63  }
0x39: {  	v3 =	vld [tilespmem:$0x38];
	_ =	sdelay $0x4  }
0x3a: {  	v59 =	vshll.u32 v3, $0x1  }
0x3b: {  	v3 =	vand.u32 $0x7, v3;
	v4 =	vand.u32 $0xFFFFFFF0, v59  }
0x3c: {  	v3 =	vor.u32 v3, v4  }
0x3d: {  	v4 =	vperm.xlane v3, v0;
	_ =	sdelay $0x1  }
0x3e: {  	v3 =	vperm.xlane v3, v2;
	v4 =	vadd.s32 v1, v4;
	_ =	sdelay $0x1  }
0x3f: {  	v3 =	vadd.s32 v1, v3;
	_ =	sdelay $0x2  }
0x40: {  	[tilespmem:s15], [sflag:$0x1] =	stream.indirect_vreg.gather [hbm4b:s2+s3], $0x80, v4, vm0, $0xb8;
	[tilespmem:$0xDC00] =	vst v63  }
0x41: {  	_ = 	snop  }
0x42: {  	[tilespmem:s16], [sflag:$0x1] =	stream.indirect_vreg.gather [hbm4b:s2+s3], $0x80, v3, vm0, $0xb8;
	[tilespmem:$0xDC00] =	vst v63  }
0x43: {  	v3 =	vld.msk [tilespmem:$0x48], $0xff;
	_ =	sdelay $0x4  }
0x44: {  	v60 =	vshll.u32 v3, $0x1  }
0x45: {  	v3 =	vand.u32 $0x7, v3;
	v4 =	vand.u32 $0xFFFFFFF0, v60  }
0x46: {  	v3 =	vor.u32 v3, v4  }
0x47: {  	v3 =	vperm.xlane v3, v0;
	_ =	sdelay $0x1  }
0x48: {  	v3 =	vadd.s32 v1, v3;
	_ =	sdelay $0x4  }
0x49: {  	[tilespmem:s17], [sflag:$0x1] =	stream.indirect_vreg.gather [hbm4b:s2+s3], $0x80, v3, vm0, $0xb8;
	[tilespmem:$0xDC00] =	vst v63  }
0x4a: {  	v3 =	vld [tilespmem:$0x50];
	_ =	sdelay $0x4  }
0x4b: {  	v61 =	vshll.u32 v3, $0x1  }
0x4c: {  	v3 =	vand.u32 $0x7, v3;
	v4 =	vand.u32 $0xFFFFFFF0, v61  }
0x4d: {  	v3 =	vor.u32 v3, v4  }
0x4e: {  	v4 =	vperm.xlane v3, v0;
	_ =	sdelay $0x1  }
0x4f: {  	v3 =	vperm.xlane v3, v2;
	v4 =	vadd.s32 v1, v4;
	_ =	sdelay $0x1  }
0x50: {  	v3 =	vadd.s32 v1, v3;
	_ =	sdelay $0x2  }
0x51: {  	[tilespmem:s18], [sflag:$0x1] =	stream.indirect_vreg.gather [hbm4b:s2+s3], $0x80, v4, vm0, $0xb8;
	[tilespmem:$0xDC00] =	vst v63  }
0x52: {  	_ = 	snop  }
0x53: {  	[tilespmem:s19], [sflag:$0x1] =	stream.indirect_vreg.gather [hbm4b:s2+s3], $0x80, v3, vm0, $0xb8;
	[tilespmem:$0xDC00] =	vst v63  }
0x54: {  	v3 =	vld [tilespmem:$0x60];
	_ =	sdelay $0x4  }
0x55: {  	v62 =	vshll.u32 v3, $0x1  }
0x56: {  	v3 =	vand.u32 $0x7, v3;
	v4 =	vand.u32 $0xFFFFFFF0, v62  }
0x57: {  	v3 =	vor.u32 v3, v4  }
0x58: {  	v4 =	vperm.xlane v3, v0;
	_ =	sdelay $0x1  }
0x59: {  	v3 =	vperm.xlane v3, v2;
	v4 =	vadd.s32 v1, v4;
	_ =	sdelay $0x1  }
0x5a: {  	v3 =	vadd.s32 v1, v3;
	_ =	sdelay $0x2  }
0x5b: {  	[tilespmem:s20], [sflag:$0x1] =	stream.indirect_vreg.gather [hbm4b:s2+s3], $0x80, v4, vm0, $0xb8;
	[tilespmem:$0xDC00] =	vst v63  }
0x5c: {  	_ = 	snop  }
0x5d: {  	[tilespmem:s21], [sflag:$0x1] =	stream.indirect_vreg.gather [hbm4b:s2+s3], $0x80, v3, vm0, $0xb8;
	[tilespmem:$0xDC00] =	vst v63  }
0x5e: {  	v3 =	vld.msk [tilespmem:$0x70], $0xff;
	_ =	sdelay $0x4  }
0x5f: {  	v63 =	vshll.u32 v3, $0x1  }
0x60: {  	v3 =	vand.u32 $0x7, v3;
	v4 =	vand.u32 $0xFFFFFFF0, v63  }
0x61: {  	v3 =	vor.u32 v3, v4  }
0x62: {  	v3 =	vperm.xlane v3, v0;
	_ =	sdelay $0x1  }
0x63: {  	v3 =	vadd.s32 v1, v3;
	_ =	sdelay $0x3  }
0x64: {  	s26 =	simm.s32 $0x98;
	s28 =	smov.u32 s6;
	s29 =	simm.s32 $0x0  }
0x65: {  	[tilespmem:s22], [sflag:$0x1] =	stream.indirect_vreg.gather [hbm4b:s2+s3], $0x80, v3, vm0, $0xb8;
	[tilespmem:$0xDC00] =	vst v63  }
.LBB2_2:
0x66: {  	s30 =	smul.u32 $0xCD, s29;
	_ =	sdelay $0x1  }
0x67: {  	s30 =	sshrl.u32 s30, $0xA  }
0x68: {  	s30 =	sand.u32 $0x3F, s30  }
0x69: {  	s30 =	smul.u32 $0x5, s30;
	_ =	sdelay $0x1  }
0x6a: {  	s30 =	ssub.s32 s29, s30  }
0x6b: {  	s30 =	sand.u32 $0xFF, s30  }
0x6c: {  	s30 =	smul.u32 $0xA000, s30  }
0x6d: {  	_ =	swait.ge [sflag:s23], $0x2800  }
0x6e: {  	[sflag:s23] =	ssyncset.done $0x0;
	s30 =	sshrl.u32 s30, $0x2  }
0x6f: {  	p0 =	slt.u32 s29, $0x2;
	[sflag:s23] =	ssyncadd.s32 $0xFFFFD800;
	s30 =	sadd.s32 $0x1400, s30  }
0x70: {  	[hbm4b:s28+s3] =	stream.linear.scatter [tilespmem:s30], [sflag:$0x2], $0x2800, $0x38;
	[tilespmem:$0xDC00] =	vst v63  }
0x71: {  	s30 =	simm.s32 @!p0 $0x2  }
0x72: {  	_ =	swait.ge @!p0 [sflag:s30], $0x2800  }
0x73: {  	p1 =	sgt.u32 @!p0 s29, $0x79;
	[sflag:s30] =	ssyncset.done @!p0 $0x0  }
0x74: {  	p1 =	por p0, !p1;
	[sflag:s30] =	ssyncadd.s32 @!p0 $0xFFFFD800  }
0x75: {  	v3 =	vld @p1 [tilespmem:s26+$0xFFFFFFE0];
	_ =	sdelay $0x1  }
0x76: {  	s30 =	sadd.s32 @p1 $0x3, s29  }
0x77: {  	s31 =	smul.u32 @p1 $0xCD, s30;
	_ =	sdelay $0x1  }
0x78: {  	s31 =	sshrl.u32 @p1 s31, $0xA;
	v4 =	vshll.u32 @p1 v3, $0x1  }
0x79: {  	s31 =	sand.u32 @p1 $0x3F, s31;
	v3 =	vand.u32 @p1 $0x7, v3;
	v4 =	vand.u32 @p1 $0xFFFFFFF0, v4  }
0x7a: {  	s31 =	smul.u32 @p1 $0x5, s31;
	v3 =	vor.u32 @p1 v3, v4  }
0x7b: {  	v4 =	vperm.xlane @p1 v3, v0  }
0x7c: {  	s30 =	ssub.s32 @p1 s30, s31  }
0x7d: {  	s30 =	sand.u32 @p1 $0xFF, s30;
	v3 =	vperm.xlane @p1 v3, v2;
	v4 =	vadd.s32 @p1 v1, v4  }
0x7e: {  	s30 =	smul.u32 @p1 $0xA000, s30  }
0x7f: {  	v3 =	vadd.s32 @p1 v1, v3  }
0x80: {  	s30 =	sshrl.u32 @p1 s30, $0x2  }
0x81: {  	s31 =	sadd.s32 @p1 $0x1400, s30  }
0x82: {  	[tilespmem:s31], [sflag:$0x1] =	stream.indirect_vreg.gather @p1 [hbm4b:s2+s3], $0x80, v4, vm0, $0xb8;
	[tilespmem:$0xDC00] =	vst v63  }
0x83: {  	s31 =	sadd.s32 @p1 $0x1C00, s30  }
0x84: {  	[tilespmem:s31], [sflag:$0x1] =	stream.indirect_vreg.gather @p1 [hbm4b:s2+s3], $0x80, v3, vm0, $0xb8;
	[tilespmem:$0xDC00] =	vst v63  }
0x85: {  	v3 =	vld @p1 [tilespmem:s26+$0xFFFFFFF0];
	_ =	sdelay $0x4  }
0x86: {  	v4 =	vshll.u32 @p1 v3, $0x1  }
0x87: {  	v3 =	vand.u32 @p1 $0x7, v3;
	v4 =	vand.u32 @p1 $0xFFFFFFF0, v4  }
0x88: {  	v3 =	vor.u32 @p1 v3, v4  }
0x89: {  	v4 =	vperm.xlane @p1 v3, v0;
	_ =	sdelay $0x1  }
0x8a: {  	v3 =	vperm.xlane @p1 v3, v2;
	v4 =	vadd.s32 @p1 v1, v4;
	_ =	sdelay $0x1  }
0x8b: {  	v3 =	vadd.s32 @p1 v1, v3;
	_ =	sdelay $0x1  }
0x8c: {  	s31 =	sadd.s32 @p1 $0x2400, s30  }
0x8d: {  	[tilespmem:s31], [sflag:$0x1] =	stream.indirect_vreg.gather @p1 [hbm4b:s2+s3], $0x80, v4, vm0, $0xb8;
	[tilespmem:$0xDC00] =	vst v63  }
0x8e: {  	s31 =	sadd.s32 @p1 $0x2C00, s30  }
0x8f: {  	[tilespmem:s31], [sflag:$0x1] =	stream.indirect_vreg.gather @p1 [hbm4b:s2+s3], $0x80, v3, vm0, $0xb8;
	[tilespmem:$0xDC00] =	vst v63  }
0x90: {  	v3 =	vld.msk @p1 [tilespmem:s26+$0x0], $0xff;
	_ =	sdelay $0x4  }
0x91: {  	v4 =	vshll.u32 @p1 v3, $0x1  }
0x92: {  	v3 =	vand.u32 @p1 $0x7, v3;
	v4 =	vand.u32 @p1 $0xFFFFFFF0, v4  }
0x93: {  	v3 =	vor.u32 @p1 v3, v4  }
0x94: {  	v3 =	vperm.xlane @p1 v3, v0  }
0x95: {  	s29 =	sadd.s32 $0x1, s29  }
0x96: {  	p0 =	sne.s32 s29, $0x7D;
	v3 =	vadd.s32 @p1 v1, v3  }
.Ltmp0:
0x97: {  	_ = 	snop;
	(pc) =	sbr.rel @p0 .LBB2_2-.Ltmp0, $3  }
0x98: {  	_ =	sdelay $0x1  }
0x99: {  	s28 =	sadd.s32 $0x500, s28;
	s30 =	sadd.s32 @p1 $0x3400, s30;
	s26 =	sadd.s32 $0x28, s26  }
0x9a: {  	[tilespmem:s30], [sflag:$0x1] =	stream.indirect_vreg.gather @p1 [hbm4b:s2+s3], $0x80, v3, vm0, $0xb8;
	[tilespmem:$0xDC00] =	vst v63  }
0x9b: {  	s25 =	sadd.s32 $0x1, s25  }
0x9c: {  	_ =	swait.ge [sflag:s24], $0x2800;
	p0 =	sne.s32 s25, s5  }
.Ltmp1:
0x9d: {  	[sflag:s24] =	ssyncset.done $0x0;
	(pc) =	sbr.rel @p0 .LBB2_1-.Ltmp1, $4  }
0x9e: {  	[sflag:s24] =	ssyncadd.s32 $0xFFFFD800  }
0x9f: {  	_ =	swait.ge [sflag:s24], $0x2800  }
0xa0: {  	[sflag:s24] =	ssyncset.done $0x0  }
0xa1: {  	[sflag:s24] =	ssyncadd.s32 $0xFFFFD800  }
0xa2: {  	_ =	sfence.sel $0x180000  }
0xa3: {  	[bflag:$0x0] =	sbarrier.arrive $0xFFFF  }
0xa4: {  	p0 =	sne.s32 s0, $0x0;
	_ =	strace $0x90000047  }
0xa5: {  	s0 =	sadd.s32 @!p0 $0x100000, s1;
	[bflag:$0x2] =	sbarrier.arrive $0xFFFF  }
0xa6: {  	[sflag:s0] =	ssyncadd.tile.s32 @!p0 $0x1;
	_ =	shalt  }
.Lfunc_end2:
_tile_overlayer_lowered:
.L_overlay_start_2:
0xa7: {  	(tag) =	ssettag $0x2  }
0xa8: {  	s0 =	rddreg [dreg:$0x0];
	s2 =	stileid.u32  }
0xa9: {  	s1 =	rddreg [dreg:$0x1];
	p0 =	sne.s32 s2, $0x0  }
0xaa: {  	s3 =	rddreg [dreg:$0x2];
	[bflag:$0x3] =	sbarrier.arrive $0xFFFF;
	s2 =	simm.s32 @!p0 $0x1C03  }
0xab: {  	[timem:s3], [sflag:s2] =	dma.local @!p0 [hbm:s0], s1  }
0xac: {  	s0 =	simm.s32 @!p0 $0x3  }
0xad: {  	_ =	swait.ge @!p0 [sflag:s0], s1  }
0xae: {  	s1 =	ssub.s32 @!p0 $0x0, s1;
	[sflag:s0] =	ssyncset.done @!p0 $0x0  }
0xaf: {  	[sflag:s0] =	ssyncadd.s32 @!p0 s1  }
0xb0: {  	[bflag:$0x3] =	sbarrier.arrive $0xFFFF  }
0xb1: {  	_ =	shalt  }

// kernel: kernel.14.cloned.1.call-start
scs
__scs_entry_jumppad:
0x0: {  	(pc) =	sbr.rel $0x88, $3  }
0x1: {  	(tag) =	ssettag $0x0;
	lr =	simm.s32 $0x1  }
0x2: {  	[smem:$0x3F8F] =	sst lr;
	_ =	strace $0xD0000000  }
0x3: {  	_ = 	snop  }
0x4: {  	_ = 	snop  }
0x5: {  	_ = 	snop  }
0x6: {  	_ = 	snop  }
0x7: {  	_ = 	snop  }
__scs_overlays_trampoline_lowered:
0x8: {  	[smem:$0x3F9E] =	sst s0  }
0x9: {  	[smem:$0x3F9F] =	sst s1  }
0xa: {  	[smem:$0x3FA0] =	sst s2  }
0xb: {  	[smem:$0x3FA1] =	sst s3  }
0xc: {  	[smem:$0x3FA2] =	sst s4  }
0xd: {  	[smem:$0x3FA3] =	sst s5  }
0xe: {  	[smem:$0x3FA4] =	sst s6  }
0xf: {  	[smem:$0x3FA5] =	sst s7  }
0x10: {  	[smem:$0x3FA6] =	sst s8  }
0x11: {  	[smem:$0x3FA7] =	sst s9;
	s0 =	simm.s32 @!p0 $0x0  }
0x12: {  	s1 =	sld [smem:$0x3F8D];
	s0 =	simm.s32 @p0 $0x1  }
0x13: {  	[smem:$0x3FA8] =	sst s0;
	s0 =	simm.s32 @!p1 $0x0  }
0x14: {  	s2 =	sld [smem:$0x3F8C];
	s0 =	simm.s32 @p1 $0x1  }
0x15: {  	[smem:$0x3FA9] =	sst s0;
	s0 =	simm.s32 @!p2 $0x0  }
0x16: {  	s3 =	sld [smem:$0x3FDB];
	s0 =	simm.s32 @p2 $0x1  }
0x17: {  	s4 =	simm.s32 $0x1BF5;
	[smem:$0x3FAB] =	sst s0  }
0x18: {  	s0 =	sld [smem:$0x3F8E];
	_ =	swait.ge [sflag:s4], $0x0  }
0x19: {  	s7 =	sld [smem:$0x3F8F]  }
0x1a: {  	s8 =	sadd.s32 $0xFFFFE003, lr  }
0x1b: {  	s9 =	sadd.s32 $0xFFFFFEF7, lr;
	s5 =	simm.s32 $0xFFFFFFFF;
	p2 =	slt.u32 s8, $0xFFFFF086  }
0x1c: {  	p1 =	slt.u32 s9, $0xF7A;
	s5 =	simm.s32 @!p2 $0x0  }
0x1d: {  	s5 =	simm.s32 @p1 $0x1;
	p0 =	seq.s32 s7, s2  }
0x1e: {  	s7 =	smul.u32 @!p0 $0xF7A, s2;
	p2 =	seq.s32 @!p0 s5, $0x0  }
0x1f: {  	s9 =	smul.u32 $0xF7A, s1;
	s8 =	simm.s32 @!p0 $0x1BF5;
	p2 =	por !p2, p0  }
0x20: {  	[sflag:s8] =	ssyncset.s32 @!p0 $0xFFFFF086;
	s6 =	sadd.s32 @!p0 s3, s7;
	s7 =	simm.s32 @!p0 $0x108  }
0x21: {  	s3 =	sadd.s32 s3, s9;
	s6 =	sadd.s32 @!p0 $0x88, s6;
	s7 =	simm.s32 @p2 $0x1082  }
0x22: {  	[simem:s7], [sflag:s8] =	dma.local @!p0 [hbm:s6], $0xF7A  }
0x23: {  	s9 =	sor.u32 $0xD0000000, s2;
	s6 =	simm.s32 $0x108;
	_ =	swait.ge @!p0 [sflag:s8], $0x0  }
0x24: {  	s3 =	sadd.s32 $0x88, s3;
	s6 =	simm.s32 @!p1 $0x1082;
	[sflag:s4] =	ssyncset.s32 $0xFFFFF086  }
0x25: {  	[simem:s6], [sflag:s4] =	dma.local [hbm:s3], $0xF7A  }
0x26: {  	[smem:$0x3F8F] =	sst s1;
	(tag) =	ssettag s2;
	_ =	strace s9  }
0x27: {  	s1 =	sld [smem:$0x3F9F]  }
0x28: {  	s2 =	sld [smem:$0x3FA0]  }
0x29: {  	s4 =	sld [smem:$0x3FA2]  }
0x2a: {  	p0 =	seq.s32 s5, $0x0;
	s5 =	sld [smem:$0x3FA3]  }
0x2b: {  	s6 =	sld [smem:$0x3FA4]  }
0x2c: {  	s7 =	sld [smem:$0x3FA5]  }
0x2d: {  	s3 =	simm.s32 $0x108;
	s8 =	sld [smem:$0x3FA6]  }
0x2e: {  	s3 =	simm.s32 @!p0 $0x1082;
	s9 =	sld [smem:$0x3FA7]  }
0x2f: {  	lr =	sadd.s32 s0, s3;
	s0 =	sld [smem:$0x3F9E]  }
0x30: {  	s3 =	sld [smem:$0x3FA1]  }
0x31: {  	[smem:$0x3FAA] =	sst s10  }
0x32: {  	s10 =	sld [smem:$0x3FA8];
	_ =	sdelay $0x3  }
0x33: {  	p0 =	seq.s32 s10, $0x1;
	s10 =	sld [smem:$0x3FAA];
	_ =	sdelay $0x3  }
0x34: {  	[smem:$0x3FAA] =	sst s10  }
0x35: {  	s10 =	sld [smem:$0x3FA9];
	_ =	sdelay $0x3  }
0x36: {  	p1 =	seq.s32 s10, $0x1;
	s10 =	sld [smem:$0x3FAA];
	_ =	sdelay $0x3  }
0x37: {  	[smem:$0x3FAA] =	sst s10  }
0x38: {  	s10 =	sld [smem:$0x3FAB]  }
0x39: {  	_ = 	snop;
	(pc) =	sbr.ind lr, $3  }
0x3a: {  	_ = 	snop  }
0x3b: {  	_ = 	snop  }
0x3c: {  	p2 =	seq.s32 s10, $0x1;
	s10 =	sld [smem:$0x3FAA]  }
0x3d: {  	_ =	shalt  }
0x3e: {  	_ =	shalt  }
0x3f: {  	_ =	shalt  }
0x40: {  	_ =	shalt  }
0x41: {  	_ =	shalt  }
0x42: {  	_ =	shalt  }
0x43: {  	_ =	shalt  }
0x44: {  	_ =	shalt  }
0x45: {  	_ =	shalt  }
0x46: {  	_ =	shalt  }
0x47: {  	_ =	shalt  }
0x48: {  	_ =	shalt  }
0x49: {  	_ =	shalt  }
0x4a: {  	_ =	shalt  }
0x4b: {  	_ =	shalt  }
0x4c: {  	_ =	shalt  }
0x4d: {  	_ =	shalt  }
0x4e: {  	_ =	shalt  }
0x4f: {  	_ =	shalt  }
0x50: {  	_ =	shalt  }
0x51: {  	_ =	shalt  }
0x52: {  	_ =	shalt  }
0x53: {  	_ =	shalt  }
0x54: {  	_ =	shalt  }
0x55: {  	_ =	shalt  }
0x56: {  	_ =	shalt  }
0x57: {  	_ =	shalt  }
0x58: {  	_ =	shalt  }
0x59: {  	_ =	shalt  }
0x5a: {  	_ =	shalt  }
0x5b: {  	_ =	shalt  }
0x5c: {  	_ =	shalt  }
0x5d: {  	_ =	shalt  }
0x5e: {  	_ =	shalt  }
0x5f: {  	_ =	shalt  }
0x60: {  	_ =	shalt  }
0x61: {  	_ =	shalt  }
0x62: {  	_ =	shalt  }
0x63: {  	_ =	shalt  }
0x64: {  	_ =	shalt  }
0x65: {  	_ =	shalt  }
0x66: {  	_ =	shalt  }
0x67: {  	_ =	shalt  }
0x68: {  	_ =	shalt  }
0x69: {  	_ =	shalt  }
0x6a: {  	_ =	shalt  }
0x6b: {  	_ =	shalt  }
0x6c: {  	_ =	shalt  }
0x6d: {  	_ =	shalt  }
0x6e: {  	_ =	shalt  }
0x6f: {  	_ =	shalt  }
0x70: {  	_ =	shalt  }
0x71: {  	_ =	shalt  }
0x72: {  	_ =	shalt  }
0x73: {  	_ =	shalt  }
0x74: {  	_ =	shalt  }
0x75: {  	_ =	shalt  }
0x76: {  	_ =	shalt  }
0x77: {  	_ =	shalt  }
0x78: {  	_ =	shalt  }
0x79: {  	_ =	shalt  }
0x7a: {  	_ =	shalt  }
0x7b: {  	_ =	shalt  }
0x7c: {  	_ =	shalt  }
0x7d: {  	_ =	shalt  }
0x7e: {  	_ =	shalt  }
0x7f: {  	_ =	shalt  }
0x80: {  	_ =	shalt  }
0x81: {  	_ =	shalt  }
0x82: {  	_ =	shalt  }
0x83: {  	_ =	shalt  }
0x84: {  	_ =	shalt  }
0x85: {  	_ =	shalt  }
0x86: {  	_ =	shalt  }
0x87: {  	_ =	shalt  }
.Lfunc_end0:
.L_simem_size_0:
called_computation.1_lowered:
.L_overlay_start_0:
0x88: {  	s2 =	sld [smem:$0x3FD9]  }
0x89: {  	s3 =	sld [smem:$0x3FFE];
	_ =	sdelay $0x1  }
0x8a: {  	s1 =	srdreg.scid  }
0x8b: {  	s0 =	sand.u32 $0x1, s1  }
0x8c: {  	s17 =	sshll.u32 s0, $0xA;
	s2 =	sadd.s32 s3, s2  }
0x8d: {  	s2 =	sadd.s32 s2, s17  }
0x8e: {  	[smem:$0x3FB6] =	sst s2  }
0x8f: {  	_ = 	snop  }
0x90: {  	s2 =	sld [smem:$0x3FC9];
	(tm) =	ssettm $0x1  }
0x91: {  	s18 =	sld [smem:$0x3FFB];
	_ =	sdelay $0x3  }
0x92: {  	_ =	strace s18  }
0x93: {  	s3 =	sld [smem:$0x3FFC];
	_ =	sdelay $0x3  }
0x94: {  	_ =	strace s3  }
0x95: {  	s3 =	sld [smem:$0x3FFD];
	_ =	sdelay $0x3  }
0x96: {  	_ =	strace s3  }
0x97: {  	_ =	strace $0x8FFFFFFF  }
0x98: {  	s19 =	sld [smem:$0x3FDB];
	_ =	sdelay $0x1  }
0x99: {  	s4 =	simm.s32 $_scs_section_size  }
0x9a: {  	s5 =	simm.s32 $_size__tile_overlayer_lowered;
	s6 =	simm.s32 $_tile_overlayer_lowered  }
0x9b: {  	s22 =	simm.s32 $0x1BFF;
	s21 =	sshll.u32 s6, $0x1;
	s3 =	sadd.s32 s4, s19  }
0x9c: {  	s7 =	simm.s32 $0x0;
	s20 =	sshll.u32 s5, $0x1;
	s5 =	sadd.s32 s21, s3  }
0x9d: {  	[timem:s7], [sflag:s22] =	dma.local [hbm:s5], s20  }
0x9e: {  	_ =	swait.ge [sflag:s22], s20  }
0x9f: {  	s4 =	ssub.s32 $0x0, s20;
	[sflag:s22] =	ssyncset.done $0x0  }
0xa0: {  	[sflag:s22] =	ssyncadd.s32 s4;
	_ =	sdelay $0x1  }
0xa1: {  	s23 =	simm.s32 $0x1B8B  }
0xa2: {  	_ =	swait.ge [sflag:s23], $0x1  }
0xa3: {  	[sflag:s23] =	ssyncset.done $0x0  }
0xa4: {  	s25 =	simm.s32 $0x1B8E;
	s24 =	sld [smem:$0x3FFE];
	[sflag:s23] =	ssyncadd.s32 $0xFFFFFFFF  }
0xa5: {  	s26 =	simm.s32 $execute0_lowered;
	[smem:$0x3FD2] =	sst s25  }
0xa6: {  	s5 =	sshll.u32 s26, $0x1;
	_ =	strace $0x80000049;
	[dreg:$0x1] =	wrdreg $0xFFFFFFFF  }
0xa7: {  	s28 =	simm.s32 $_size_execute0_lowered;
	s3 =	sadd.s32 s3, s5;
	[dreg:$0x0] =	wrdreg $0x0  }
0xa8: {  	s5 =	sshll.u32 s28, $0x1;
	[dreg:$0x2] =	wrdreg s3  }
0xa9: {  	[dreg:$0x3] =	wrdreg s5  }
0xaa: {  	[dreg:$0x4] =	wrdreg $0xC0  }
0xab: {  	_ =	task [dreg:s7], $0x5FFFF  }
0xac: {  	[dreg:$0x1] =	wrdreg $0xFFFFFFFF  }
0xad: {  	[dreg:$0x0] =	wrdreg $0x60  }
0xae: {  	[dreg:$0x2] =	wrdreg s24  }
0xaf: {  	[dreg:$0x3] =	wrdreg s2  }
0xb0: {  	[dreg:$0x4] =	wrdreg $0xA8000  }
0xb1: {  	[dreg:$0x5] =	wrdreg $0x9  }
0xb2: {  	_ =	task.clear_ibuf [dreg:s7], $0x6FFFF;
	_ =	strace $0x90000049  }
0xb3: {  	s29 =	simm.s32 $0x9;
	_ =	strace $0x8000004B  }
0xb4: {  	_ =	swait.ge [sflag:s29], $0x1  }
0xb5: {  	[sflag:s29] =	ssyncadd.s32 $0xFFFFFFFF  }
0xb6: {  	_ =	strace $0x9000004B  }
0xb7: {  	_ =	sfence  }
0xb8: {  	s30 =	sld [smem:$0x0];
	_ =	sdelay $0x2  }
0xb9: {  	s31 =	sshll.u32 s1, $0xD;
	s1 =	sshrl.u32 s1, $0x2  }
0xba: {  	s3 =	sand.u32 $0x4000, s31;
	s1 =	sadd.s32 s1, s30  }
0xbb: {  	s0 =	sor.u32 s3, s0;
	s1 =	sshll.u32 s1, $0x11  }
0xbc: {  	s0 =	sor.u32 s1, s0  }
0xbd: {  	s0 =	sadd.s32 $0x8F2B, s0  }
0xbe: {  	[sflag:s0] =	ssyncadd.remote.s32 $0x1  }
0xbf: {  	_ =	sfence.sel $0xFFFF  }
0xc0: {  	[dreg:$0x0] =	wrdreg $0xFFFFFFFF;
	(pc) =	sbr.abs _section_cstart, $3  }
0xc1: {  	[dreg:$0x1] =	wrdreg $0xFFFFFFFF  }
0xc2: {  	_ =	task.clear_ibuf [dreg:s7], $0x2FFFF;
	_ =	strace $0x9FFFFFFF  }
0xc3: {  	(tm) =	ssettm $0x7FFFFFFF  }
tec
execute0_lowered:
.L_overlay_start_1:
0x0: {  	(tag) =	ssettag $0x1  }
0x1: {  	s0 =	rddreg [dreg:$0x0]  }
0x2: {  	s1 =	rddreg [dreg:$0x1]  }
0x3: {  	s2 =	rddreg [dreg:$0x2]  }
0x4: {  	s3 =	simm.s32 $0x0;
	s17 =	stileid.u32;
	s4 =	srdreg.scid  }
0x5: {  	s15 =	simm.s32 $0x5;
	s19 =	simm.s32 $0x8000;
	s20 =	simm.s32 $0x1  }
0x6: {  	s21 =	simm.s32 $0x28;
	s22 =	simm.s32 $0x9400;
	s30 =	simm.s32 $0x100  }
0x7: {  	[smem:$0x7FF] =	sst s3;
	s7 =	sand.u32 $0x1, s4;
	s5 =	smul.u32 $0x27800, s17  }
0x8: {  	s6 =	sshll.u32 s17, $0xC;
	s4 =	sadd.s32 $0x76FE00, s0;
	s9 =	smul.u32 $0x4F000, s17  }
0x9: {  	s31 =	simm.s32 $0x80;
	s24 =	smul.u32 $0x138800, s17;
	s16 =	sadd.s32 $0x128400, s2  }
0xa: {  	p0 =	seq.s32 s17, $0xF;
	_ =	strace $0x8000004A;
	s8 =	sshll.u32 s7, $0xA  }
0xb: {  	s6 =	sadd.s32 s6, s0;
	s23 =	ssub.s32 $0x2, s7;
	s11 =	smul.u32 $0x1388000, s7  }
0xc: {  	s25 =	sshll.u32 s7, $0x7;
	s16 =	sshrl.u32 @p0 s16, $0x3;
	s5 =	sor.u32 s8, s5  }
0xd: {  	s10 =	sshrl.u32 s23, $0x1;
	s9 =	sshrl.u32 s9, $0x2;
	s8 =	sshrl.u32 s5, $0x3  }
0xe: {  	s12 =	ssub.s32 s23, s10;
	s5 =	sadd.s32 $0x75FE00, s6;
	s6 =	sadd.s32 s9, s2  }
0xf: {  	s14 =	sadd.s32 s24, s11;
	s23 =	simm.s32 $0x3;
	s24 =	simm.s32 $0x2  }
0x10: {  	s0 =	sadd.s32 s8, s0;
	s7 =	sadd.s32 s1, s8;
	s1 =	sadd.s32 s25, s1  }
0x11: {  	s26 =	sshrl.u32 s14, $0x3;
	s29 =	sadd.s32 $0x1400, s14;
	s11 =	smax.u32 s12, $0x1  }
0x12: {  	s28 =	sadd.s32 $0x2800, s14;
	s18 =	sshrl.u32 @!p0 s6, $0x3;
	s25 =	simm.s32 $0x4  }
0x13: {  	s8 =	sadd.s32 $0x4A100, s1;
	s10 =	sadd.s32 $0xCE00, s0;
	s0 =	sshrl.u32 s29, $0x3  }
0x14: {  	s9 =	sadd.s32 s4, s26;
	s13 =	sadd.s32 s0, s4;
	s0 =	sshll.u32 @!p0 s17, $0x6  }
0x15: {  	s12 =	sadd.s32 $0x26E80, s9;
	s17 =	sor.u32 @!p0 $0x1C05, s0;
	s0 =	simm.s32 $0x0  }
.LBB2_1:
0x16: {  	[tilespmem:s3], [sflag:$0x5] =	stream.linear.gather [hbm4b:s5+s3], $0x7D00, $0x38;
	[tilespmem:$0x1E400] =	vst v63  }
0x17: {  	_ =	swait.ge [sflag:s15], $0x7D00  }
0x18: {  	s1 =	simm.s32 @p0 $0x8;
	s14 =	simm.s32 @p0 $0x80;
	[sflag:s15] =	ssyncset.done $0x0  }
0x19: {  	s26 =	simm.s32 @p0 $0x100;
	s29 =	simm.s32 @p0 $0x1FC5;
	[sflag:s15] =	ssyncadd.s32 $0xFFFF8300  }
0x1a: {  	[spmem:s16@s14], [sflag:s29] =	dma.strided @p0 [hbm:s8@s26], $0x2080, s1, $0x10   }
0x1b: {  	s1 =	simm.s32 @p0 $0x5  }
0x1c: {  	_ =	swait.ge @p0 [sflag:s1], $0x2080  }
0x1d: {  	s14 =	simm.s32 @!p0 $0x80;
	[sflag:s1] =	ssyncset.done @p0 $0x0  }
0x1e: {  	s26 =	simm.s32 @!p0 $0x100;
	[sflag:s1] =	ssyncadd.s32 @p0 $0xFFFFDF80;
	s1 =	simm.s32 @!p0 $0x8  }
0x1f: {  	[spmem:s18@s14], [sflag:s17] =	dma.strided @!p0 [hbm:s7@s26], $0x2780, s1, $0x10   }
0x20: {  	s1 =	simm.s32 @!p0 $0x5  }
0x21: {  	_ =	swait.ge @!p0 [sflag:s1], $0x2780  }
0x22: {  	[sflag:s1] =	ssyncset.done @!p0 $0x0  }
0x23: {  	[sflag:s1] =	ssyncadd.s32 @!p0 $0xFFFFD880  }
0x24: {  	[bflag:$0x0] =	sbarrier.arrive $0xFFFF  }
0x25: {  	[tilespmem:s19], [sflag:$0x1] =	stream.linear.gather [hbm4b:s9+s3], $0x1400, $0x38;
	[tilespmem:$0x1E400] =	vst v63  }
0x26: {  	_ =	swait.ge [sflag:s20], $0x1400  }
0x27: {  	[sflag:s20] =	ssyncset.done $0x0  }
0x28: {  	[sflag:s20] =	ssyncadd.s32 $0xFFFFEC00  }
0x29: {  	[spmem:s2] =	stream.indirect.scatter.add.f32 [tilespmem:s19], [sflag:$0x3], $0x80, s3, s21, $0xb8;
	[tilespmem:$0x1E400] =	vst v63  }
0x2a: {  	s14 =	sadd.s32 $0x0, s13  }
0x2b: {  	[tilespmem:s22], [sflag:$0x2] =	stream.linear.gather [hbm4b:s14+s3], $0x1400, $0x38;
	[tilespmem:$0x1E400] =	vst v63  }
0x2c: {  	_ =	swait.ge [sflag:s23], $0x1400  }
0x2d: {  	s26 =	sshrl.u32 s28, $0x3;
	[sflag:s23] =	ssyncset.done $0x0  }
0x2e: {  	s1 =	sadd.s32 s4, s26;
	[sflag:s23] =	ssyncadd.s32 $0xFFFFEC00  }
0x2f: {  	[tilespmem:s19], [sflag:$0x1] =	stream.linear.gather [hbm4b:s1+s3], $0x1400, $0x38;
	[tilespmem:$0x1E400] =	vst v63  }
0x30: {  	_ =	swait.ge [sflag:s24], $0x1400  }
0x31: {  	[sflag:s24] =	ssyncset.done $0x0  }
0x32: {  	s29 =	simm.s32 $0x80;
	[sflag:s24] =	ssyncadd.s32 $0xFFFFEC00  }
0x33: {  	[spmem:s2] =	stream.indirect.scatter.add.f32 [tilespmem:s22], [sflag:$0x4], $0x80, s29, s21, $0xb8;
	[tilespmem:$0x1E400] =	vst v63  }
0x34: {  	s26 =	simm.s32 $0x0;
	_ =	swait.ge [sflag:s25], $0x1400  }
0x35: {  	s14 =	smov.u32 s28;
	s1 =	simm.s32 $0x500;
	[sflag:s25] =	ssyncset.done $0x0  }
.LBB2_2:
0x36: {  	[sflag:s25] =	ssyncadd.s32 $0xFFFFEC00  }
0x37: {  	s26 =	sadd.s32 $0x100, s26;
	s14 =	sadd.s32 $0x2800, s14;
	s29 =	smov.u32 s1  }
0x38: {  	p1 =	sne.s32 s1, $0x26700;
	s1 =	sadd.s32 $0x500, s1;
	_ =	swait.ge [sflag:s20], $0x1400  }
0x39: {  	[sflag:s20] =	ssyncset.done $0x0  }
0x3a: {  	[sflag:s20] =	ssyncadd.s32 $0xFFFFEC00  }
0x3b: {  	[spmem:s2] =	stream.indirect.scatter.add.f32 [tilespmem:s19], [sflag:$0x3], $0x80, s26, s21, $0xb8;
	[tilespmem:$0x1E400] =	vst v63  }
0x3c: {  	s29 =	sadd.s32 s29, s13  }
0x3d: {  	[tilespmem:s22], [sflag:$0x2] =	stream.linear.gather [hbm4b:s29+s3], $0x1400, $0x38;
	[tilespmem:$0x1E400] =	vst v63  }
0x3e: {  	_ =	swait.ge [sflag:s23], $0x1400  }
0x3f: {  	s29 =	sshrl.u32 s14, $0x3;
	[sflag:s23] =	ssyncset.done $0x0  }
0x40: {  	s29 =	sadd.s32 s4, s29;
	[sflag:s23] =	ssyncadd.s32 $0xFFFFEC00  }
0x41: {  	[tilespmem:s19], [sflag:$0x1] =	stream.linear.gather [hbm4b:s29+s3], $0x1400, $0x38;
	[tilespmem:$0x1E400] =	vst v63  }
0x42: {  	_ =	swait.ge [sflag:s24], $0x1400  }
.Ltmp0:
0x43: {  	[sflag:s24] =	ssyncset.done $0x0;
	(pc) =	sbr.rel @p1 .LBB2_2-.Ltmp0, $4  }
0x44: {  	s29 =	sadd.s32 $0x80, s26;
	[sflag:s24] =	ssyncadd.s32 $0xFFFFEC00  }
0x45: {  	[spmem:s2] =	stream.indirect.scatter.add.f32 [tilespmem:s22], [sflag:$0x4], $0x80, s29, s21, $0xb8;
	[tilespmem:$0x1E400] =	vst v63  }
0x46: {  	_ =	swait.ge [sflag:s25], $0x1400  }
0x47: {  	[sflag:s25] =	ssyncset.done $0x0  }
0x48: {  	[sflag:s25] =	ssyncadd.s32 $0xFFFFEC00  }
0x49: {  	_ =	swait.ge [sflag:s20], $0x1400  }
0x4a: {  	[sflag:s20] =	ssyncset.done $0x0  }
0x4b: {  	s1 =	simm.s32 $0x7C00;
	[sflag:s20] =	ssyncadd.s32 $0xFFFFEC00  }
0x4c: {  	[spmem:s2] =	stream.indirect.scatter.add.f32 [tilespmem:s19], [sflag:$0x3], $0x80, s1, s21, $0xb8;
	[tilespmem:$0x1E400] =	vst v63  }
0x4d: {  	_ = 	snop  }
0x4e: {  	[tilespmem:s22], [sflag:$0x2] =	stream.linear.gather [hbm4b:s12+s3], $0x1400, $0x38;
	[tilespmem:$0x1E400] =	vst v63  }
0x4f: {  	_ =	swait.ge [sflag:s23], $0x1400  }
0x50: {  	[sflag:s23] =	ssyncset.done $0x0  }
0x51: {  	[sflag:s23] =	ssyncadd.s32 $0xFFFFEC00  }
0x52: {  	_ =	swait.ge [sflag:s24], $0x1400  }
0x53: {  	[sflag:s24] =	ssyncset.done $0x0  }
0x54: {  	s26 =	simm.s32 $0x7C80;
	[sflag:s24] =	ssyncadd.s32 $0xFFFFEC00  }
0x55: {  	[spmem:s2] =	stream.indirect.scatter.add.f32 [tilespmem:s22], [sflag:$0x4], $0x80, s26, s21, $0xb8;
	[tilespmem:$0x1E400] =	vst v63  }
0x56: {  	s29 =	stileid.u32;
	_ =	swait.ge [sflag:s25], $0x1400  }
0x57: {  	s14 =	sshrl.u32 s6, $0x3;
	s0 =	sadd.s32 $0x1, s0;
	[sflag:s25] =	ssyncset.done $0x0  }
0x58: {  	p1 =	sne.s32 s0, s11;
	s1 =	sshll.u32 s29, $0x6;
	[sflag:s25] =	ssyncadd.s32 $0xFFFFEC00  }
0x59: {  	s1 =	sor.u32 $0x1C05, s1;
	s26 =	simm.s32 $0x8;
	[bflag:$0x0] =	sbarrier.arrive $0xFFFF  }
0x5a: {  	[hbm:s10@s30], [sflag:s1] =	dma.strided [spmem:s14@s31], $0x2780, s26, $0x10   }
.Ltmp1:
0x5b: {  	_ =	swait.ge [sflag:s15], $0x2780;
	(pc) =	sbr.rel @p1 .LBB2_1-.Ltmp1, $3  }
0x5c: {  	[sflag:s15] =	ssyncset.done $0x0  }
0x5d: {  	[sflag:s15] =	ssyncadd.s32 $0xFFFFD880  }
0x5e: {  	[bflag:$0x0] =	sbarrier.arrive $0xFFFF;
	_ =	sdelay $0x1  }
0x5f: {  	_ =	sfence.sel $0x180000  }
0x60: {  	[bflag:$0x0] =	sbarrier.arrive $0xFFFF  }
0x61: {  	_ =	strace $0x9000004A  }
0x62: {  	s0 =	stileid.u32;
	[bflag:$0x2] =	sbarrier.arrive $0xFFFF  }
0x63: {  	p0 =	sne.s32 s0, $0x0;
	s0 =	rddreg [dreg:$0x3]  }
0x64: {  	s0 =	sadd.s32 @!p0 $0x100000, s0  }
0x65: {  	[sflag:s0] =	ssyncadd.tile.s32 @!p0 $0x1;
	_ =	shalt  }
.Lfunc_end2:
_tile_overlayer_lowered:
.L_overlay_start_2:
0x66: {  	(tag) =	ssettag $0x2  }
0x67: {  	s0 =	rddreg [dreg:$0x0];
	s2 =	stileid.u32  }
0x68: {  	s1 =	rddreg [dreg:$0x1];
	p0 =	sne.s32 s2, $0x0  }
0x69: {  	s3 =	rddreg [dreg:$0x2];
	[bflag:$0x3] =	sbarrier.arrive $0xFFFF;
	s2 =	simm.s32 @!p0 $0x1C05  }
0x6a: {  	[timem:s3], [sflag:s2] =	dma.local @!p0 [hbm:s0], s1  }
0x6b: {  	s0 =	simm.s32 @!p0 $0x5  }
0x6c: {  	_ =	swait.ge @!p0 [sflag:s0], s1  }
0x6d: {  	s1 =	ssub.s32 @!p0 $0x0, s1;
	[sflag:s0] =	ssyncset.done @!p0 $0x0  }
0x6e: {  	[sflag:s0] =	ssyncadd.s32 @!p0 s1  }
0x6f: {  	[bflag:$0x3] =	sbarrier.arrive $0xFFFF  }
0x70: {  	_ =	shalt  }

// kernel: kernel.17.cloned.1.call-start
scs
__scs_entry_jumppad:
0x0: {  	(pc) =	sbr.rel $0x88, $3  }
0x1: {  	(tag) =	ssettag $0x0;
	lr =	simm.s32 $0x1  }
0x2: {  	[smem:$0x3F8F] =	sst lr;
	_ =	strace $0xD0000000  }
0x3: {  	_ = 	snop  }
0x4: {  	_ = 	snop  }
0x5: {  	_ = 	snop  }
0x6: {  	_ = 	snop  }
0x7: {  	_ = 	snop  }
__scs_overlays_trampoline_lowered:
0x8: {  	[smem:$0x3F9E] =	sst s0  }
0x9: {  	[smem:$0x3F9F] =	sst s1  }
0xa: {  	[smem:$0x3FA0] =	sst s2  }
0xb: {  	[smem:$0x3FA1] =	sst s3  }
0xc: {  	[smem:$0x3FA2] =	sst s4  }
0xd: {  	[smem:$0x3FA3] =	sst s5  }
0xe: {  	[smem:$0x3FA4] =	sst s6  }
0xf: {  	[smem:$0x3FA5] =	sst s7  }
0x10: {  	[smem:$0x3FA6] =	sst s8  }
0x11: {  	[smem:$0x3FA7] =	sst s9;
	s0 =	simm.s32 @!p0 $0x0  }
0x12: {  	s1 =	sld [smem:$0x3F8D];
	s0 =	simm.s32 @p0 $0x1  }
0x13: {  	[smem:$0x3FA8] =	sst s0;
	s0 =	simm.s32 @!p1 $0x0  }
0x14: {  	s2 =	sld [smem:$0x3F8C];
	s0 =	simm.s32 @p1 $0x1  }
0x15: {  	[smem:$0x3FA9] =	sst s0;
	s0 =	simm.s32 @!p2 $0x0  }
0x16: {  	s3 =	sld [smem:$0x3FDB];
	s0 =	simm.s32 @p2 $0x1  }
0x17: {  	s4 =	simm.s32 $0x1BF5;
	[smem:$0x3FAB] =	sst s0  }
0x18: {  	s0 =	sld [smem:$0x3F8E];
	_ =	swait.ge [sflag:s4], $0x0  }
0x19: {  	s7 =	sld [smem:$0x3F8F]  }
0x1a: {  	s8 =	sadd.s32 $0xFFFFE003, lr  }
0x1b: {  	s9 =	sadd.s32 $0xFFFFFEF7, lr;
	s5 =	simm.s32 $0xFFFFFFFF;
	p2 =	slt.u32 s8, $0xFFFFF086  }
0x1c: {  	p1 =	slt.u32 s9, $0xF7A;
	s5 =	simm.s32 @!p2 $0x0  }
0x1d: {  	s5 =	simm.s32 @p1 $0x1;
	p0 =	seq.s32 s7, s2  }
0x1e: {  	s7 =	smul.u32 @!p0 $0xF7A, s2;
	p2 =	seq.s32 @!p0 s5, $0x0  }
0x1f: {  	s9 =	smul.u32 $0xF7A, s1;
	s8 =	simm.s32 @!p0 $0x1BF5;
	p2 =	por !p2, p0  }
0x20: {  	[sflag:s8] =	ssyncset.s32 @!p0 $0xFFFFF086;
	s6 =	sadd.s32 @!p0 s3, s7;
	s7 =	simm.s32 @!p0 $0x108  }
0x21: {  	s3 =	sadd.s32 s3, s9;
	s6 =	sadd.s32 @!p0 $0x88, s6;
	s7 =	simm.s32 @p2 $0x1082  }
0x22: {  	[simem:s7], [sflag:s8] =	dma.local @!p0 [hbm:s6], $0xF7A  }
0x23: {  	s9 =	sor.u32 $0xD0000000, s2;
	s6 =	simm.s32 $0x108;
	_ =	swait.ge @!p0 [sflag:s8], $0x0  }
0x24: {  	s3 =	sadd.s32 $0x88, s3;
	s6 =	simm.s32 @!p1 $0x1082;
	[sflag:s4] =	ssyncset.s32 $0xFFFFF086  }
0x25: {  	[simem:s6], [sflag:s4] =	dma.local [hbm:s3], $0xF7A  }
0x26: {  	[smem:$0x3F8F] =	sst s1;
	(tag) =	ssettag s2;
	_ =	strace s9  }
0x27: {  	s1 =	sld [smem:$0x3F9F]  }
0x28: {  	s2 =	sld [smem:$0x3FA0]  }
0x29: {  	s4 =	sld [smem:$0x3FA2]  }
0x2a: {  	p0 =	seq.s32 s5, $0x0;
	s5 =	sld [smem:$0x3FA3]  }
0x2b: {  	s6 =	sld [smem:$0x3FA4]  }
0x2c: {  	s7 =	sld [smem:$0x3FA5]  }
0x2d: {  	s3 =	simm.s32 $0x108;
	s8 =	sld [smem:$0x3FA6]  }
0x2e: {  	s3 =	simm.s32 @!p0 $0x1082;
	s9 =	sld [smem:$0x3FA7]  }
0x2f: {  	lr =	sadd.s32 s0, s3;
	s0 =	sld [smem:$0x3F9E]  }
0x30: {  	s3 =	sld [smem:$0x3FA1]  }
0x31: {  	[smem:$0x3FAA] =	sst s10  }
0x32: {  	s10 =	sld [smem:$0x3FA8];
	_ =	sdelay $0x3  }
0x33: {  	p0 =	seq.s32 s10, $0x1;
	s10 =	sld [smem:$0x3FAA];
	_ =	sdelay $0x3  }
0x34: {  	[smem:$0x3FAA] =	sst s10  }
0x35: {  	s10 =	sld [smem:$0x3FA9];
	_ =	sdelay $0x3  }
0x36: {  	p1 =	seq.s32 s10, $0x1;
	s10 =	sld [smem:$0x3FAA];
	_ =	sdelay $0x3  }
0x37: {  	[smem:$0x3FAA] =	sst s10  }
0x38: {  	s10 =	sld [smem:$0x3FAB]  }
0x39: {  	_ = 	snop;
	(pc) =	sbr.ind lr, $3  }
0x3a: {  	_ = 	snop  }
0x3b: {  	_ = 	snop  }
0x3c: {  	p2 =	seq.s32 s10, $0x1;
	s10 =	sld [smem:$0x3FAA]  }
0x3d: {  	_ =	shalt  }
0x3e: {  	_ =	shalt  }
0x3f: {  	_ =	shalt  }
0x40: {  	_ =	shalt  }
0x41: {  	_ =	shalt  }
0x42: {  	_ =	shalt  }
0x43: {  	_ =	shalt  }
0x44: {  	_ =	shalt  }
0x45: {  	_ =	shalt  }
0x46: {  	_ =	shalt  }
0x47: {  	_ =	shalt  }
0x48: {  	_ =	shalt  }
0x49: {  	_ =	shalt  }
0x4a: {  	_ =	shalt  }
0x4b: {  	_ =	shalt  }
0x4c: {  	_ =	shalt  }
0x4d: {  	_ =	shalt  }
0x4e: {  	_ =	shalt  }
0x4f: {  	_ =	shalt  }
0x50: {  	_ =	shalt  }
0x51: {  	_ =	shalt  }
0x52: {  	_ =	shalt  }
0x53: {  	_ =	shalt  }
0x54: {  	_ =	shalt  }
0x55: {  	_ =	shalt  }
0x56: {  	_ =	shalt  }
0x57: {  	_ =	shalt  }
0x58: {  	_ =	shalt  }
0x59: {  	_ =	shalt  }
0x5a: {  	_ =	shalt  }
0x5b: {  	_ =	shalt  }
0x5c: {  	_ =	shalt  }
0x5d: {  	_ =	shalt  }
0x5e: {  	_ =	shalt  }
0x5f: {  	_ =	shalt  }
0x60: {  	_ =	shalt  }
0x61: {  	_ =	shalt  }
0x62: {  	_ =	shalt  }
0x63: {  	_ =	shalt  }
0x64: {  	_ =	shalt  }
0x65: {  	_ =	shalt  }
0x66: {  	_ =	shalt  }
0x67: {  	_ =	shalt  }
0x68: {  	_ =	shalt  }
0x69: {  	_ =	shalt  }
0x6a: {  	_ =	shalt  }
0x6b: {  	_ =	shalt  }
0x6c: {  	_ =	shalt  }
0x6d: {  	_ =	shalt  }
0x6e: {  	_ =	shalt  }
0x6f: {  	_ =	shalt  }
0x70: {  	_ =	shalt  }
0x71: {  	_ =	shalt  }
0x72: {  	_ =	shalt  }
0x73: {  	_ =	shalt  }
0x74: {  	_ =	shalt  }
0x75: {  	_ =	shalt  }
0x76: {  	_ =	shalt  }
0x77: {  	_ =	shalt  }
0x78: {  	_ =	shalt  }
0x79: {  	_ =	shalt  }
0x7a: {  	_ =	shalt  }
0x7b: {  	_ =	shalt  }
0x7c: {  	_ =	shalt  }
0x7d: {  	_ =	shalt  }
0x7e: {  	_ =	shalt  }
0x7f: {  	_ =	shalt  }
0x80: {  	_ =	shalt  }
0x81: {  	_ =	shalt  }
0x82: {  	_ =	shalt  }
0x83: {  	_ =	shalt  }
0x84: {  	_ =	shalt  }
0x85: {  	_ =	shalt  }
0x86: {  	_ =	shalt  }
0x87: {  	_ =	shalt  }
.Lfunc_end0:
.L_simem_size_0:
called_computation.2_lowered:
.L_overlay_start_0:
0x88: {  	s2 =	sld [smem:$0x3FD9]  }
0x89: {  	s3 =	sld [smem:$0x3FFE];
	_ =	sdelay $0x1  }
0x8a: {  	s1 =	srdreg.scid  }
0x8b: {  	s0 =	sand.u32 $0x1, s1  }
0x8c: {  	s16 =	sshll.u32 s0, $0xA;
	s2 =	sadd.s32 s3, s2  }
0x8d: {  	s2 =	sadd.s32 s2, s16  }
0x8e: {  	[smem:$0x3FB6] =	sst s2  }
0x8f: {  	_ = 	snop  }
0x90: {  	(tm) =	ssettm $0x1  }
0x91: {  	s17 =	sld [smem:$0x3FFB];
	_ =	sdelay $0x3  }
0x92: {  	_ =	strace s17  }
0x93: {  	s2 =	sld [smem:$0x3FFC];
	_ =	sdelay $0x3  }
0x94: {  	_ =	strace s2  }
0x95: {  	s2 =	sld [smem:$0x3FFD];
	_ =	sdelay $0x3  }
0x96: {  	_ =	strace s2  }
0x97: {  	_ =	strace $0x8FFFFFFF  }
0x98: {  	s18 =	sld [smem:$0x3FDB];
	_ =	sdelay $0x1  }
0x99: {  	s19 =	simm.s32 $_scs_section_size  }
0x9a: {  	s4 =	simm.s32 $_size__tile_overlayer_lowered;
	s5 =	simm.s32 $_tile_overlayer_lowered  }
0x9b: {  	s22 =	simm.s32 $0x1BFF;
	s21 =	sshll.u32 s5, $0x1;
	s2 =	sadd.s32 s19, s18  }
0x9c: {  	s6 =	simm.s32 $0x0;
	s20 =	sshll.u32 s4, $0x1;
	s4 =	sadd.s32 s21, s2  }
0x9d: {  	[timem:s6], [sflag:s22] =	dma.local [hbm:s4], s20  }
0x9e: {  	_ =	swait.ge [sflag:s22], s20  }
0x9f: {  	s3 =	ssub.s32 $0x0, s20;
	[sflag:s22] =	ssyncset.done $0x0  }
0xa0: {  	[sflag:s22] =	ssyncadd.s32 s3;
	_ =	sdelay $0x1  }
0xa1: {  	s23 =	simm.s32 $0x1B8B  }
0xa2: {  	_ =	swait.ge [sflag:s23], $0x1  }
0xa3: {  	[sflag:s23] =	ssyncset.done $0x0  }
0xa4: {  	s25 =	simm.s32 $0x1B8E;
	s24 =	sld [smem:$0x3FFE];
	[sflag:s23] =	ssyncadd.s32 $0xFFFFFFFF  }
0xa5: {  	s26 =	simm.s32 $execute0_lowered;
	[smem:$0x3FD2] =	sst s25  }
0xa6: {  	s4 =	sshll.u32 s26, $0x1;
	_ =	strace $0x8000004C;
	[dreg:$0x1] =	wrdreg $0xFFFFFFFF  }
0xa7: {  	s28 =	simm.s32 $_size_execute0_lowered;
	s2 =	sadd.s32 s2, s4;
	[dreg:$0x0] =	wrdreg $0x0  }
0xa8: {  	s4 =	sshll.u32 s28, $0x1;
	[dreg:$0x2] =	wrdreg s2  }
0xa9: {  	[dreg:$0x3] =	wrdreg s4  }
0xaa: {  	[dreg:$0x4] =	wrdreg $0xC0  }
0xab: {  	_ =	task [dreg:s6], $0x5FFFF  }
0xac: {  	[dreg:$0x1] =	wrdreg $0xFFFFFFFF  }
0xad: {  	[dreg:$0x0] =	wrdreg $0x60  }
0xae: {  	[dreg:$0x2] =	wrdreg s24  }
0xaf: {  	[dreg:$0x3] =	wrdreg $0x9  }
0xb0: {  	_ =	task.clear_ibuf [dreg:s6], $0x4FFFF;
	_ =	strace $0x9000004C  }
0xb1: {  	s29 =	simm.s32 $0x9;
	_ =	strace $0x8000004E  }
0xb2: {  	_ =	swait.ge [sflag:s29], $0x1  }
0xb3: {  	[sflag:s29] =	ssyncadd.s32 $0xFFFFFFFF  }
0xb4: {  	_ =	strace $0x9000004E  }
0xb5: {  	_ =	sfence  }
0xb6: {  	s30 =	sld [smem:$0x0];
	_ =	sdelay $0x2  }
0xb7: {  	s31 =	sshll.u32 s1, $0xD;
	s1 =	sshrl.u32 s1, $0x2  }
0xb8: {  	s3 =	sand.u32 $0x4000, s31;
	s1 =	sadd.s32 s1, s30  }
0xb9: {  	s0 =	sor.u32 s3, s0;
	s1 =	sshll.u32 s1, $0x11  }
0xba: {  	s0 =	sor.u32 s1, s0  }
0xbb: {  	s0 =	sadd.s32 $0x8F2B, s0  }
0xbc: {  	[sflag:s0] =	ssyncadd.remote.s32 $0x1  }
0xbd: {  	_ =	sfence.sel $0xFFFF  }
0xbe: {  	[dreg:$0x0] =	wrdreg $0xFFFFFFFF;
	(pc) =	sbr.abs _section_cstart, $3  }
0xbf: {  	[dreg:$0x1] =	wrdreg $0xFFFFFFFF  }
0xc0: {  	_ =	task.clear_ibuf [dreg:s6], $0x2FFFF;
	_ =	strace $0x9FFFFFFF  }
0xc1: {  	(tm) =	ssettm $0x7FFFFFFF  }
tec
execute0_lowered:
.L_overlay_start_1:
0x0: {  	(tag) =	ssettag $0x1  }
0x1: {  	s0 =	rddreg [dreg:$0x0]  }
0x2: {  	s1 =	srdreg.scid;
	s5 =	stileid.u32  }
0x3: {  	s2 =	simm.s32 $0x0;
	s23 =	simm.s32 $0x8400;
	s24 =	simm.s32 $0x8C00  }
0x4: {  	s25 =	simm.s32 $0x9400;
	s28 =	simm.s32 $0xA400;
	s29 =	simm.s32 $0xAC00  }
0x5: {  	s30 =	simm.s32 $0xB400;
	s31 =	simm.s32 $0xBC00;
	s9 =	simm.s32 $0xD400  }
0x6: {  	s10 =	simm.s32 $0xDC00;
	s11 =	simm.s32 $0xE400;
	s12 =	simm.s32 $0xEC00  }
0x7: {  	s13 =	simm.s32 $0xF400;
	s14 =	simm.s32 $0xFC00;
	s15 =	simm.s32 $0x1  }
0x8: {  	s16 =	simm.s32 $0x2;
	s17 =	simm.s32 $0x0;
	s1 =	sand.u32 $0x1, s1  }
0x9: {  	s3 =	sshll.u32 s5, $0x1;
	[smem:$0x7FF] =	sst s2;
	s5 =	smul.u32 $0x9C400, s5  }
0xa: {  	s3 =	sor.u32 s1, s3;
	s6 =	ssub.s32 $0x2, s1;
	s1 =	smul.u32 $0x4E200, s1  }
0xb: {  	_ =	strace $0x8000004D;
	s4 =	smul.u32 $0x1388, s3;
	s3 =	sadd.s32 $0xCE00, s0  }
.Ltmp0:
0xc: {  	s7 =	sshrl.u32 s6, $0x1;
	s8 =	sadd.s32 s5, s0;
	(pc) =	sbr.rel .LBB2_1-.Ltmp0, $4  }
0xd: {  	s5 =	sadd.s32 $0xCF00, s0;
	s6 =	ssub.s32 s6, s7;
	s26 =	sadd.s32 s1, s8  }
0xe: {  	v2 =	vlaneseq.u32;
	s8 =	simm.s32 $0x3;
	s1 =	simm.s32 $0xCC00;
	s4 =	sshrl.u32 s4, $0x3  }
0xf: {  	vm0 =	vmmov $0xffff;
	v1 =	vshrl.u32 v2, $0x3;
	s6 =	smax.u32 s6, $0x1;
	s19 =	sadd.s32 $0x76FE00, s26;
	s4 =	sadd.s32 s4, s0  }
0x10: {  	v0 =	vand.u32 $0x7, v2;
	v2 =	vor.u32 $0x8, v2;
	v1 =	vmul.u32 $0x8, v1;
	s26 =	simm.s32 $0x9C00;
	s0 =	simm.s32 $0xC400;
	s4 =	sadd.s32 $0x7E00, s4  }
.LBB2_5:
0x11: {  	s17 =	sadd.s32 $0x1, s17  }
0x12: {  	_ =	swait.ge [sflag:s16], $0x5000;
	p0 =	sne.s32 s17, s6  }
.Ltmp1:
0x13: {  	[sflag:s16] =	ssyncset.done $0x0;
	(pc) =	sbr.rel @!p0 .LBB2_6-.Ltmp1, $4  }
0x14: {  	[sflag:s16] =	ssyncadd.s32 $0xFFFFB000  }
0x15: {  	_ =	swait.ge [sflag:s16], $0x5000  }
0x16: {  	[sflag:s16] =	ssyncset.done $0x0  }
0x17: {  	[sflag:s16] =	ssyncadd.s32 $0xFFFFB000  }
.LBB2_1:
0x18: {  	[tilespmem:s2], [sflag:$0x3] =	stream.linear.gather [hbm4b:s4+s2], $0x1388, $0x38;
	[tilespmem:$0x1A400] =	vst v63  }
0x19: {  	_ =	swait.ge [sflag:s8], $0x1388  }
0x1a: {  	[sflag:s8] =	ssyncset.done $0x0  }
0x1b: {  	[sflag:s8] =	ssyncadd.s32 $0xFFFFEC78  }
0x1c: {  	v3 =	vld [tilespmem:$0x0];
	_ =	sdelay $0x4  }
0x1d: {  	v4 =	vshll.u32 v3, $0x2  }
0x1e: {  	v3 =	vand.u32 $0x7, v3;
	v4 =	vand.u32 $0xFFFFFFE0, v4  }
0x1f: {  	v3 =	vor.u32 v3, v4  }
0x20: {  	v4 =	vperm.xlane v3, v0;
	_ =	sdelay $0x1  }
0x21: {  	v4 =	vadd.s32 v1, v4;
	_ =	sdelay $0x1  }
0x22: {  	v3 =	vperm.xlane v3, v2;
	_ =	sdelay $0x1  }
0x23: {  	s7 =	simm.s32 $0x1400;
	v3 =	vadd.s32 v1, v3  }
0x24: {  	[tilespmem:s7], [sflag:$0x1] =	stream.indirect_vreg.gather [hbm4b:s3+s2], $0x80, v4, vm0, $0xb8;
	[tilespmem:$0x1A400] =	vst v63  }
0x25: {  	s22 =	simm.s32 $0x1C00  }
0x26: {  	[tilespmem:s22], [sflag:$0x1] =	stream.indirect_vreg.gather [hbm4b:s5+s2], $0x80, v4, vm0, $0xb8;
	[tilespmem:$0x1A400] =	vst v63  }
0x27: {  	s18 =	simm.s32 $0x2400  }
0x28: {  	[tilespmem:s18], [sflag:$0x1] =	stream.indirect_vreg.gather [hbm4b:s3+s2], $0x80, v3, vm0, $0xb8;
	[tilespmem:$0x1A400] =	vst v63  }
0x29: {  	s20 =	simm.s32 $0x2C00  }
0x2a: {  	[tilespmem:s20], [sflag:$0x1] =	stream.indirect_vreg.gather [hbm4b:s5+s2], $0x80, v3, vm0, $0xb8;
	[tilespmem:$0x1A400] =	vst v63  }
0x2b: {  	v3 =	vld [tilespmem:$0x10];
	_ =	sdelay $0x4  }
0x2c: {  	v56 =	vshll.u32 v3, $0x2  }
0x2d: {  	v3 =	vand.u32 $0x7, v3;
	v4 =	vand.u32 $0xFFFFFFE0, v56  }
0x2e: {  	v3 =	vor.u32 v3, v4  }
0x2f: {  	v4 =	vperm.xlane v3, v0;
	_ =	sdelay $0x1  }
0x30: {  	v4 =	vadd.s32 v1, v4;
	_ =	sdelay $0x1  }
0x31: {  	v3 =	vperm.xlane v3, v2;
	_ =	sdelay $0x1  }
0x32: {  	s21 =	simm.s32 $0x3400;
	v3 =	vadd.s32 v1, v3  }
0x33: {  	[tilespmem:s21], [sflag:$0x1] =	stream.indirect_vreg.gather [hbm4b:s3+s2], $0x80, v4, vm0, $0xb8;
	[tilespmem:$0x1A400] =	vst v63  }
0x34: {  	s22 =	simm.s32 $0x3C00  }
0x35: {  	[tilespmem:s22], [sflag:$0x1] =	stream.indirect_vreg.gather [hbm4b:s5+s2], $0x80, v4, vm0, $0xb8;
	[tilespmem:$0x1A400] =	vst v63  }
0x36: {  	s18 =	simm.s32 $0x4400  }
0x37: {  	[tilespmem:s18], [sflag:$0x1] =	stream.indirect_vreg.gather [hbm4b:s3+s2], $0x80, v3, vm0, $0xb8;
	[tilespmem:$0x1A400] =	vst v63  }
0x38: {  	s20 =	simm.s32 $0x4C00  }
0x39: {  	[tilespmem:s20], [sflag:$0x1] =	stream.indirect_vreg.gather [hbm4b:s5+s2], $0x80, v3, vm0, $0xb8;
	[tilespmem:$0x1A400] =	vst v63  }
0x3a: {  	v3 =	vld.msk [tilespmem:$0x20], $0xff;
	_ =	sdelay $0x4  }
0x3b: {  	v57 =	vshll.u32 v3, $0x2  }
0x3c: {  	v3 =	vand.u32 $0x7, v3;
	v4 =	vand.u32 $0xFFFFFFE0, v57  }
0x3d: {  	v3 =	vor.u32 v3, v4  }
0x3e: {  	v3 =	vperm.xlane v3, v0;
	_ =	sdelay $0x1  }
0x3f: {  	v3 =	vadd.s32 v1, v3;
	_ =	sdelay $0x3  }
0x40: {  	s21 =	simm.s32 $0x5400  }
0x41: {  	[tilespmem:s21], [sflag:$0x1] =	stream.indirect_vreg.gather [hbm4b:s3+s2], $0x80, v3, vm0, $0xb8;
	[tilespmem:$0x1A400] =	vst v63  }
0x42: {  	s22 =	simm.s32 $0x5C00  }
0x43: {  	[tilespmem:s22], [sflag:$0x1] =	stream.indirect_vreg.gather [hbm4b:s5+s2], $0x80, v3, vm0, $0xb8;
	[tilespmem:$0x1A400] =	vst v63  }
0x44: {  	v3 =	vld [tilespmem:$0x28];
	_ =	sdelay $0x4  }
0x45: {  	v58 =	vshll.u32 v3, $0x2  }
0x46: {  	v3 =	vand.u32 $0x7, v3;
	v4 =	vand.u32 $0xFFFFFFE0, v58  }
0x47: {  	v3 =	vor.u32 v3, v4  }
0x48: {  	v4 =	vperm.xlane v3, v0;
	_ =	sdelay $0x1  }
0x49: {  	v4 =	vadd.s32 v1, v4;
	_ =	sdelay $0x1  }
0x4a: {  	v3 =	vperm.xlane v3, v2;
	_ =	sdelay $0x1  }
0x4b: {  	s18 =	simm.s32 $0x6400;
	v3 =	vadd.s32 v1, v3  }
0x4c: {  	[tilespmem:s18], [sflag:$0x1] =	stream.indirect_vreg.gather [hbm4b:s3+s2], $0x80, v4, vm0, $0xb8;
	[tilespmem:$0x1A400] =	vst v63  }
0x4d: {  	s20 =	simm.s32 $0x6C00  }
0x4e: {  	[tilespmem:s20], [sflag:$0x1] =	stream.indirect_vreg.gather [hbm4b:s5+s2], $0x80, v4, vm0, $0xb8;
	[tilespmem:$0x1A400] =	vst v63  }
0x4f: {  	s21 =	simm.s32 $0x7400  }
0x50: {  	[tilespmem:s21], [sflag:$0x1] =	stream.indirect_vreg.gather [hbm4b:s3+s2], $0x80, v3, vm0, $0xb8;
	[tilespmem:$0x1A400] =	vst v63  }
0x51: {  	s22 =	simm.s32 $0x7C00  }
0x52: {  	[tilespmem:s22], [sflag:$0x1] =	stream.indirect_vreg.gather [hbm4b:s5+s2], $0x80, v3, vm0, $0xb8;
	[tilespmem:$0x1A400] =	vst v63  }
0x53: {  	v3 =	vld [tilespmem:$0x38];
	_ =	sdelay $0x4  }
0x54: {  	v59 =	vshll.u32 v3, $0x2  }
0x55: {  	v3 =	vand.u32 $0x7, v3;
	v4 =	vand.u32 $0xFFFFFFE0, v59  }
0x56: {  	v3 =	vor.u32 v3, v4  }
0x57: {  	v4 =	vperm.xlane v3, v0;
	_ =	sdelay $0x1  }
0x58: {  	v4 =	vadd.s32 v1, v4;
	_ =	sdelay $0x1  }
0x59: {  	v3 =	vperm.xlane v3, v2;
	_ =	sdelay $0x1  }
0x5a: {  	v3 =	vadd.s32 v1, v3  }
0x5b: {  	[tilespmem:s23], [sflag:$0x1] =	stream.indirect_vreg.gather [hbm4b:s3+s2], $0x80, v4, vm0, $0xb8;
	[tilespmem:$0x1A400] =	vst v63  }
0x5c: {  	_ = 	snop  }
0x5d: {  	[tilespmem:s24], [sflag:$0x1] =	stream.indirect_vreg.gather [hbm4b:s5+s2], $0x80, v4, vm0, $0xb8;
	[tilespmem:$0x1A400] =	vst v63  }
0x5e: {  	_ = 	snop  }
0x5f: {  	[tilespmem:s25], [sflag:$0x1] =	stream.indirect_vreg.gather [hbm4b:s3+s2], $0x80, v3, vm0, $0xb8;
	[tilespmem:$0x1A400] =	vst v63  }
0x60: {  	_ = 	snop  }
0x61: {  	[tilespmem:s26], [sflag:$0x1] =	stream.indirect_vreg.gather [hbm4b:s5+s2], $0x80, v3, vm0, $0xb8;
	[tilespmem:$0x1A400] =	vst v63  }
0x62: {  	v3 =	vld.msk [tilespmem:$0x48], $0xff;
	_ =	sdelay $0x4  }
0x63: {  	v60 =	vshll.u32 v3, $0x2  }
0x64: {  	v3 =	vand.u32 $0x7, v3;
	v4 =	vand.u32 $0xFFFFFFE0, v60  }
0x65: {  	v3 =	vor.u32 v3, v4  }
0x66: {  	v3 =	vperm.xlane v3, v0;
	_ =	sdelay $0x1  }
0x67: {  	v3 =	vadd.s32 v1, v3;
	_ =	sdelay $0x4  }
0x68: {  	[tilespmem:s28], [sflag:$0x1] =	stream.indirect_vreg.gather [hbm4b:s3+s2], $0x80, v3, vm0, $0xb8;
	[tilespmem:$0x1A400] =	vst v63  }
0x69: {  	_ = 	snop  }
0x6a: {  	[tilespmem:s29], [sflag:$0x1] =	stream.indirect_vreg.gather [hbm4b:s5+s2], $0x80, v3, vm0, $0xb8;
	[tilespmem:$0x1A400] =	vst v63  }
0x6b: {  	v3 =	vld [tilespmem:$0x50];
	_ =	sdelay $0x4  }
0x6c: {  	v61 =	vshll.u32 v3, $0x2  }
0x6d: {  	v3 =	vand.u32 $0x7, v3;
	v4 =	vand.u32 $0xFFFFFFE0, v61  }
0x6e: {  	v3 =	vor.u32 v3, v4  }
0x6f: {  	v4 =	vperm.xlane v3, v0;
	_ =	sdelay $0x1  }
0x70: {  	v4 =	vadd.s32 v1, v4;
	_ =	sdelay $0x1  }
0x71: {  	v3 =	vperm.xlane v3, v2;
	_ =	sdelay $0x1  }
0x72: {  	v3 =	vadd.s32 v1, v3  }
0x73: {  	[tilespmem:s30], [sflag:$0x1] =	stream.indirect_vreg.gather [hbm4b:s3+s2], $0x80, v4, vm0, $0xb8;
	[tilespmem:$0x1A400] =	vst v63  }
0x74: {  	_ = 	snop  }
0x75: {  	[tilespmem:s31], [sflag:$0x1] =	stream.indirect_vreg.gather [hbm4b:s5+s2], $0x80, v4, vm0, $0xb8;
	[tilespmem:$0x1A400] =	vst v63  }
0x76: {  	_ = 	snop  }
0x77: {  	[tilespmem:s0], [sflag:$0x1] =	stream.indirect_vreg.gather [hbm4b:s3+s2], $0x80, v3, vm0, $0xb8;
	[tilespmem:$0x1A400] =	vst v63  }
0x78: {  	_ = 	snop  }
0x79: {  	[tilespmem:s1], [sflag:$0x1] =	stream.indirect_vreg.gather [hbm4b:s5+s2], $0x80, v3, vm0, $0xb8;
	[tilespmem:$0x1A400] =	vst v63  }
0x7a: {  	v3 =	vld [tilespmem:$0x60];
	_ =	sdelay $0x4  }
0x7b: {  	v62 =	vshll.u32 v3, $0x2  }
0x7c: {  	v3 =	vand.u32 $0x7, v3;
	v4 =	vand.u32 $0xFFFFFFE0, v62  }
0x7d: {  	v3 =	vor.u32 v3, v4  }
0x7e: {  	v4 =	vperm.xlane v3, v0;
	_ =	sdelay $0x1  }
0x7f: {  	v4 =	vadd.s32 v1, v4;
	_ =	sdelay $0x1  }
0x80: {  	v3 =	vperm.xlane v3, v2;
	_ =	sdelay $0x1  }
0x81: {  	v3 =	vadd.s32 v1, v3  }
0x82: {  	[tilespmem:s9], [sflag:$0x1] =	stream.indirect_vreg.gather [hbm4b:s3+s2], $0x80, v4, vm0, $0xb8;
	[tilespmem:$0x1A400] =	vst v63  }
0x83: {  	_ = 	snop  }
0x84: {  	[tilespmem:s10], [sflag:$0x1] =	stream.indirect_vreg.gather [hbm4b:s5+s2], $0x80, v4, vm0, $0xb8;
	[tilespmem:$0x1A400] =	vst v63  }
0x85: {  	_ = 	snop  }
0x86: {  	[tilespmem:s11], [sflag:$0x1] =	stream.indirect_vreg.gather [hbm4b:s3+s2], $0x80, v3, vm0, $0xb8;
	[tilespmem:$0x1A400] =	vst v63  }
0x87: {  	_ = 	snop  }
0x88: {  	[tilespmem:s12], [sflag:$0x1] =	stream.indirect_vreg.gather [hbm4b:s5+s2], $0x80, v3, vm0, $0xb8;
	[tilespmem:$0x1A400] =	vst v63  }
0x89: {  	v3 =	vld.msk [tilespmem:$0x70], $0xff;
	_ =	sdelay $0x4  }
0x8a: {  	v63 =	vshll.u32 v3, $0x2  }
0x8b: {  	v3 =	vand.u32 $0x7, v3;
	v4 =	vand.u32 $0xFFFFFFE0, v63  }
0x8c: {  	v3 =	vor.u32 v3, v4  }
0x8d: {  	v3 =	vperm.xlane v3, v0;
	_ =	sdelay $0x1  }
0x8e: {  	v3 =	vadd.s32 v1, v3;
	_ =	sdelay $0x2  }
.Ltmp2:
0x8f: {  	_ = 	snop;
	(pc) =	sbr.rel .LBB2_2-.Ltmp2, $4  }
0x90: {  	_ = 	snop  }
0x91: {  	[tilespmem:s13], [sflag:$0x1] =	stream.indirect_vreg.gather [hbm4b:s3+s2], $0x80, v3, vm0, $0xb8;
	[tilespmem:$0x1A400] =	vst v63  }
0x92: {  	s7 =	smov.u32 s19;
	s18 =	simm.s32 $0x98;
	s20 =	simm.s32 $0x0  }
0x93: {  	[tilespmem:s14], [sflag:$0x1] =	stream.indirect_vreg.gather [hbm4b:s5+s2], $0x80, v3, vm0, $0xb8;
	[tilespmem:$0x1A400] =	vst v63  }
.LBB2_4:
0x94: {  	s20 =	sadd.s32 $0x1, s20  }
0x95: {  	p0 =	sne.s32 s20, $0x7D  }
.Ltmp3:
0x96: {  	_ = 	snop;
	(pc) =	sbr.rel @!p0 .LBB2_5-.Ltmp3, $2  }
0x97: {  	_ =	sdelay $0x2  }
0x98: {  	s7 =	sadd.s32 $0xA00, s7;
	s18 =	sadd.s32 $0x28, s18  }
.LBB2_2:
0x99: {  	s21 =	smul.u32 $0xCD, s20;
	_ =	sdelay $0x1  }
0x9a: {  	s21 =	sshrl.u32 s21, $0xA  }
0x9b: {  	s21 =	sand.u32 $0x3F, s21  }
0x9c: {  	s21 =	smul.u32 $0x5, s21;
	_ =	sdelay $0x1  }
0x9d: {  	s21 =	ssub.s32 s20, s21  }
0x9e: {  	s21 =	sand.u32 $0xFF, s21  }
0x9f: {  	s21 =	smul.u32 $0x14000, s21  }
0xa0: {  	_ =	swait.ge [sflag:s15], $0x5000;
	p0 =	slt.u32 s20, $0x2  }
0xa1: {  	[sflag:s15] =	ssyncset.done $0x0;
	p1 =	sgt.u32 @!p0 s20, $0x79;
	s21 =	sshrl.u32 s21, $0x2  }
0xa2: {  	[sflag:s15] =	ssyncadd.s32 $0xFFFFB000;
	p1 =	por p0, !p1;
	s21 =	sadd.s32 $0x1400, s21  }
0xa3: {  	[hbm4b:s7+s2] =	stream.linear.scatter [tilespmem:s21], [sflag:$0x2], $0x5000, $0x38;
	[tilespmem:$0x1A400] =	vst v63  }
.Ltmp4:
0xa4: {  	_ = 	snop;
	(pc) =	sbr.rel @!p1 .LBB2_4-.Ltmp4, $4  }
0xa5: {  	s21 =	simm.s32 @!p0 $0x2  }
0xa6: {  	_ =	swait.ge @!p0 [sflag:s21], $0x5000  }
0xa7: {  	[sflag:s21] =	ssyncset.done @!p0 $0x0  }
0xa8: {  	[sflag:s21] =	ssyncadd.s32 @!p0 $0xFFFFB000  }
0xa9: {  	v3 =	vld [tilespmem:s18+$0xFFFFFFE0];
	_ =	sdelay $0x1  }
0xaa: {  	s21 =	sadd.s32 $0x3, s20  }
0xab: {  	s22 =	smul.u32 $0xCD, s21;
	_ =	sdelay $0x1  }
0xac: {  	s22 =	sshrl.u32 s22, $0xA;
	v4 =	vshll.u32 v3, $0x2  }
0xad: {  	s22 =	sand.u32 $0x3F, s22;
	v3 =	vand.u32 $0x7, v3;
	v4 =	vand.u32 $0xFFFFFFE0, v4  }
0xae: {  	s22 =	smul.u32 $0x5, s22;
	v3 =	vor.u32 v3, v4  }
0xaf: {  	v4 =	vperm.xlane v3, v0  }
0xb0: {  	s21 =	ssub.s32 s21, s22  }
0xb1: {  	s21 =	sand.u32 $0xFF, s21;
	v4 =	vadd.s32 v1, v4  }
0xb2: {  	s21 =	smul.u32 $0x14000, s21  }
0xb3: {  	v3 =	vperm.xlane v3, v2  }
0xb4: {  	s21 =	sshrl.u32 s21, $0x2  }
0xb5: {  	v3 =	vadd.s32 v1, v3;
	s22 =	sadd.s32 $0x1400, s21  }
0xb6: {  	[tilespmem:s22], [sflag:$0x1] =	stream.indirect_vreg.gather [hbm4b:s3+s2], $0x80, v4, vm0, $0xb8;
	[tilespmem:$0x1A400] =	vst v63  }
0xb7: {  	s22 =	sadd.s32 $0x1C00, s21  }
0xb8: {  	[tilespmem:s22], [sflag:$0x1] =	stream.indirect_vreg.gather [hbm4b:s5+s2], $0x80, v4, vm0, $0xb8;
	[tilespmem:$0x1A400] =	vst v63  }
0xb9: {  	s22 =	sadd.s32 $0x2400, s21  }
0xba: {  	[tilespmem:s22], [sflag:$0x1] =	stream.indirect_vreg.gather [hbm4b:s3+s2], $0x80, v3, vm0, $0xb8;
	[tilespmem:$0x1A400] =	vst v63  }
0xbb: {  	s22 =	sadd.s32 $0x2C00, s21  }
0xbc: {  	[tilespmem:s22], [sflag:$0x1] =	stream.indirect_vreg.gather [hbm4b:s5+s2], $0x80, v3, vm0, $0xb8;
	[tilespmem:$0x1A400] =	vst v63  }
0xbd: {  	v3 =	vld [tilespmem:s18+$0xFFFFFFF0];
	_ =	sdelay $0x4  }
0xbe: {  	v62 =	vshll.u32 v3, $0x2  }
0xbf: {  	v3 =	vand.u32 $0x7, v3;
	v4 =	vand.u32 $0xFFFFFFE0, v62  }
0xc0: {  	v3 =	vor.u32 v3, v4  }
0xc1: {  	v4 =	vperm.xlane v3, v0;
	_ =	sdelay $0x1  }
0xc2: {  	v4 =	vadd.s32 v1, v4;
	_ =	sdelay $0x1  }
0xc3: {  	v3 =	vperm.xlane v3, v2;
	_ =	sdelay $0x1  }
0xc4: {  	s22 =	sadd.s32 $0x3400, s21;
	v3 =	vadd.s32 v1, v3  }
0xc5: {  	[tilespmem:s22], [sflag:$0x1] =	stream.indirect_vreg.gather [hbm4b:s3+s2], $0x80, v4, vm0, $0xb8;
	[tilespmem:$0x1A400] =	vst v63  }
0xc6: {  	s22 =	sadd.s32 $0x3C00, s21  }
0xc7: {  	[tilespmem:s22], [sflag:$0x1] =	stream.indirect_vreg.gather [hbm4b:s5+s2], $0x80, v4, vm0, $0xb8;
	[tilespmem:$0x1A400] =	vst v63  }
0xc8: {  	s22 =	sadd.s32 $0x4400, s21  }
0xc9: {  	[tilespmem:s22], [sflag:$0x1] =	stream.indirect_vreg.gather [hbm4b:s3+s2], $0x80, v3, vm0, $0xb8;
	[tilespmem:$0x1A400] =	vst v63  }
0xca: {  	s22 =	sadd.s32 $0x4C00, s21  }
0xcb: {  	[tilespmem:s22], [sflag:$0x1] =	stream.indirect_vreg.gather [hbm4b:s5+s2], $0x80, v3, vm0, $0xb8;
	[tilespmem:$0x1A400] =	vst v63  }
0xcc: {  	v3 =	vld.msk [tilespmem:s18+$0x0], $0xff;
	_ =	sdelay $0x4  }
0xcd: {  	v63 =	vshll.u32 v3, $0x2  }
0xce: {  	v3 =	vand.u32 $0x7, v3;
	v4 =	vand.u32 $0xFFFFFFE0, v63  }
0xcf: {  	v3 =	vor.u32 v3, v4  }
0xd0: {  	v3 =	vperm.xlane v3, v0;
	_ =	sdelay $0x1  }
0xd1: {  	v3 =	vadd.s32 v1, v3;
	_ =	sdelay $0x2  }
.Ltmp5:
0xd2: {  	_ = 	snop;
	(pc) =	sbr.rel .LBB2_4-.Ltmp5, $4  }
0xd3: {  	s22 =	sadd.s32 $0x5400, s21  }
0xd4: {  	[tilespmem:s22], [sflag:$0x1] =	stream.indirect_vreg.gather [hbm4b:s3+s2], $0x80, v3, vm0, $0xb8;
	[tilespmem:$0x1A400] =	vst v63  }
0xd5: {  	s21 =	sadd.s32 $0x5C00, s21  }
0xd6: {  	[tilespmem:s21], [sflag:$0x1] =	stream.indirect_vreg.gather [hbm4b:s5+s2], $0x80, v3, vm0, $0xb8;
	[tilespmem:$0x1A400] =	vst v63  }
.LBB2_6:
0xd7: {  	_ =	sfence.sel $0x180000  }
0xd8: {  	[bflag:$0x0] =	sbarrier.arrive $0xFFFF  }
0xd9: {  	_ =	strace $0x9000004D  }
0xda: {  	s0 =	stileid.u32;
	[bflag:$0x2] =	sbarrier.arrive $0xFFFF  }
0xdb: {  	p0 =	sne.s32 s0, $0x0;
	s0 =	rddreg [dreg:$0x1]  }
0xdc: {  	s0 =	sadd.s32 @!p0 $0x100000, s0  }
0xdd: {  	[sflag:s0] =	ssyncadd.tile.s32 @!p0 $0x1;
	_ =	shalt  }
.Lfunc_end2:
_tile_overlayer_lowered:
.L_overlay_start_2:
0xde: {  	(tag) =	ssettag $0x2  }
0xdf: {  	s0 =	rddreg [dreg:$0x0];
	s2 =	stileid.u32  }
0xe0: {  	s1 =	rddreg [dreg:$0x1];
	p0 =	sne.s32 s2, $0x0  }
0xe1: {  	s3 =	rddreg [dreg:$0x2];
	[bflag:$0x3] =	sbarrier.arrive $0xFFFF;
	s2 =	simm.s32 @!p0 $0x1C03  }
0xe2: {  	[timem:s3], [sflag:s2] =	dma.local @!p0 [hbm:s0], s1  }
0xe3: {  	s0 =	simm.s32 @!p0 $0x3  }
0xe4: {  	_ =	swait.ge @!p0 [sflag:s0], s1  }
0xe5: {  	s1 =	ssub.s32 @!p0 $0x0, s1;
	[sflag:s0] =	ssyncset.done @!p0 $0x0  }
0xe6: {  	[sflag:s0] =	ssyncadd.s32 @!p0 s1  }
0xe7: {  	[bflag:$0x3] =	sbarrier.arrive $0xFFFF  }
0xe8: {  	_ =	shalt  }

// kernel: kernel.20.cloned.1.call-start
scs
__scs_entry_jumppad:
0x0: {  	(pc) =	sbr.rel $0x88, $3  }
0x1: {  	(tag) =	ssettag $0x0;
	lr =	simm.s32 $0x1  }
0x2: {  	[smem:$0x3F8F] =	sst lr;
	_ =	strace $0xD0000000  }
0x3: {  	_ = 	snop  }
0x4: {  	_ = 	snop  }
0x5: {  	_ = 	snop  }
0x6: {  	_ = 	snop  }
0x7: {  	_ = 	snop  }
__scs_overlays_trampoline_lowered:
0x8: {  	[smem:$0x3F9E] =	sst s0  }
0x9: {  	[smem:$0x3F9F] =	sst s1  }
0xa: {  	[smem:$0x3FA0] =	sst s2  }
0xb: {  	[smem:$0x3FA1] =	sst s3  }
0xc: {  	[smem:$0x3FA2] =	sst s4  }
0xd: {  	[smem:$0x3FA3] =	sst s5  }
0xe: {  	[smem:$0x3FA4] =	sst s6  }
0xf: {  	[smem:$0x3FA5] =	sst s7  }
0x10: {  	[smem:$0x3FA6] =	sst s8  }
0x11: {  	[smem:$0x3FA7] =	sst s9;
	s0 =	simm.s32 @!p0 $0x0  }
0x12: {  	s1 =	sld [smem:$0x3F8D];
	s0 =	simm.s32 @p0 $0x1  }
0x13: {  	[smem:$0x3FA8] =	sst s0;
	s0 =	simm.s32 @!p1 $0x0  }
0x14: {  	s2 =	sld [smem:$0x3F8C];
	s0 =	simm.s32 @p1 $0x1  }
0x15: {  	[smem:$0x3FA9] =	sst s0;
	s0 =	simm.s32 @!p2 $0x0  }
0x16: {  	s3 =	sld [smem:$0x3FDB];
	s0 =	simm.s32 @p2 $0x1  }
0x17: {  	s4 =	simm.s32 $0x1BF5;
	[smem:$0x3FAB] =	sst s0  }
0x18: {  	s0 =	sld [smem:$0x3F8E];
	_ =	swait.ge [sflag:s4], $0x0  }
0x19: {  	s7 =	sld [smem:$0x3F8F]  }
0x1a: {  	s8 =	sadd.s32 $0xFFFFE003, lr  }
0x1b: {  	s9 =	sadd.s32 $0xFFFFFEF7, lr;
	s5 =	simm.s32 $0xFFFFFFFF;
	p2 =	slt.u32 s8, $0xFFFFF086  }
0x1c: {  	p1 =	slt.u32 s9, $0xF7A;
	s5 =	simm.s32 @!p2 $0x0  }
0x1d: {  	s5 =	simm.s32 @p1 $0x1;
	p0 =	seq.s32 s7, s2  }
0x1e: {  	s7 =	smul.u32 @!p0 $0xF7A, s2;
	p2 =	seq.s32 @!p0 s5, $0x0  }
0x1f: {  	s9 =	smul.u32 $0xF7A, s1;
	s8 =	simm.s32 @!p0 $0x1BF5;
	p2 =	por !p2, p0  }
0x20: {  	[sflag:s8] =	ssyncset.s32 @!p0 $0xFFFFF086;
	s6 =	sadd.s32 @!p0 s3, s7;
	s7 =	simm.s32 @!p0 $0x108  }
0x21: {  	s3 =	sadd.s32 s3, s9;
	s6 =	sadd.s32 @!p0 $0x88, s6;
	s7 =	simm.s32 @p2 $0x1082  }
0x22: {  	[simem:s7], [sflag:s8] =	dma.local @!p0 [hbm:s6], $0xF7A  }
0x23: {  	s9 =	sor.u32 $0xD0000000, s2;
	s6 =	simm.s32 $0x108;
	_ =	swait.ge @!p0 [sflag:s8], $0x0  }
0x24: {  	s3 =	sadd.s32 $0x88, s3;
	s6 =	simm.s32 @!p1 $0x1082;
	[sflag:s4] =	ssyncset.s32 $0xFFFFF086  }
0x25: {  	[simem:s6], [sflag:s4] =	dma.local [hbm:s3], $0xF7A  }
0x26: {  	[smem:$0x3F8F] =	sst s1;
	(tag) =	ssettag s2;
	_ =	strace s9  }
0x27: {  	s1 =	sld [smem:$0x3F9F]  }
0x28: {  	s2 =	sld [smem:$0x3FA0]  }
0x29: {  	s4 =	sld [smem:$0x3FA2]  }
0x2a: {  	p0 =	seq.s32 s5, $0x0;
	s5 =	sld [smem:$0x3FA3]  }
0x2b: {  	s6 =	sld [smem:$0x3FA4]  }
0x2c: {  	s7 =	sld [smem:$0x3FA5]  }
0x2d: {  	s3 =	simm.s32 $0x108;
	s8 =	sld [smem:$0x3FA6]  }
0x2e: {  	s3 =	simm.s32 @!p0 $0x1082;
	s9 =	sld [smem:$0x3FA7]  }
0x2f: {  	lr =	sadd.s32 s0, s3;
	s0 =	sld [smem:$0x3F9E]  }
0x30: {  	s3 =	sld [smem:$0x3FA1]  }
0x31: {  	[smem:$0x3FAA] =	sst s10  }
0x32: {  	s10 =	sld [smem:$0x3FA8];
	_ =	sdelay $0x3  }
0x33: {  	p0 =	seq.s32 s10, $0x1;
	s10 =	sld [smem:$0x3FAA];
	_ =	sdelay $0x3  }
0x34: {  	[smem:$0x3FAA] =	sst s10  }
0x35: {  	s10 =	sld [smem:$0x3FA9];
	_ =	sdelay $0x3  }
0x36: {  	p1 =	seq.s32 s10, $0x1;
	s10 =	sld [smem:$0x3FAA];
	_ =	sdelay $0x3  }
0x37: {  	[smem:$0x3FAA] =	sst s10  }
0x38: {  	s10 =	sld [smem:$0x3FAB]  }
0x39: {  	_ = 	snop;
	(pc) =	sbr.ind lr, $3  }
0x3a: {  	_ = 	snop  }
0x3b: {  	_ = 	snop  }
0x3c: {  	p2 =	seq.s32 s10, $0x1;
	s10 =	sld [smem:$0x3FAA]  }
0x3d: {  	_ =	shalt  }
0x3e: {  	_ =	shalt  }
0x3f: {  	_ =	shalt  }
0x40: {  	_ =	shalt  }
0x41: {  	_ =	shalt  }
0x42: {  	_ =	shalt  }
0x43: {  	_ =	shalt  }
0x44: {  	_ =	shalt  }
0x45: {  	_ =	shalt  }
0x46: {  	_ =	shalt  }
0x47: {  	_ =	shalt  }
0x48: {  	_ =	shalt  }
0x49: {  	_ =	shalt  }
0x4a: {  	_ =	shalt  }
0x4b: {  	_ =	shalt  }
0x4c: {  	_ =	shalt  }
0x4d: {  	_ =	shalt  }
0x4e: {  	_ =	shalt  }
0x4f: {  	_ =	shalt  }
0x50: {  	_ =	shalt  }
0x51: {  	_ =	shalt  }
0x52: {  	_ =	shalt  }
0x53: {  	_ =	shalt  }
0x54: {  	_ =	shalt  }
0x55: {  	_ =	shalt  }
0x56: {  	_ =	shalt  }
0x57: {  	_ =	shalt  }
0x58: {  	_ =	shalt  }
0x59: {  	_ =	shalt  }
0x5a: {  	_ =	shalt  }
0x5b: {  	_ =	shalt  }
0x5c: {  	_ =	shalt  }
0x5d: {  	_ =	shalt  }
0x5e: {  	_ =	shalt  }
0x5f: {  	_ =	shalt  }
0x60: {  	_ =	shalt  }
0x61: {  	_ =	shalt  }
0x62: {  	_ =	shalt  }
0x63: {  	_ =	shalt  }
0x64: {  	_ =	shalt  }
0x65: {  	_ =	shalt  }
0x66: {  	_ =	shalt  }
0x67: {  	_ =	shalt  }
0x68: {  	_ =	shalt  }
0x69: {  	_ =	shalt  }
0x6a: {  	_ =	shalt  }
0x6b: {  	_ =	shalt  }
0x6c: {  	_ =	shalt  }
0x6d: {  	_ =	shalt  }
0x6e: {  	_ =	shalt  }
0x6f: {  	_ =	shalt  }
0x70: {  	_ =	shalt  }
0x71: {  	_ =	shalt  }
0x72: {  	_ =	shalt  }
0x73: {  	_ =	shalt  }
0x74: {  	_ =	shalt  }
0x75: {  	_ =	shalt  }
0x76: {  	_ =	shalt  }
0x77: {  	_ =	shalt  }
0x78: {  	_ =	shalt  }
0x79: {  	_ =	shalt  }
0x7a: {  	_ =	shalt  }
0x7b: {  	_ =	shalt  }
0x7c: {  	_ =	shalt  }
0x7d: {  	_ =	shalt  }
0x7e: {  	_ =	shalt  }
0x7f: {  	_ =	shalt  }
0x80: {  	_ =	shalt  }
0x81: {  	_ =	shalt  }
0x82: {  	_ =	shalt  }
0x83: {  	_ =	shalt  }
0x84: {  	_ =	shalt  }
0x85: {  	_ =	shalt  }
0x86: {  	_ =	shalt  }
0x87: {  	_ =	shalt  }
.Lfunc_end0:
.L_simem_size_0:
called_computation.3_lowered:
.L_overlay_start_0:
0x88: {  	s2 =	sld [smem:$0x3FD9]  }
0x89: {  	s3 =	sld [smem:$0x3FFE];
	_ =	sdelay $0x1  }
0x8a: {  	s1 =	srdreg.scid  }
0x8b: {  	s0 =	sand.u32 $0x1, s1  }
0x8c: {  	s16 =	sshll.u32 s0, $0xA;
	s2 =	sadd.s32 s3, s2  }
0x8d: {  	s2 =	sadd.s32 s2, s16  }
0x8e: {  	[smem:$0x3FB6] =	sst s2  }
0x8f: {  	_ = 	snop  }
0x90: {  	(tm) =	ssettm $0x1  }
0x91: {  	s17 =	sld [smem:$0x3FFB];
	_ =	sdelay $0x3  }
0x92: {  	_ =	strace s17  }
0x93: {  	s2 =	sld [smem:$0x3FFC];
	_ =	sdelay $0x3  }
0x94: {  	_ =	strace s2  }
0x95: {  	s2 =	sld [smem:$0x3FFD];
	_ =	sdelay $0x3  }
0x96: {  	_ =	strace s2  }
0x97: {  	_ =	strace $0x8FFFFFFF  }
0x98: {  	s18 =	sld [smem:$0x3FDB];
	_ =	sdelay $0x1  }
0x99: {  	s19 =	simm.s32 $_scs_section_size  }
0x9a: {  	s4 =	simm.s32 $_size__tile_overlayer_lowered;
	s5 =	simm.s32 $_tile_overlayer_lowered  }
0x9b: {  	s22 =	simm.s32 $0x1BFF;
	s21 =	sshll.u32 s5, $0x1;
	s2 =	sadd.s32 s19, s18  }
0x9c: {  	s6 =	simm.s32 $0x0;
	s20 =	sshll.u32 s4, $0x1;
	s4 =	sadd.s32 s21, s2  }
0x9d: {  	[timem:s6], [sflag:s22] =	dma.local [hbm:s4], s20  }
0x9e: {  	_ =	swait.ge [sflag:s22], s20  }
0x9f: {  	s3 =	ssub.s32 $0x0, s20;
	[sflag:s22] =	ssyncset.done $0x0  }
0xa0: {  	[sflag:s22] =	ssyncadd.s32 s3;
	_ =	sdelay $0x1  }
0xa1: {  	s23 =	simm.s32 $0x1B8B  }
0xa2: {  	_ =	swait.ge [sflag:s23], $0x1  }
0xa3: {  	[sflag:s23] =	ssyncset.done $0x0  }
0xa4: {  	s25 =	simm.s32 $0x1B8E;
	s24 =	sld [smem:$0x3FFE];
	[sflag:s23] =	ssyncadd.s32 $0xFFFFFFFF  }
0xa5: {  	s26 =	simm.s32 $execute0_lowered;
	[smem:$0x3FD2] =	sst s25  }
0xa6: {  	s4 =	sshll.u32 s26, $0x1;
	_ =	strace $0x8000004F;
	[dreg:$0x1] =	wrdreg $0xFFFFFFFF  }
0xa7: {  	s28 =	simm.s32 $_size_execute0_lowered;
	s2 =	sadd.s32 s2, s4;
	[dreg:$0x0] =	wrdreg $0x0  }
0xa8: {  	s4 =	sshll.u32 s28, $0x1;
	[dreg:$0x2] =	wrdreg s2  }
0xa9: {  	[dreg:$0x3] =	wrdreg s4  }
0xaa: {  	[dreg:$0x4] =	wrdreg $0xC0  }
0xab: {  	_ =	task [dreg:s6], $0x5FFFF  }
0xac: {  	[dreg:$0x1] =	wrdreg $0xFFFFFFFF  }
0xad: {  	[dreg:$0x0] =	wrdreg $0x60  }
0xae: {  	[dreg:$0x2] =	wrdreg s24  }
0xaf: {  	[dreg:$0x3] =	wrdreg $0xA8000  }
0xb0: {  	[dreg:$0x4] =	wrdreg $0x9  }
0xb1: {  	_ =	task.clear_ibuf [dreg:s6], $0x5FFFF;
	_ =	strace $0x9000004F  }
0xb2: {  	s29 =	simm.s32 $0x9;
	_ =	strace $0x80000051  }
0xb3: {  	_ =	swait.ge [sflag:s29], $0x1  }
0xb4: {  	[sflag:s29] =	ssyncadd.s32 $0xFFFFFFFF  }
0xb5: {  	_ =	strace $0x90000051  }
0xb6: {  	_ =	sfence  }
0xb7: {  	s30 =	sld [smem:$0x0];
	_ =	sdelay $0x2  }
0xb8: {  	s31 =	sshll.u32 s1, $0xD;
	s1 =	sshrl.u32 s1, $0x2  }
0xb9: {  	s3 =	sand.u32 $0x4000, s31;
	s1 =	sadd.s32 s1, s30  }
0xba: {  	s0 =	sor.u32 s3, s0;
	s1 =	sshll.u32 s1, $0x11  }
0xbb: {  	s0 =	sor.u32 s1, s0  }
0xbc: {  	s0 =	sadd.s32 $0x8F2B, s0  }
0xbd: {  	[sflag:s0] =	ssyncadd.remote.s32 $0x1  }
0xbe: {  	_ =	sfence.sel $0xFFFF  }
0xbf: {  	[dreg:$0x0] =	wrdreg $0xFFFFFFFF;
	(pc) =	sbr.abs _section_cstart, $3  }
0xc0: {  	[dreg:$0x1] =	wrdreg $0xFFFFFFFF  }
0xc1: {  	_ =	task.clear_ibuf [dreg:s6], $0x2FFFF;
	_ =	strace $0x9FFFFFFF  }
0xc2: {  	(tm) =	ssettm $0x7FFFFFFF  }
0xc3: {  	_ =	shalt  }
tec
execute0_lowered:
.L_overlay_start_1:
0x0: {  	(tag) =	ssettag $0x1  }
0x1: {  	s0 =	rddreg [dreg:$0x0]  }
0x2: {  	s1 =	rddreg [dreg:$0x1];
	s3 =	simm.s32 $0x0;
	s2 =	srdreg.scid  }
0x3: {  	s12 =	stileid.u32;
	s28 =	simm.s32 $0x28;
	s29 =	simm.s32 $0x9400  }
0x4: {  	s30 =	simm.s32 $0x3;
	s31 =	simm.s32 $0x2;
	[smem:$0x7FF] =	sst s3  }
0x5: {  	s4 =	sadd.s32 $0x1133E00, s0;
	s5 =	sshll.u32 s12, $0xC;
	s7 =	sadd.s32 $0xCE00, s0  }
0x6: {  	s9 =	sadd.s32 $0xAAE00, s0;
	s21 =	smul.u32 $0x4F000, s12;
	p0 =	seq.s32 s12, $0xF  }
0x7: {  	s2 =	sand.u32 $0x1, s2;
	s12 =	smul.u32 $0x138800, s12;
	s16 =	sadd.s32 $0x128400, s1  }
0x8: {  	_ =	strace $0x80000050;
	s6 =	ssub.s32 $0x2, s2;
	s5 =	sadd.s32 s5, s0  }
0x9: {  	s22 =	sshll.u32 s2, $0xA;
	s11 =	smul.u32 $0x1388000, s2;
	s23 =	sshll.u32 s2, $0x7  }
0xa: {  	s0 =	sadd.s32 $0xA1000, s0;
	s2 =	sor.u32 $0x2, s2;
	s8 =	sshrl.u32 s6, $0x1  }
0xb: {  	s5 =	sadd.s32 $0x75FE00, s5;
	s10 =	sshrl.u32 s21, $0x2;
	s14 =	sshll.u32 s2, $0xA  }
0xc: {  	s15 =	smul.u32 $0x1388000, s2;
	s18 =	sadd.s32 s23, s0;
	s2 =	sshll.u32 s2, $0x7  }
0xd: {  	s6 =	ssub.s32 s6, s8;
	[dreg:$0x3] =	wrdreg s5;
	s5 =	sor.u32 s22, s21  }
0xe: {  	s19 =	sadd.s32 s10, s1;
	s17 =	sadd.s32 s12, s11;
	s8 =	sor.u32 s21, s14  }
0xf: {  	s0 =	sadd.s32 s2, s0;
	s14 =	sadd.s32 $0x137400, s12;
	s5 =	sshrl.u32 s5, $0x3  }
0x10: {  	s13 =	sshrl.u32 s17, $0x3;
	s25 =	sshrl.u32 s8, $0x3;
	s26 =	sadd.s32 s12, s15  }
0x11: {  	s21 =	sadd.s32 s11, s14;
	s2 =	sadd.s32 s15, s14;
	s6 =	smax.u32 s6, $0x1  }
0x12: {  	s14 =	smov.u32 s19;
	s22 =	sadd.s32 $0x1400, s17;
	s23 =	sadd.s32 $0x2711400, s17  }
0x13: {  	s11 =	sadd.s32 $0x2800, s17;
	s20 =	sadd.s32 s7, s5;
	s24 =	sadd.s32 s4, s13  }
0x14: {  	s5 =	sadd.s32 s9, s5;
	s10 =	sadd.s32 s7, s25;
	[dreg:$0x8] =	wrdreg s6  }
0x15: {  	s8 =	sshrl.u32 s26, $0x3;
	s2 =	sshrl.u32 s2, $0x3;
	[dreg:$0x4] =	wrdreg s24  }
0x16: {  	s6 =	simm.s32 $0x0;
	[dreg:$0x5] =	wrdreg s5;
	s13 =	sadd.s32 s4, s8  }
0x17: {  	s5 =	sadd.s32 s9, s25;
	s2 =	sadd.s32 s4, s2;
	s20 =	smov.u32 @p0 s18  }
0x18: {  	s10 =	smov.u32 @p0 s0;
	s0 =	sshrl.u32 s22, $0x3;
	s24 =	sadd.s32 $0x2712800, s17  }
0x19: {  	s25 =	sshrl.u32 s23, $0x3;
	s22 =	simm.s32 $0x8;
	[dreg:$0x6] =	wrdreg s13  }
0x1a: {  	s23 =	simm.s32 $0x80;
	[dreg:$0x7] =	wrdreg s5;
	s5 =	sshrl.u32 s21, $0x3  }
0x1b: {  	[dreg:$0xa] =	wrdreg s2;
	s15 =	smov.u32 s20;
	s2 =	smov.u32 s19  }
0x1c: {  	s26 =	sshrl.u32 s24, $0x3;
	s18 =	sadd.s32 s25, s4;
	s20 =	simm.s32 $0x5  }
0x1d: {  	s24 =	simm.s32 $0x200;
	s25 =	simm.s32 $0x8000;
	s5 =	sadd.s32 s4, s5  }
0x1e: {  	s2 =	smov.u32 @p0 s16;
	s16 =	sadd.s32 s0, s4;
	s19 =	sadd.s32 s26, s4  }
0x1f: {  	s26 =	simm.s32 $0x1;
	s0 =	simm.s32 $0x4;
	[dreg:$0x9] =	wrdreg s5  }
0x20: {  	s21 =	sshrl.u32 s2, $0x3;
	s2 =	simm.s32 $0x7C00;
	s5 =	simm.s32 $0x7C80  }
.LBB2_1:
0x21: {  	s7 =	rddreg [dreg:$0x3]  }
0x22: {  	[tilespmem:s3], [sflag:$0x5] =	stream.linear.gather [hbm4b:s7+s3], $0x7D00, $0x38;
	[tilespmem:$0x1E400] =	vst v63  }
0x23: {  	s8 =	stileid.u32;
	_ =	swait.ge [sflag:s20], $0x7D00  }
0x24: {  	s7 =	sshll.u32 s8, $0x6;
	[sflag:s20] =	ssyncset.done $0x0  }
0x25: {  	s8 =	sor.u32 $0x1C05, s7;
	[sflag:s20] =	ssyncadd.s32 $0xFFFF8300  }
0x26: {  	[spmem:s21@s23], [sflag:s8] =	dma.strided [hbm:s15@s24], $0x2780, s22, $0x10   }
0x27: {  	_ =	swait.ge [sflag:s20], $0x2780  }
0x28: {  	[sflag:s20] =	ssyncset.done $0x0  }
0x29: {  	[sflag:s20] =	ssyncadd.s32 $0xFFFFD880  }
0x2a: {  	[bflag:$0x0] =	sbarrier.arrive $0xFFFF  }
0x2b: {  	s9 =	rddreg [dreg:$0x4]  }
0x2c: {  	[tilespmem:s25], [sflag:$0x1] =	stream.linear.gather [hbm4b:s9+s3], $0x1400, $0x38;
	[tilespmem:$0x1E400] =	vst v63  }
0x2d: {  	_ =	swait.ge [sflag:s26], $0x1400  }
0x2e: {  	[sflag:s26] =	ssyncset.done $0x0  }
0x2f: {  	[sflag:s26] =	ssyncadd.s32 $0xFFFFEC00  }
0x30: {  	[spmem:s1] =	stream.indirect.scatter.add.f32 [tilespmem:s25], [sflag:$0x3], $0x80, s3, s28, $0xb8;
	[tilespmem:$0x1E400] =	vst v63  }
0x31: {  	s12 =	sadd.s32 $0x0, s16  }
0x32: {  	[tilespmem:s29], [sflag:$0x2] =	stream.linear.gather [hbm4b:s12+s3], $0x1400, $0x38;
	[tilespmem:$0x1E400] =	vst v63  }
0x33: {  	_ =	swait.ge [sflag:s30], $0x1400  }
0x34: {  	s13 =	sshrl.u32 s11, $0x3;
	[sflag:s30] =	ssyncset.done $0x0  }
0x35: {  	s7 =	sadd.s32 s4, s13;
	[sflag:s30] =	ssyncadd.s32 $0xFFFFEC00  }
0x36: {  	[tilespmem:s25], [sflag:$0x1] =	stream.linear.gather [hbm4b:s7+s3], $0x1400, $0x38;
	[tilespmem:$0x1E400] =	vst v63  }
0x37: {  	_ =	swait.ge [sflag:s31], $0x1400  }
0x38: {  	[sflag:s31] =	ssyncset.done $0x0  }
0x39: {  	s17 =	simm.s32 $0x80;
	[sflag:s31] =	ssyncadd.s32 $0xFFFFEC00  }
0x3a: {  	[spmem:s1] =	stream.indirect.scatter.add.f32 [tilespmem:s29], [sflag:$0x4], $0x80, s17, s28, $0xb8;
	[tilespmem:$0x1E400] =	vst v63  }
0x3b: {  	s9 =	simm.s32 $0x0;
	_ =	swait.ge [sflag:s0], $0x1400  }
0x3c: {  	s7 =	simm.s32 $0x500;
	s17 =	smov.u32 s11;
	[sflag:s0] =	ssyncset.done $0x0  }
.LBB2_2:
0x3d: {  	[sflag:s0] =	ssyncadd.s32 $0xFFFFEC00  }
0x3e: {  	s9 =	sadd.s32 $0x100, s9;
	s17 =	sadd.s32 $0x2800, s17;
	s12 =	smov.u32 s7  }
0x3f: {  	p0 =	sne.s32 s7, $0x26700;
	s7 =	sadd.s32 $0x500, s7;
	_ =	swait.ge [sflag:s26], $0x1400  }
0x40: {  	[sflag:s26] =	ssyncset.done $0x0  }
0x41: {  	[sflag:s26] =	ssyncadd.s32 $0xFFFFEC00  }
0x42: {  	[spmem:s1] =	stream.indirect.scatter.add.f32 [tilespmem:s25], [sflag:$0x3], $0x80, s9, s28, $0xb8;
	[tilespmem:$0x1E400] =	vst v63  }
0x43: {  	s12 =	sadd.s32 s12, s16  }
0x44: {  	[tilespmem:s29], [sflag:$0x2] =	stream.linear.gather [hbm4b:s12+s3], $0x1400, $0x38;
	[tilespmem:$0x1E400] =	vst v63  }
0x45: {  	_ =	swait.ge [sflag:s30], $0x1400  }
0x46: {  	s12 =	sshrl.u32 s17, $0x3;
	[sflag:s30] =	ssyncset.done $0x0  }
0x47: {  	s12 =	sadd.s32 s4, s12;
	[sflag:s30] =	ssyncadd.s32 $0xFFFFEC00  }
0x48: {  	[tilespmem:s25], [sflag:$0x1] =	stream.linear.gather [hbm4b:s12+s3], $0x1400, $0x38;
	[tilespmem:$0x1E400] =	vst v63  }
0x49: {  	_ =	swait.ge [sflag:s31], $0x1400  }
.Ltmp0:
0x4a: {  	[sflag:s31] =	ssyncset.done $0x0;
	(pc) =	sbr.rel @p0 .LBB2_2-.Ltmp0, $4  }
0x4b: {  	s12 =	sadd.s32 $0x80, s9;
	[sflag:s31] =	ssyncadd.s32 $0xFFFFEC00  }
0x4c: {  	[spmem:s1] =	stream.indirect.scatter.add.f32 [tilespmem:s29], [sflag:$0x4], $0x80, s12, s28, $0xb8;
	[tilespmem:$0x1E400] =	vst v63  }
0x4d: {  	_ =	swait.ge [sflag:s0], $0x1400  }
0x4e: {  	[sflag:s0] =	ssyncset.done $0x0  }
0x4f: {  	[sflag:s0] =	ssyncadd.s32 $0xFFFFEC00  }
0x50: {  	_ =	swait.ge [sflag:s26], $0x1400  }
0x51: {  	[sflag:s26] =	ssyncset.done $0x0  }
0x52: {  	[sflag:s26] =	ssyncadd.s32 $0xFFFFEC00  }
0x53: {  	[spmem:s1] =	stream.indirect.scatter.add.f32 [tilespmem:s25], [sflag:$0x3], $0x80, s2, s28, $0xb8;
	[tilespmem:$0x1E400] =	vst v63  }
0x54: {  	s7 =	simm.s32 $0x0;
	s9 =	rddreg [dreg:$0x9]  }
0x55: {  	[tilespmem:s29], [sflag:$0x2] =	stream.linear.gather [hbm4b:s9+s7], $0x1400, $0x38;
	[tilespmem:$0x1E400] =	vst v63  }
0x56: {  	_ =	swait.ge [sflag:s30], $0x1400  }
0x57: {  	[sflag:s30] =	ssyncset.done $0x0  }
0x58: {  	[sflag:s30] =	ssyncadd.s32 $0xFFFFEC00  }
0x59: {  	_ =	swait.ge [sflag:s31], $0x1400  }
0x5a: {  	[sflag:s31] =	ssyncset.done $0x0  }
0x5b: {  	[sflag:s31] =	ssyncadd.s32 $0xFFFFEC00  }
0x5c: {  	[spmem:s1] =	stream.indirect.scatter.add.f32 [tilespmem:s29], [sflag:$0x4], $0x80, s5, s28, $0xb8;
	[tilespmem:$0x1E400] =	vst v63  }
0x5d: {  	_ =	swait.ge [sflag:s0], $0x1400  }
0x5e: {  	[sflag:s0] =	ssyncset.done $0x0  }
0x5f: {  	[sflag:s0] =	ssyncadd.s32 $0xFFFFEC00  }
0x60: {  	[bflag:$0x0] =	sbarrier.arrive $0xFFFF  }
0x61: {  	s9 =	sshrl.u32 s14, $0x3;
	s12 =	rddreg [dreg:$0x5]  }
0x62: {  	[hbm:s12@s24], [sflag:s8] =	dma.strided [spmem:s9@s23], $0x2780, s22, $0x10   }
0x63: {  	_ =	swait.ge [sflag:s20], $0x2780  }
0x64: {  	[sflag:s20] =	ssyncset.done $0x0  }
0x65: {  	[sflag:s20] =	ssyncadd.s32 $0xFFFFD880  }
0x66: {  	[bflag:$0x0] =	sbarrier.arrive $0xFFFF  }
0x67: {  	[spmem:s9@s23], [sflag:s8] =	dma.strided [hbm:s10@s24], $0x2780, s22, $0x10   }
0x68: {  	_ =	swait.ge [sflag:s20], $0x2780  }
0x69: {  	[sflag:s20] =	ssyncset.done $0x0  }
0x6a: {  	[sflag:s20] =	ssyncadd.s32 $0xFFFFD880  }
0x6b: {  	[bflag:$0x0] =	sbarrier.arrive $0xFFFF  }
0x6c: {  	s13 =	rddreg [dreg:$0x6]  }
0x6d: {  	[tilespmem:s25], [sflag:$0x1] =	stream.linear.gather [hbm4b:s13+s7], $0x1400, $0x38;
	[tilespmem:$0x1E400] =	vst v63  }
0x6e: {  	_ =	swait.ge [sflag:s26], $0x1400  }
0x6f: {  	[sflag:s26] =	ssyncset.done $0x0  }
0x70: {  	[sflag:s26] =	ssyncadd.s32 $0xFFFFEC00  }
0x71: {  	[spmem:s1] =	stream.indirect.scatter.add.f32 [tilespmem:s25], [sflag:$0x3], $0x80, s7, s28, $0xb8;
	[tilespmem:$0x1E400] =	vst v63  }
0x72: {  	s17 =	sadd.s32 $0x0, s18  }
0x73: {  	[tilespmem:s29], [sflag:$0x2] =	stream.linear.gather [hbm4b:s17+s3], $0x1400, $0x38;
	[tilespmem:$0x1E400] =	vst v63  }
0x74: {  	_ =	swait.ge [sflag:s30], $0x1400  }
0x75: {  	[sflag:s30] =	ssyncset.done $0x0  }
0x76: {  	s13 =	sadd.s32 $0x0, s19;
	[sflag:s30] =	ssyncadd.s32 $0xFFFFEC00  }
0x77: {  	[tilespmem:s25], [sflag:$0x1] =	stream.linear.gather [hbm4b:s13+s3], $0x1400, $0x38;
	[tilespmem:$0x1E400] =	vst v63  }
0x78: {  	_ =	swait.ge [sflag:s31], $0x1400  }
0x79: {  	[sflag:s31] =	ssyncset.done $0x0  }
0x7a: {  	s17 =	simm.s32 $0x80;
	[sflag:s31] =	ssyncadd.s32 $0xFFFFEC00  }
0x7b: {  	[spmem:s1] =	stream.indirect.scatter.add.f32 [tilespmem:s29], [sflag:$0x4], $0x80, s17, s28, $0xb8;
	[tilespmem:$0x1E400] =	vst v63  }
0x7c: {  	_ =	swait.ge [sflag:s0], $0x1400  }
0x7d: {  	s17 =	simm.s32 $0x500;
	[sflag:s0] =	ssyncset.done $0x0  }
.LBB2_4:
0x7e: {  	p0 =	sne.s32 s17, $0x26700;
	[sflag:s0] =	ssyncadd.s32 $0xFFFFEC00;
	s7 =	sadd.s32 $0x100, s7  }
0x7f: {  	s12 =	smov.u32 s17;
	s17 =	sadd.s32 $0x500, s17;
	_ =	swait.ge [sflag:s26], $0x1400  }
0x80: {  	[sflag:s26] =	ssyncset.done $0x0  }
0x81: {  	[sflag:s26] =	ssyncadd.s32 $0xFFFFEC00  }
0x82: {  	[spmem:s1] =	stream.indirect.scatter.add.f32 [tilespmem:s25], [sflag:$0x3], $0x80, s7, s28, $0xb8;
	[tilespmem:$0x1E400] =	vst v63  }
0x83: {  	s13 =	sadd.s32 s12, s18  }
0x84: {  	[tilespmem:s29], [sflag:$0x2] =	stream.linear.gather [hbm4b:s13+s3], $0x1400, $0x38;
	[tilespmem:$0x1E400] =	vst v63  }
0x85: {  	_ =	swait.ge [sflag:s30], $0x1400  }
0x86: {  	[sflag:s30] =	ssyncset.done $0x0  }
0x87: {  	s12 =	sadd.s32 s12, s19;
	[sflag:s30] =	ssyncadd.s32 $0xFFFFEC00  }
0x88: {  	[tilespmem:s25], [sflag:$0x1] =	stream.linear.gather [hbm4b:s12+s3], $0x1400, $0x38;
	[tilespmem:$0x1E400] =	vst v63  }
0x89: {  	_ =	swait.ge [sflag:s31], $0x1400  }
.Ltmp1:
0x8a: {  	[sflag:s31] =	ssyncset.done $0x0;
	(pc) =	sbr.rel @p0 .LBB2_4-.Ltmp1, $4  }
0x8b: {  	s12 =	sadd.s32 $0x80, s7;
	[sflag:s31] =	ssyncadd.s32 $0xFFFFEC00  }
0x8c: {  	[spmem:s1] =	stream.indirect.scatter.add.f32 [tilespmem:s29], [sflag:$0x4], $0x80, s12, s28, $0xb8;
	[tilespmem:$0x1E400] =	vst v63  }
0x8d: {  	_ =	swait.ge [sflag:s0], $0x1400  }
0x8e: {  	[sflag:s0] =	ssyncset.done $0x0  }
0x8f: {  	[sflag:s0] =	ssyncadd.s32 $0xFFFFEC00  }
0x90: {  	_ =	swait.ge [sflag:s26], $0x1400  }
0x91: {  	[sflag:s26] =	ssyncset.done $0x0  }
0x92: {  	[sflag:s26] =	ssyncadd.s32 $0xFFFFEC00  }
0x93: {  	[spmem:s1] =	stream.indirect.scatter.add.f32 [tilespmem:s25], [sflag:$0x3], $0x80, s2, s28, $0xb8;
	[tilespmem:$0x1E400] =	vst v63  }
0x94: {  	s7 =	rddreg [dreg:$0xa]  }
0x95: {  	[tilespmem:s29], [sflag:$0x2] =	stream.linear.gather [hbm4b:s7+s3], $0x1400, $0x38;
	[tilespmem:$0x1E400] =	vst v63  }
0x96: {  	_ =	swait.ge [sflag:s30], $0x1400  }
0x97: {  	[sflag:s30] =	ssyncset.done $0x0  }
0x98: {  	[sflag:s30] =	ssyncadd.s32 $0xFFFFEC00  }
0x99: {  	_ =	swait.ge [sflag:s31], $0x1400  }
0x9a: {  	[sflag:s31] =	ssyncset.done $0x0  }
0x9b: {  	[sflag:s31] =	ssyncadd.s32 $0xFFFFEC00  }
0x9c: {  	[spmem:s1] =	stream.indirect.scatter.add.f32 [tilespmem:s29], [sflag:$0x4], $0x80, s5, s28, $0xb8;
	[tilespmem:$0x1E400] =	vst v63  }
0x9d: {  	_ =	swait.ge [sflag:s0], $0x1400  }
0x9e: {  	[sflag:s0] =	ssyncset.done $0x0  }
0x9f: {  	[sflag:s0] =	ssyncadd.s32 $0xFFFFEC00  }
0xa0: {  	[bflag:$0x0] =	sbarrier.arrive $0xFFFF  }
0xa1: {  	s13 =	rddreg [dreg:$0x7]  }
0xa2: {  	[hbm:s13@s24], [sflag:s8] =	dma.strided [spmem:s9@s23], $0x2780, s22, $0x10   }
0xa3: {  	_ =	swait.ge [sflag:s20], $0x2780  }
0xa4: {  	s6 =	sadd.s32 $0x1, s6;
	s17 =	rddreg [dreg:$0x8]  }
0xa5: {  	p0 =	sne.s32 s6, s17  }
.Ltmp2:
0xa6: {  	_ = 	snop;
	(pc) =	sbr.rel @p0 .LBB2_1-.Ltmp2, $3  }
0xa7: {  	[sflag:s20] =	ssyncset.done $0x0  }
0xa8: {  	[sflag:s20] =	ssyncadd.s32 $0xFFFFD880  }
0xa9: {  	[bflag:$0x0] =	sbarrier.arrive $0xFFFF;
	_ =	sdelay $0x1  }
0xaa: {  	_ =	sfence.sel $0x180000  }
0xab: {  	[bflag:$0x0] =	sbarrier.arrive $0xFFFF  }
0xac: {  	_ =	strace $0x90000050  }
0xad: {  	s0 =	stileid.u32;
	[bflag:$0x2] =	sbarrier.arrive $0xFFFF  }
0xae: {  	p0 =	sne.s32 s0, $0x0;
	s0 =	rddreg [dreg:$0x2]  }
0xaf: {  	s0 =	sadd.s32 @!p0 $0x100000, s0  }
0xb0: {  	[sflag:s0] =	ssyncadd.tile.s32 @!p0 $0x1;
	_ =	shalt  }
.Lfunc_end2:
_tile_overlayer_lowered:
.L_overlay_start_2:
0xb1: {  	(tag) =	ssettag $0x2  }
0xb2: {  	s0 =	rddreg [dreg:$0x0];
	s2 =	stileid.u32  }
0xb3: {  	s1 =	rddreg [dreg:$0x1];
	p0 =	sne.s32 s2, $0x0  }
0xb4: {  	s3 =	rddreg [dreg:$0x2];
	[bflag:$0x3] =	sbarrier.arrive $0xFFFF;
	s2 =	simm.s32 @!p0 $0x1C05  }
0xb5: {  	[timem:s3], [sflag:s2] =	dma.local @!p0 [hbm:s0], s1  }
0xb6: {  	s0 =	simm.s32 @!p0 $0x5  }
0xb7: {  	_ =	swait.ge @!p0 [sflag:s0], s1  }
0xb8: {  	s1 =	ssub.s32 @!p0 $0x0, s1;
	[sflag:s0] =	ssyncset.done @!p0 $0x0  }
0xb9: {  	[sflag:s0] =	ssyncadd.s32 @!p0 s1  }
0xba: {  	[bflag:$0x3] =	sbarrier.arrive $0xFFFF  }
0xbb: {  	_ =	shalt  }

</sc_bundles>
